<compile_context>
chip_gen: v7x
topology: tpu7x:2x2x1
jax: 0.10.2.dev20260603
libtpu: 0.0.44.dev20260713+nightly
codegen_flags: <defaults>
</compile_context>

<pallas_src>
import functools

import jax
import jax.numpy as jnp
from jax import lax
from jax.experimental import pallas as pl
from jax.experimental.pallas import tpu as pltpu
from jax.experimental.pallas import tpu_sc as plsc

_CH = 128
_NW = 32
_K = 1
_G = 3
_EDGE_QUANT = _NW * _CH * _K * _G


def _prop_partials(ha, hb, src2d, dst2d, zeros, ident):
    n_pad, f = ha.shape
    cpw = src2d.shape[0] // _NW
    nb = cpw // _K
    nr = n_pad // 16
    nri = nr // _CH
    npad_rows = (_G - 1) * _K
    two_in = hb is not None

    mesh = plsc.VectorSubcoreMesh(core_axis_name="c", subcore_axis_name="s")

    @functools.partial(
        pl.kernel,
        out_type=(
            jax.ShapeDtypeStruct((n_pad, f), jnp.float32),
            jax.ShapeDtypeStruct((n_pad, f), jnp.float32),
        ),
        mesh=mesh,
        scratch_types=[
            pltpu.VMEM((cpw + npad_rows, _CH), jnp.int32),
            pltpu.VMEM((cpw, _CH), jnp.int32),
            pltpu.VMEM((nri, _CH), jnp.int32),
            [[pltpu.VMEM((_CH, f), jnp.float32)] * _K] * _G,
            pltpu.VMEM_SHARED((n_pad, f), jnp.float32),
            pltpu.VMEM_SHARED((n_pad, f), jnp.float32),
            [pltpu.SemaphoreType.DMA] * _G,
            [pltpu.SemaphoreType.DMA] * _G,
        ],
        compiler_params=pltpu.CompilerParams(use_tc_tiling_on_sc=False),
    )
    def prop(ha_hbm, hb_hbm, src_hbm, dst_hbm, z_hbm, id_hbm, out0, out1,
             si_all, di_all, ii, groups, acc, h_spm, sg, ss):
        cid = lax.axis_index("c")
        sid = lax.axis_index("s")
        wid = sid * 2 + cid
        base = wid * cpw
        r0 = sid * nr

        pltpu.sync_copy(src_hbm.at[pl.ds(base, cpw)], si_all.at[pl.ds(0, cpw)])
        pltpu.sync_copy(src_hbm.at[pl.ds(0, npad_rows)],
                        si_all.at[pl.ds(cpw, npad_rows)])
        pltpu.sync_copy(dst_hbm.at[pl.ds(base, cpw)], di_all)

        def stage(dst_sh):
            pltpu.sync_copy(ha_hbm.at[pl.ds(r0, nr)], dst_sh.at[pl.ds(r0, nr)])
            if two_in:
                for c in range(nri):
                    pltpu.sync_copy(hb_hbm.at[pl.ds(r0 + c * _CH, _CH)],
                                    groups[0][0])
                    pltpu.sync_copy(groups[0][0], dst_sh.at[ii.at[c]],
                                    add=True)

        if two_in:
            pltpu.sync_copy(id_hbm.at[pl.ds(sid * nri, nri)], ii)
        stage(h_spm)

        @pl.when(cid == 0)
        def _():
            pltpu.sync_copy(ha_hbm.at[pl.ds(r0, nr)], acc.at[pl.ds(r0, nr)])

        @pl.when(cid == 1)
        def _():
            other = hb_hbm if two_in else z_hbm
            pltpu.sync_copy(other.at[pl.ds(r0, nr)], acc.at[pl.ds(r0, nr)])

        plsc.subcore_barrier()

        def gathers(b, g):
            for k in range(_K):
                pltpu.async_copy(h_spm.at[si_all.at[b * _K + k]],
                                 groups[g][k], sg[g])

        def wait_gathers(b, g):
            for k in range(_K):
                pltpu.make_async_copy(h_spm.at[si_all.at[b * _K + k]],
                                      groups[g][k], sg[g]).wait()

        def scatters(b, g):
            for k in range(_K):
                pltpu.async_copy(groups[g][k], acc.at[di_all.at[b * _K + k]],
                                 ss[g], add=True)

        def wait_scatters(b, g):
            for k in range(_K):
                pltpu.make_async_copy(groups[g][k],
                                      acc.at[di_all.at[b * _K + k]],
                                      ss[g]).wait()

        for g in range(_G - 1):
            gathers(g, g)

        @pl.loop(0, nb, step=_G)
        def _(b0):
            for i in range(_G):
                wait_gathers(b0 + i, i)
                gathers(b0 + i + _G - 1, (i - 1) % _G)
                scatters(b0 + i, i)
                wait_scatters(b0 + i, i)

        for g in range(_G - 1):
            wait_gathers(nb + g, g)
        plsc.subcore_barrier()

        @pl.when(cid == 0)
        def _():
            pltpu.sync_copy(acc.at[pl.ds(r0, nr)], out0.at[pl.ds(r0, nr)])

        @pl.when(cid == 1)
        def _():
            pltpu.sync_copy(acc.at[pl.ds(r0, nr)], out1.at[pl.ds(r0, nr)])

    hb_arg = hb if two_in else ha
    return prop(ha, hb_arg, src2d, dst2d, zeros, ident)


def _matmul_tc(x, w):
    n_pad = x.shape[0]
    f = w.shape[1]

    def body(x_ref, w_ref, o_ref):
        o_ref[...] = jnp.dot(x_ref[...], w_ref[...],
                             preferred_element_type=jnp.float32)

    return pl.pallas_call(
        body,
        out_shape=jax.ShapeDtypeStruct((n_pad, f), jnp.float32),
    )(x, w)


def _dense_tc(p0, p1, gamma, beta, w2, n):
    n_pad, f = p0.shape
    c = w2.shape[1]
    scale = 1.0507009873554804934193349852946
    alpha = 1.6732632423543772848170429916717

    def body(a_ref, b_ref, g_ref, be_ref, w_ref, o_ref):
        h2 = a_ref[...] + b_ref[...]
        rows = lax.broadcasted_iota(jnp.int32, (n_pad, 1), 0)
        mask = (rows < n).astype(jnp.float32)
        hm = h2 * mask
        mean = jnp.sum(hm, axis=0, keepdims=True) / n
        var = jnp.sum(hm * hm, axis=0, keepdims=True) / n - mean * mean
        xb = (h2 - mean) * lax.rsqrt(var + 1e-5) * g_ref[...] + be_ref[...]
        s = scale * jnp.where(xb > 0, xb, alpha * (jnp.exp(xb) - 1.0))
        o_ref[...] = jnp.dot(s, w_ref[...], preferred_element_type=jnp.float32)

    return pl.pallas_call(
        body,
        out_shape=jax.ShapeDtypeStruct((n_pad, c), jnp.float32),
    )(p0, p1, gamma.reshape(1, f), beta.reshape(1, f), w2)


def _final_tc(p0, p1, b2, n):
    c = p0.shape[1]

    def body(a_ref, b_ref, bias_ref, o_ref):
        y = a_ref[...] + b_ref[...] + bias_ref[...]
        y = y[:n]
        m = jnp.max(y, axis=1, keepdims=True)
        lse = jnp.log(jnp.sum(jnp.exp(y - m), axis=1, keepdims=True)) + m
        o_ref[...] = y - lse

    return pl.pallas_call(
        body,
        out_shape=jax.ShapeDtypeStruct((n, c), jnp.float32),
    )(p0, p1, b2.reshape(1, c))


def kernel(x, edge_index, W1, b1, gamma, beta, W2, b2):
    n, d = x.shape
    e = edge_index.shape[1]
    h_dim = W1.shape[1]
    c_dim = W2.shape[1]

    n_pad = ((n + 1 + 2047) // 2048) * 2048
    e_pad = -(-e // _EDGE_QUANT) * _EDGE_QUANT

    src = edge_index[0].astype(jnp.int32)
    dst = edge_index[1].astype(jnp.int32)
    pad_idx = jnp.full((e_pad - e,), n, jnp.int32)
    src_p = jnp.concatenate([src, pad_idx]).reshape(e_pad // _CH, _CH)
    dst_p = jnp.concatenate([dst, pad_idx]).reshape(e_pad // _CH, _CH)
    x_p = jnp.zeros((n_pad, d), jnp.float32).at[:n].set(x)

    z_h = jnp.zeros((n_pad, h_dim), jnp.float32)
    z_c = jnp.zeros((n_pad, c_dim), jnp.float32)
    ident = jnp.arange(n_pad, dtype=jnp.int32).reshape(n_pad // _CH, _CH)

    h0 = _matmul_tc(x_p, W1)
    a0, a1 = _prop_partials(h0, None, src_p, dst_p, z_h, ident)
    b0_, b1_ = _prop_partials(a0, a1, src_p, dst_p, z_h, ident)
    g = _dense_tc(b0_, b1_, gamma, beta, W2, n)
    c0_, c1_ = _prop_partials(g, None, src_p, dst_p, z_c, ident)
    return _final_tc(c0_, c1_, b2, n)

# --- scband reference (transcript-rebuilt; emitter-appended) ---
"""Pipeline reference for scband-node-classifier-16252156248630 (READ-ONLY COPY).

The authoritative reference and input builder live on the scoring server;
editing this copy changes nothing except your own understanding.
"""

import jax, jax.numpy as jnp
import numpy as np

N = 10000
E = 320000
D = 128
H = 64
C = 32
X_STEPS = 2


def setup_inputs(seed: int = 0) -> dict:
    key = jax.random.key(seed)
    k1, k2, k3, k4, k5 = jax.random.split(key, 5)
    x = jax.random.normal(k1, (N, D), dtype=jnp.float32)
    # edge_index with no self loops so that add_remaining_self_loops == append all self loops
    src = jax.random.randint(k2, (E,), 0, N)
    off = jax.random.randint(k3, (E,), 1, N)
    dst = (src + off) % N
    edge_index = jnp.stack([src, dst], axis=0)
    # learned parameters
    W1 = jax.random.normal(k4, (D, H), dtype=jnp.float32) * 0.05
    b1 = jnp.zeros((H,), dtype=jnp.float32)
    gamma = jnp.ones((H,), dtype=jnp.float32)
    beta = jnp.zeros((H,), dtype=jnp.float32)
    W2 = jax.random.normal(k5, (H, C), dtype=jnp.float32) * 0.05
    b2 = jnp.zeros((C,), dtype=jnp.float32)
    return {"x": x, "edge_index": edge_index, "W1": W1, "b1": b1,
            "gamma": gamma, "beta": beta, "W2": W2, "b2": b2}


def reference(x, edge_index, W1, b1, gamma, beta, W2, b2):
    src = edge_index[0]
    dst = edge_index[1]
    n = x.shape[0]

    def prop(h):
        # add-aggregation over edges (src -> dst) plus self loop contribution
        agg = jax.ops.segment_sum(h[src], dst, num_segments=n)
        return agg + h

    # conv1: KProp(steps=X_STEPS, add_self_loops=True) then Linear
    h = x
    for _ in range(X_STEPS):
        h = prop(h)
    h = h @ W1 + b1
    # BatchNorm (training-mode batch statistics, biased variance, eps=1e-5)
    mean = jnp.mean(h, axis=0)
    var = jnp.var(h, axis=0)
    h = (h - mean) / jnp.sqrt(var + 1e-5) * gamma + beta
    # selu activation, dropout p=0.0 is identity
    h = jax.nn.selu(h)
    # conv2: KProp(steps=1, add_self_loops=True) then Linear
    h = prop(h)
    h = h @ W2 + b2
    return jax.nn.log_softmax(h, axis=1)

if __name__ == "__main__":
    import jax
    _d = setup_inputs()
    print(jax.jit(kernel)(*tuple(_d.values())))

</pallas_src>

<mosaic_0001>
#map = affine_map<(d0, d1) -> (0, 0)>
module attributes {stable_mosaic.version = 14 : i64} {
  func.func @prop(%arg0: i32, %arg1: i32, %arg2: memref<10240x64xf32, #tpu.memory_space<hbm>>, %arg3: memref<10240x64xf32, #tpu.memory_space<hbm>>, %arg4: memref<2592x128xi32, #tpu.memory_space<hbm>>, %arg5: memref<2592x128xi32, #tpu.memory_space<hbm>>, %arg6: memref<10240x64xf32, #tpu.memory_space<hbm>>, %arg7: memref<80x128xi32, #tpu.memory_space<hbm>>, %arg8: memref<10240x64xf32, #tpu.memory_space<hbm>>, %arg9: memref<10240x64xf32, #tpu.memory_space<hbm>>, %arg10: memref<83x128xi32, #tpu.memory_space<vmem>>, %arg11: memref<81x128xi32, #tpu.memory_space<vmem>>, %arg12: memref<5x128xi32, #tpu.memory_space<vmem>>, %arg13: memref<128x64xf32, #tpu.memory_space<vmem>>, %arg14: memref<128x64xf32, #tpu.memory_space<vmem>>, %arg15: memref<128x64xf32, #tpu.memory_space<vmem>>, %arg16: memref<10240x64xf32, #tpu.memory_space<vmem_shared>>, %arg17: memref<10240x64xf32, #tpu.memory_space<vmem_shared>>, %arg18: memref<!tpu.dma_semaphore, #tpu.memory_space<semaphore_mem>>, %arg19: memref<!tpu.dma_semaphore, #tpu.memory_space<semaphore_mem>>, %arg20: memref<!tpu.dma_semaphore, #tpu.memory_space<semaphore_mem>>, %arg21: memref<!tpu.dma_semaphore, #tpu.memory_space<semaphore_mem>>, %arg22: memref<!tpu.dma_semaphore, #tpu.memory_space<semaphore_mem>>, %arg23: memref<!tpu.dma_semaphore, #tpu.memory_space<semaphore_mem>>) attributes {dimension_semantics = [#tpu.dimension_semantics<core_parallel>, #tpu.dimension_semantics<subcore_parallel>], iteration_bounds = array<i64: 2, 16>, scalar_prefetch = 0 : i64, scratch_operands = 14 : i64, tpu.core_type = #tpu.core_type<sc_vector_subcore>, window_params = [{transform_indices = #map}, {transform_indices = #map}, {transform_indices = #map}, {transform_indices = #map}, {transform_indices = #map}, {transform_indices = #map}, {transform_indices = #map}, {transform_indices = #map}]} {
    %mul3A = arith.constant 2 : i32
    %mul3A_0 = arith.muli %arg1, %mul3A : i32
    %add3A = arith.addi %mul3A_0, %arg0 : i32
    %mul3A_1 = arith.constant 81 : i32
    %mul3A_2 = arith.muli %add3A, %mul3A_1 : i32
    %mul3A_3 = arith.constant 640 : i32
    %mul3A_4 = arith.muli %arg1, %mul3A_3 : i32
    "tpu.region"() ({
      %run_scoped3A = tpu.sem_alloc : memref<!tpu.dma_semaphore, #tpu.memory_space<semaphore_mem>>
      %dma_start3A_53 = arith.constant 0 : i32
      %dma_start3A_54 = arith.constant 0 : i32
      %dma_start3A_55 = tpu.memref_slice %arg10[%dma_start3A_53, %dma_start3A_54] : memref<83x128xi32, #tpu.memory_space<vmem>> -> memref<81x128xi32, #tpu.memory_space<vmem>>
      %dma_start3A_56 = arith.constant 0 : i32
      %dma_start3A_57 = tpu.memref_slice %arg4[%mul3A_2, %dma_start3A_56] : memref<2592x128xi32, #tpu.memory_space<hbm>> -> memref<81x128xi32, #tpu.memory_space<hbm>>
      %dma_start3A_58 = arith.constant 0 : i32
      %dma_start3A_59 = arith.constant 0 : i32
      %dma_start3A_60 = tpu.memref_slice %arg10[%dma_start3A_58, %dma_start3A_59] : memref<83x128xi32, #tpu.memory_space<vmem>> -> memref<81x128xi32, #tpu.memory_space<vmem>>
      %dma_start3A_61 = arith.constant 0 : i32
      %dma_start3A_62 = tpu.memref_slice %arg4[%mul3A_2, %dma_start3A_61] : memref<2592x128xi32, #tpu.memory_space<hbm>> -> memref<81x128xi32, #tpu.memory_space<hbm>>
      tpu.enqueue_dma source(%dma_start3A_62 : memref<81x128xi32, #tpu.memory_space<hbm>>) target(%dma_start3A_60 : memref<81x128xi32, #tpu.memory_space<vmem>>) target_semaphore(%run_scoped3A : memref<!tpu.dma_semaphore, #tpu.memory_space<semaphore_mem>>)
      %dma_wait3A_63 = arith.constant 0 : i32
      %dma_wait3A_64 = arith.constant 0 : i32
      %dma_wait3A_65 = tpu.memref_slice %arg10[%dma_wait3A_63, %dma_wait3A_64] : memref<83x128xi32, #tpu.memory_space<vmem>> -> memref<81x128xi32, #tpu.memory_space<vmem>>
      %dma_wait3A_66 = arith.constant 0 : i32
      %dma_wait3A_67 = tpu.memref_slice %arg4[%mul3A_2, %dma_wait3A_66] : memref<2592x128xi32, #tpu.memory_space<hbm>> -> memref<81x128xi32, #tpu.memory_space<hbm>>
      %dma_wait3A_68 = arith.constant 0 : i32
      %dma_wait3A_69 = arith.constant 0 : i32
      %dma_wait3A_70 = tpu.memref_slice %arg10[%dma_wait3A_68, %dma_wait3A_69] : memref<83x128xi32, #tpu.memory_space<vmem>> -> memref<81x128xi32, #tpu.memory_space<vmem>>
      %dma_wait3A_71 = arith.constant 0 : i32
      %dma_wait3A_72 = tpu.memref_slice %arg4[%mul3A_2, %dma_wait3A_71] : memref<2592x128xi32, #tpu.memory_space<hbm>> -> memref<81x128xi32, #tpu.memory_space<hbm>>
      tpu.wait_dma2 semaphore(%run_scoped3A : memref<!tpu.dma_semaphore, #tpu.memory_space<semaphore_mem>>) src(%dma_wait3A_72 : memref<81x128xi32, #tpu.memory_space<hbm>>) dst(%dma_wait3A_70 : memref<81x128xi32, #tpu.memory_space<vmem>>)
      tpu.yield
    }) : () -> ()
    "tpu.region"() ({
      %run_scoped3A = tpu.sem_alloc : memref<!tpu.dma_semaphore, #tpu.memory_space<semaphore_mem>>
      %dma_start3A_53 = arith.constant 81 : i32
      %dma_start3A_54 = arith.constant 0 : i32
      %dma_start3A_55 = tpu.memref_slice %arg10[%dma_start3A_53, %dma_start3A_54] : memref<83x128xi32, #tpu.memory_space<vmem>> -> memref<2x128xi32, #tpu.memory_space<vmem>>
      %dma_start3A_56 = arith.constant 0 : i32
      %dma_start3A_57 = arith.constant 0 : i32
      %dma_start3A_58 = tpu.memref_slice %arg4[%dma_start3A_56, %dma_start3A_57] : memref<2592x128xi32, #tpu.memory_space<hbm>> -> memref<2x128xi32, #tpu.memory_space<hbm>>
      %dma_start3A_59 = arith.constant 81 : i32
      %dma_start3A_60 = arith.constant 0 : i32
      %dma_start3A_61 = tpu.memref_slice %arg10[%dma_start3A_59, %dma_start3A_60] : memref<83x128xi32, #tpu.memory_space<vmem>> -> memref<2x128xi32, #tpu.memory_space<vmem>>
      %dma_start3A_62 = arith.constant 0 : i32
      %dma_start3A_63 = arith.constant 0 : i32
      %dma_start3A_64 = tpu.memref_slice %arg4[%dma_start3A_62, %dma_start3A_63] : memref<2592x128xi32, #tpu.memory_space<hbm>> -> memref<2x128xi32, #tpu.memory_space<hbm>>
      tpu.enqueue_dma source(%dma_start3A_64 : memref<2x128xi32, #tpu.memory_space<hbm>>) target(%dma_start3A_61 : memref<2x128xi32, #tpu.memory_space<vmem>>) target_semaphore(%run_scoped3A : memref<!tpu.dma_semaphore, #tpu.memory_space<semaphore_mem>>)
      %dma_wait3A_65 = arith.constant 81 : i32
      %dma_wait3A_66 = arith.constant 0 : i32
      %dma_wait3A_67 = tpu.memref_slice %arg10[%dma_wait3A_65, %dma_wait3A_66] : memref<83x128xi32, #tpu.memory_space<vmem>> -> memref<2x128xi32, #tpu.memory_space<vmem>>
      %dma_wait3A_68 = arith.constant 0 : i32
      %dma_wait3A_69 = arith.constant 0 : i32
      %dma_wait3A_70 = tpu.memref_slice %arg4[%dma_wait3A_68, %dma_wait3A_69] : memref<2592x128xi32, #tpu.memory_space<hbm>> -> memref<2x128xi32, #tpu.memory_space<hbm>>
      %dma_wait3A_71 = arith.constant 81 : i32
      %dma_wait3A_72 = arith.constant 0 : i32
      %dma_wait3A_73 = tpu.memref_slice %arg10[%dma_wait3A_71, %dma_wait3A_72] : memref<83x128xi32, #tpu.memory_space<vmem>> -> memref<2x128xi32, #tpu.memory_space<vmem>>
      %dma_wait3A_74 = arith.constant 0 : i32
      %dma_wait3A_75 = arith.constant 0 : i32
      %dma_wait3A_76 = tpu.memref_slice %arg4[%dma_wait3A_74, %dma_wait3A_75] : memref<2592x128xi32, #tpu.memory_space<hbm>> -> memref<2x128xi32, #tpu.memory_space<hbm>>
      tpu.wait_dma2 semaphore(%run_scoped3A : memref<!tpu.dma_semaphore, #tpu.memory_space<semaphore_mem>>) src(%dma_wait3A_76 : memref<2x128xi32, #tpu.memory_space<hbm>>) dst(%dma_wait3A_73 : memref<2x128xi32, #tpu.memory_space<vmem>>)
      tpu.yield
    }) : () -> ()
    "tpu.region"() ({
      %run_scoped3A = tpu.sem_alloc : memref<!tpu.dma_semaphore, #tpu.memory_space<semaphore_mem>>
      %dma_start3A_53 = arith.constant 0 : i32
      %dma_start3A_54 = tpu.memref_slice %arg5[%mul3A_2, %dma_start3A_53] : memref<2592x128xi32, #tpu.memory_space<hbm>> -> memref<81x128xi32, #tpu.memory_space<hbm>>
      %dma_start3A_55 = arith.constant 0 : i32
      %dma_start3A_56 = tpu.memref_slice %arg5[%mul3A_2, %dma_start3A_55] : memref<2592x128xi32, #tpu.memory_space<hbm>> -> memref<81x128xi32, #tpu.memory_space<hbm>>
      tpu.enqueue_dma source(%dma_start3A_56 : memref<81x128xi32, #tpu.memory_space<hbm>>) target(%arg11 : memref<81x128xi32, #tpu.memory_space<vmem>>) target_semaphore(%run_scoped3A : memref<!tpu.dma_semaphore, #tpu.memory_space<semaphore_mem>>)
      %dma_wait3A_57 = arith.constant 0 : i32
      %dma_wait3A_58 = tpu.memref_slice %arg5[%mul3A_2, %dma_wait3A_57] : memref<2592x128xi32, #tpu.memory_space<hbm>> -> memref<81x128xi32, #tpu.memory_space<hbm>>
      %dma_wait3A_59 = arith.constant 0 : i32
      %dma_wait3A_60 = tpu.memref_slice %arg5[%mul3A_2, %dma_wait3A_59] : memref<2592x128xi32, #tpu.memory_space<hbm>> -> memref<81x128xi32, #tpu.memory_space<hbm>>
      tpu.wait_dma2 semaphore(%run_scoped3A : memref<!tpu.dma_semaphore, #tpu.memory_space<semaphore_mem>>) src(%dma_wait3A_60 : memref<81x128xi32, #tpu.memory_space<hbm>>) dst(%arg11 : memref<81x128xi32, #tpu.memory_space<vmem>>)
      tpu.yield
    }) : () -> ()
    "tpu.region"() ({
      %run_scoped3A = tpu.sem_alloc : memref<!tpu.dma_semaphore, #tpu.memory_space<semaphore_mem>>
      %dma_start3A_53 = arith.constant 0 : i32
      %dma_start3A_54 = tpu.memref_slice %arg17[%mul3A_4, %dma_start3A_53] : memref<10240x64xf32, #tpu.memory_space<vmem_shared>> -> memref<640x64xf32, #tpu.memory_space<vmem_shared>>
      %dma_start3A_55 = arith.constant 0 : i32
      %dma_start3A_56 = tpu.memref_slice %arg2[%mul3A_4, %dma_start3A_55] : memref<10240x64xf32, #tpu.memory_space<hbm>> -> memref<640x64xf32, #tpu.memory_space<hbm>>
      tpu.enqueue_dma source(%dma_start3A_56 : memref<640x64xf32, #tpu.memory_space<hbm>>) target(%dma_start3A_54 : memref<640x64xf32, #tpu.memory_space<vmem_shared>>) target_semaphore(%run_scoped3A : memref<!tpu.dma_semaphore, #tpu.memory_space<semaphore_mem>>)
      %dma_wait3A_57 = arith.constant 0 : i32
      %dma_wait3A_58 = tpu.memref_slice %arg17[%mul3A_4, %dma_wait3A_57] : memref<10240x64xf32, #tpu.memory_space<vmem_shared>> -> memref<640x64xf32, #tpu.memory_space<vmem_shared>>
      %dma_wait3A_59 = arith.constant 0 : i32
      %dma_wait3A_60 = tpu.memref_slice %arg2[%mul3A_4, %dma_wait3A_59] : memref<10240x64xf32, #tpu.memory_space<hbm>> -> memref<640x64xf32, #tpu.memory_space<hbm>>
      tpu.wait_dma2 semaphore(%run_scoped3A : memref<!tpu.dma_semaphore, #tpu.memory_space<semaphore_mem>>) src(%dma_wait3A_60 : memref<640x64xf32, #tpu.memory_space<hbm>>) dst(%dma_wait3A_58 : memref<640x64xf32, #tpu.memory_space<vmem_shared>>)
      tpu.yield
    }) : () -> ()
    %eq3A = arith.constant 0 : i32
    %eq3A_5 = arith.cmpi eq, %arg0, %eq3A : i32
    %convert_element_type3A = arith.extui %eq3A_5 : i1 to i32
    %cond3A = arith.constant 0 : i32
    %cond3A_6 = arith.cmpi ne, %convert_element_type3A, %cond3A : i32
    scf.if %cond3A_6 {
      "tpu.region"() ({
        %run_scoped3A = tpu.sem_alloc : memref<!tpu.dma_semaphore, #tpu.memory_space<semaphore_mem>>
        %dma_start3A_53 = arith.constant 0 : i32
        %dma_start3A_54 = tpu.memref_slice %arg16[%mul3A_4, %dma_start3A_53] : memref<10240x64xf32, #tpu.memory_space<vmem_shared>> -> memref<640x64xf32, #tpu.memory_space<vmem_shared>>
        %dma_start3A_55 = arith.constant 0 : i32
        %dma_start3A_56 = tpu.memref_slice %arg2[%mul3A_4, %dma_start3A_55] : memref<10240x64xf32, #tpu.memory_space<hbm>> -> memref<640x64xf32, #tpu.memory_space<hbm>>
        tpu.enqueue_dma source(%dma_start3A_56 : memref<640x64xf32, #tpu.memory_space<hbm>>) target(%dma_start3A_54 : memref<640x64xf32, #tpu.memory_space<vmem_shared>>) target_semaphore(%run_scoped3A : memref<!tpu.dma_semaphore, #tpu.memory_space<semaphore_mem>>)
        %dma_wait3A_57 = arith.constant 0 : i32
        %dma_wait3A_58 = tpu.memref_slice %arg16[%mul3A_4, %dma_wait3A_57] : memref<10240x64xf32, #tpu.memory_space<vmem_shared>> -> memref<640x64xf32, #tpu.memory_space<vmem_shared>>
        %dma_wait3A_59 = arith.constant 0 : i32
        %dma_wait3A_60 = tpu.memref_slice %arg2[%mul3A_4, %dma_wait3A_59] : memref<10240x64xf32, #tpu.memory_space<hbm>> -> memref<640x64xf32, #tpu.memory_space<hbm>>
        tpu.wait_dma2 semaphore(%run_scoped3A : memref<!tpu.dma_semaphore, #tpu.memory_space<semaphore_mem>>) src(%dma_wait3A_60 : memref<640x64xf32, #tpu.memory_space<hbm>>) dst(%dma_wait3A_58 : memref<640x64xf32, #tpu.memory_space<vmem_shared>>)
        tpu.yield
      }) : () -> ()
    } else {
    }
    %eq3A_7 = arith.constant 1 : i32
    %eq3A_8 = arith.cmpi eq, %arg0, %eq3A_7 : i32
    %convert_element_type3A_9 = arith.extui %eq3A_8 : i1 to i32
    %cond3A_10 = arith.constant 0 : i32
    %cond3A_11 = arith.cmpi ne, %convert_element_type3A_9, %cond3A_10 : i32
    scf.if %cond3A_11 {
      "tpu.region"() ({
        %run_scoped3A = tpu.sem_alloc : memref<!tpu.dma_semaphore, #tpu.memory_space<semaphore_mem>>
        %dma_start3A_53 = arith.constant 0 : i32
        %dma_start3A_54 = tpu.memref_slice %arg16[%mul3A_4, %dma_start3A_53] : memref<10240x64xf32, #tpu.memory_space<vmem_shared>> -> memref<640x64xf32, #tpu.memory_space<vmem_shared>>
        %dma_start3A_55 = arith.constant 0 : i32
        %dma_start3A_56 = tpu.memref_slice %arg6[%mul3A_4, %dma_start3A_55] : memref<10240x64xf32, #tpu.memory_space<hbm>> -> memref<640x64xf32, #tpu.memory_space<hbm>>
        tpu.enqueue_dma source(%dma_start3A_56 : memref<640x64xf32, #tpu.memory_space<hbm>>) target(%dma_start3A_54 : memref<640x64xf32, #tpu.memory_space<vmem_shared>>) target_semaphore(%run_scoped3A : memref<!tpu.dma_semaphore, #tpu.memory_space<semaphore_mem>>)
        %dma_wait3A_57 = arith.constant 0 : i32
        %dma_wait3A_58 = tpu.memref_slice %arg16[%mul3A_4, %dma_wait3A_57] : memref<10240x64xf32, #tpu.memory_space<vmem_shared>> -> memref<640x64xf32, #tpu.memory_space<vmem_shared>>
        %dma_wait3A_59 = arith.constant 0 : i32
        %dma_wait3A_60 = tpu.memref_slice %arg6[%mul3A_4, %dma_wait3A_59] : memref<10240x64xf32, #tpu.memory_space<hbm>> -> memref<640x64xf32, #tpu.memory_space<hbm>>
        tpu.wait_dma2 semaphore(%run_scoped3A : memref<!tpu.dma_semaphore, #tpu.memory_space<semaphore_mem>>) src(%dma_wait3A_60 : memref<640x64xf32, #tpu.memory_space<hbm>>) dst(%dma_wait3A_58 : memref<640x64xf32, #tpu.memory_space<vmem_shared>>)
        tpu.yield
      }) : () -> ()
    } else {
    }
    %barrier3A = arith.constant 0 : index
    tpu.barrier barrier_id(%barrier3A)
    %dma_start3A = arith.constant 0 : i32
    %dma_start3A_12 = arith.constant 0 : i32
    %dma_start3A_13 = tpu.memref_slice %arg10[%dma_start3A, %dma_start3A_12] : memref<83x128xi32, #tpu.memory_space<vmem>> -> memref<1x128xi32, #tpu.memory_space<vmem>>
    %dma_start3A_14 = tpu.memref_squeeze %dma_start3A_13 : memref<1x128xi32, #tpu.memory_space<vmem>> -> memref<128xi32, #tpu.memory_space<vmem>>
    %dma_start3A_15 = arith.constant 0 : i32
    %dma_start3A_16 = arith.constant 0 : i32
    %dma_start3A_17 = tpu.memref_slice %arg17[%dma_start3A_15, %dma_start3A_16] : memref<10240x64xf32, #tpu.memory_space<vmem_shared>> -> memref<10240x64xf32, #tpu.memory_space<vmem_shared>>
    tpu.enqueue_indirect_dma source(%dma_start3A_17 : memref<10240x64xf32, #tpu.memory_space<vmem_shared>>) target(%arg13 : memref<128x64xf32, #tpu.memory_space<vmem>>) offsets(%dma_start3A_14 : memref<128xi32, #tpu.memory_space<vmem>>) semaphore(%arg18 : memref<!tpu.dma_semaphore, #tpu.memory_space<semaphore_mem>>)
    %dma_start3A_18 = arith.constant 1 : i32
    %dma_start3A_19 = arith.constant 0 : i32
    %dma_start3A_20 = tpu.memref_slice %arg10[%dma_start3A_18, %dma_start3A_19] : memref<83x128xi32, #tpu.memory_space<vmem>> -> memref<1x128xi32, #tpu.memory_space<vmem>>
    %dma_start3A_21 = tpu.memref_squeeze %dma_start3A_20 : memref<1x128xi32, #tpu.memory_space<vmem>> -> memref<128xi32, #tpu.memory_space<vmem>>
    %dma_start3A_22 = arith.constant 0 : i32
    %dma_start3A_23 = arith.constant 0 : i32
    %dma_start3A_24 = tpu.memref_slice %arg17[%dma_start3A_22, %dma_start3A_23] : memref<10240x64xf32, #tpu.memory_space<vmem_shared>> -> memref<10240x64xf32, #tpu.memory_space<vmem_shared>>
    tpu.enqueue_indirect_dma source(%dma_start3A_24 : memref<10240x64xf32, #tpu.memory_space<vmem_shared>>) target(%arg14 : memref<128x64xf32, #tpu.memory_space<vmem>>) offsets(%dma_start3A_21 : memref<128xi32, #tpu.memory_space<vmem>>) semaphore(%arg19 : memref<!tpu.dma_semaphore, #tpu.memory_space<semaphore_mem>>)
    %scan3A = arith.constant 0 : i32
    %scan3A_25 = arith.constant 27 : i32
    %scan3A_26 = arith.addi %scan3A, %scan3A_25 : i32
    %scan3A_27 = arith.constant 1 : i32
    scf.for %scan3A_53 = %scan3A to %scan3A_26 step %scan3A_27  : i32 {
      %mul3A_54 = arith.constant 3 : i32
      %mul3A_55 = arith.muli %scan3A_53, %mul3A_54 : i32
      %add3A_56 = arith.constant 0 : i32
      %add3A_57 = arith.addi %add3A_56, %mul3A_55 : i32
      %add3A_58 = arith.constant 0 : i32
      %add3A_59 = arith.addi %add3A_57, %add3A_58 : i32
      %mul3A_60 = arith.constant 1 : i32
      %mul3A_61 = arith.muli %add3A_59, %mul3A_60 : i32
      %add3A_62 = arith.constant 0 : i32
      %add3A_63 = arith.addi %mul3A_61, %add3A_62 : i32
      %dma_wait3A_64 = arith.constant 0 : i32
      %dma_wait3A_65 = tpu.memref_slice %arg10[%add3A_63, %dma_wait3A_64] : memref<83x128xi32, #tpu.memory_space<vmem>> -> memref<1x128xi32, #tpu.memory_space<vmem>>
      %dma_wait3A_66 = tpu.memref_squeeze %dma_wait3A_65 : memref<1x128xi32, #tpu.memory_space<vmem>> -> memref<128xi32, #tpu.memory_space<vmem>>
      %dma_wait3A_67 = arith.constant 0 : i32
      %dma_wait3A_68 = arith.constant 0 : i32
      %dma_wait3A_69 = tpu.memref_slice %arg17[%dma_wait3A_67, %dma_wait3A_68] : memref<10240x64xf32, #tpu.memory_space<vmem_shared>> -> memref<10240x64xf32, #tpu.memory_space<vmem_shared>>
      tpu.wait_indirect_dma semaphore(%arg18 : memref<!tpu.dma_semaphore, #tpu.memory_space<semaphore_mem>>) src(%dma_wait3A_69 : memref<10240x64xf32, #tpu.memory_space<vmem_shared>>) dst(%arg13 : memref<128x64xf32, #tpu.memory_space<vmem>>)
      %add3A_70 = arith.constant 0 : i32
      %add3A_71 = arith.addi %add3A_57, %add3A_70 : i32
      %add3A_72 = arith.constant 3 : i32
      %add3A_73 = arith.addi %add3A_71, %add3A_72 : i32
      %sub3A = arith.constant 1 : i32
      %sub3A_74 = arith.subi %add3A_73, %sub3A : i32
      %mul3A_75 = arith.constant 1 : i32
      %mul3A_76 = arith.muli %sub3A_74, %mul3A_75 : i32
      %add3A_77 = arith.constant 0 : i32
      %add3A_78 = arith.addi %mul3A_76, %add3A_77 : i32
      %dma_start3A_79 = arith.constant 0 : i32
      %dma_start3A_80 = tpu.memref_slice %arg10[%add3A_78, %dma_start3A_79] : memref<83x128xi32, #tpu.memory_space<vmem>> -> memref<1x128xi32, #tpu.memory_space<vmem>>
      %dma_start3A_81 = tpu.memref_squeeze %dma_start3A_80 : memref<1x128xi32, #tpu.memory_space<vmem>> -> memref<128xi32, #tpu.memory_space<vmem>>
      %dma_start3A_82 = arith.constant 0 : i32
      %dma_start3A_83 = arith.constant 0 : i32
      %dma_start3A_84 = tpu.memref_slice %arg17[%dma_start3A_82, %dma_start3A_83] : memref<10240x64xf32, #tpu.memory_space<vmem_shared>> -> memref<10240x64xf32, #tpu.memory_space<vmem_shared>>
      tpu.enqueue_indirect_dma source(%dma_start3A_84 : memref<10240x64xf32, #tpu.memory_space<vmem_shared>>) target(%arg15 : memref<128x64xf32, #tpu.memory_space<vmem>>) offsets(%dma_start3A_81 : memref<128xi32, #tpu.memory_space<vmem>>) semaphore(%arg20 : memref<!tpu.dma_semaphore, #tpu.memory_space<semaphore_mem>>)
      %add3A_85 = arith.constant 0 : i32
      %add3A_86 = arith.addi %add3A_57, %add3A_85 : i32
      %mul3A_87 = arith.constant 1 : i32
      %mul3A_88 = arith.muli %add3A_86, %mul3A_87 : i32
      %add3A_89 = arith.constant 0 : i32
      %add3A_90 = arith.addi %mul3A_88, %add3A_89 : i32
      %dma_start3A_91 = arith.constant 0 : i32
      %dma_start3A_92 = tpu.memref_slice %arg11[%add3A_90, %dma_start3A_91] : memref<81x128xi32, #tpu.memory_space<vmem>> -> memref<1x128xi32, #tpu.memory_space<vmem>>
      %dma_start3A_93 = tpu.memref_squeeze %dma_start3A_92 : memref<1x128xi32, #tpu.memory_space<vmem>> -> memref<128xi32, #tpu.memory_space<vmem>>
      %dma_start3A_94 = arith.constant 0 : i32
      %dma_start3A_95 = arith.constant 0 : i32
      %dma_start3A_96 = tpu.memref_slice %arg16[%dma_start3A_94, %dma_start3A_95] : memref<10240x64xf32, #tpu.memory_space<vmem_shared>> -> memref<10240x64xf32, #tpu.memory_space<vmem_shared>>
      tpu.enqueue_indirect_dma source(%arg13 : memref<128x64xf32, #tpu.memory_space<vmem>>) target(%dma_start3A_96 : memref<10240x64xf32, #tpu.memory_space<vmem_shared>>) offsets(%dma_start3A_93 : memref<128xi32, #tpu.memory_space<vmem>>) semaphore(%arg21 : memref<!tpu.dma_semaphore, #tpu.memory_space<semaphore_mem>>) {add = true}
      %add3A_97 = arith.constant 0 : i32
      %add3A_98 = arith.addi %add3A_57, %add3A_97 : i32
      %mul3A_99 = arith.constant 1 : i32
      %mul3A_100 = arith.muli %add3A_98, %mul3A_99 : i32
      %add3A_101 = arith.constant 0 : i32
      %add3A_102 = arith.addi %mul3A_100, %add3A_101 : i32
      %dma_wait3A_103 = arith.constant 0 : i32
      %dma_wait3A_104 = tpu.memref_slice %arg11[%add3A_102, %dma_wait3A_103] : memref<81x128xi32, #tpu.memory_space<vmem>> -> memref<1x128xi32, #tpu.memory_space<vmem>>
      %dma_wait3A_105 = tpu.memref_squeeze %dma_wait3A_104 : memref<1x128xi32, #tpu.memory_space<vmem>> -> memref<128xi32, #tpu.memory_space<vmem>>
      %dma_wait3A_106 = arith.constant 0 : i32
      %dma_wait3A_107 = arith.constant 0 : i32
      %dma_wait3A_108 = tpu.memref_slice %arg16[%dma_wait3A_106, %dma_wait3A_107] : memref<10240x64xf32, #tpu.memory_space<vmem_shared>> -> memref<10240x64xf32, #tpu.memory_space<vmem_shared>>
      tpu.wait_indirect_dma semaphore(%arg21 : memref<!tpu.dma_semaphore, #tpu.memory_space<semaphore_mem>>) src(%arg13 : memref<128x64xf32, #tpu.memory_space<vmem>>) dst(%dma_wait3A_108 : memref<10240x64xf32, #tpu.memory_space<vmem_shared>>)
      %add3A_109 = arith.constant 1 : i32
      %add3A_110 = arith.addi %add3A_57, %add3A_109 : i32
      %mul3A_111 = arith.constant 1 : i32
      %mul3A_112 = arith.muli %add3A_110, %mul3A_111 : i32
      %add3A_113 = arith.constant 0 : i32
      %add3A_114 = arith.addi %mul3A_112, %add3A_113 : i32
      %dma_wait3A_115 = arith.constant 0 : i32
      %dma_wait3A_116 = tpu.memref_slice %arg10[%add3A_114, %dma_wait3A_115] : memref<83x128xi32, #tpu.memory_space<vmem>> -> memref<1x128xi32, #tpu.memory_space<vmem>>
      %dma_wait3A_117 = tpu.memref_squeeze %dma_wait3A_116 : memref<1x128xi32, #tpu.memory_space<vmem>> -> memref<128xi32, #tpu.memory_space<vmem>>
      %dma_wait3A_118 = arith.constant 0 : i32
      %dma_wait3A_119 = arith.constant 0 : i32
      %dma_wait3A_120 = tpu.memref_slice %arg17[%dma_wait3A_118, %dma_wait3A_119] : memref<10240x64xf32, #tpu.memory_space<vmem_shared>> -> memref<10240x64xf32, #tpu.memory_space<vmem_shared>>
      tpu.wait_indirect_dma semaphore(%arg19 : memref<!tpu.dma_semaphore, #tpu.memory_space<semaphore_mem>>) src(%dma_wait3A_120 : memref<10240x64xf32, #tpu.memory_space<vmem_shared>>) dst(%arg14 : memref<128x64xf32, #tpu.memory_space<vmem>>)
      %add3A_121 = arith.constant 1 : i32
      %add3A_122 = arith.addi %add3A_57, %add3A_121 : i32
      %add3A_123 = arith.constant 3 : i32
      %add3A_124 = arith.addi %add3A_122, %add3A_123 : i32
      %sub3A_125 = arith.constant 1 : i32
      %sub3A_126 = arith.subi %add3A_124, %sub3A_125 : i32
      %mul3A_127 = arith.constant 1 : i32
      %mul3A_128 = arith.muli %sub3A_126, %mul3A_127 : i32
      %add3A_129 = arith.constant 0 : i32
      %add3A_130 = arith.addi %mul3A_128, %add3A_129 : i32
      %dma_start3A_131 = arith.constant 0 : i32
      %dma_start3A_132 = tpu.memref_slice %arg10[%add3A_130, %dma_start3A_131] : memref<83x128xi32, #tpu.memory_space<vmem>> -> memref<1x128xi32, #tpu.memory_space<vmem>>
      %dma_start3A_133 = tpu.memref_squeeze %dma_start3A_132 : memref<1x128xi32, #tpu.memory_space<vmem>> -> memref<128xi32, #tpu.memory_space<vmem>>
      %dma_start3A_134 = arith.constant 0 : i32
      %dma_start3A_135 = arith.constant 0 : i32
      %dma_start3A_136 = tpu.memref_slice %arg17[%dma_start3A_134, %dma_start3A_135] : memref<10240x64xf32, #tpu.memory_space<vmem_shared>> -> memref<10240x64xf32, #tpu.memory_space<vmem_shared>>
      tpu.enqueue_indirect_dma source(%dma_start3A_136 : memref<10240x64xf32, #tpu.memory_space<vmem_shared>>) target(%arg13 : memref<128x64xf32, #tpu.memory_space<vmem>>) offsets(%dma_start3A_133 : memref<128xi32, #tpu.memory_space<vmem>>) semaphore(%arg18 : memref<!tpu.dma_semaphore, #tpu.memory_space<semaphore_mem>>)
      %add3A_137 = arith.constant 1 : i32
      %add3A_138 = arith.addi %add3A_57, %add3A_137 : i32
      %mul3A_139 = arith.constant 1 : i32
      %mul3A_140 = arith.muli %add3A_138, %mul3A_139 : i32
      %add3A_141 = arith.constant 0 : i32
      %add3A_142 = arith.addi %mul3A_140, %add3A_141 : i32
      %dma_start3A_143 = arith.constant 0 : i32
      %dma_start3A_144 = tpu.memref_slice %arg11[%add3A_142, %dma_start3A_143] : memref<81x128xi32, #tpu.memory_space<vmem>> -> memref<1x128xi32, #tpu.memory_space<vmem>>
      %dma_start3A_145 = tpu.memref_squeeze %dma_start3A_144 : memref<1x128xi32, #tpu.memory_space<vmem>> -> memref<128xi32, #tpu.memory_space<vmem>>
      %dma_start3A_146 = arith.constant 0 : i32
      %dma_start3A_147 = arith.constant 0 : i32
      %dma_start3A_148 = tpu.memref_slice %arg16[%dma_start3A_146, %dma_start3A_147] : memref<10240x64xf32, #tpu.memory_space<vmem_shared>> -> memref<10240x64xf32, #tpu.memory_space<vmem_shared>>
      tpu.enqueue_indirect_dma source(%arg14 : memref<128x64xf32, #tpu.memory_space<vmem>>) target(%dma_start3A_148 : memref<10240x64xf32, #tpu.memory_space<vmem_shared>>) offsets(%dma_start3A_145 : memref<128xi32, #tpu.memory_space<vmem>>) semaphore(%arg22 : memref<!tpu.dma_semaphore, #tpu.memory_space<semaphore_mem>>) {add = true}
      %add3A_149 = arith.constant 1 : i32
      %add3A_150 = arith.addi %add3A_57, %add3A_149 : i32
      %mul3A_151 = arith.constant 1 : i32
      %mul3A_152 = arith.muli %add3A_150, %mul3A_151 : i32
      %add3A_153 = arith.constant 0 : i32
      %add3A_154 = arith.addi %mul3A_152, %add3A_153 : i32
      %dma_wait3A_155 = arith.constant 0 : i32
      %dma_wait3A_156 = tpu.memref_slice %arg11[%add3A_154, %dma_wait3A_155] : memref<81x128xi32, #tpu.memory_space<vmem>> -> memref<1x128xi32, #tpu.memory_space<vmem>>
      %dma_wait3A_157 = tpu.memref_squeeze %dma_wait3A_156 : memref<1x128xi32, #tpu.memory_space<vmem>> -> memref<128xi32, #tpu.memory_space<vmem>>
      %dma_wait3A_158 = arith.constant 0 : i32
      %dma_wait3A_159 = arith.constant 0 : i32
      %dma_wait3A_160 = tpu.memref_slice %arg16[%dma_wait3A_158, %dma_wait3A_159] : memref<10240x64xf32, #tpu.memory_space<vmem_shared>> -> memref<10240x64xf32, #tpu.memory_space<vmem_shared>>
      tpu.wait_indirect_dma semaphore(%arg22 : memref<!tpu.dma_semaphore, #tpu.memory_space<semaphore_mem>>) src(%arg14 : memref<128x64xf32, #tpu.memory_space<vmem>>) dst(%dma_wait3A_160 : memref<10240x64xf32, #tpu.memory_space<vmem_shared>>)
      %add3A_161 = arith.constant 2 : i32
      %add3A_162 = arith.addi %add3A_57, %add3A_161 : i32
      %mul3A_163 = arith.constant 1 : i32
      %mul3A_164 = arith.muli %add3A_162, %mul3A_163 : i32
      %add3A_165 = arith.constant 0 : i32
      %add3A_166 = arith.addi %mul3A_164, %add3A_165 : i32
      %dma_wait3A_167 = arith.constant 0 : i32
      %dma_wait3A_168 = tpu.memref_slice %arg10[%add3A_166, %dma_wait3A_167] : memref<83x128xi32, #tpu.memory_space<vmem>> -> memref<1x128xi32, #tpu.memory_space<vmem>>
      %dma_wait3A_169 = tpu.memref_squeeze %dma_wait3A_168 : memref<1x128xi32, #tpu.memory_space<vmem>> -> memref<128xi32, #tpu.memory_space<vmem>>
      %dma_wait3A_170 = arith.constant 0 : i32
      %dma_wait3A_171 = arith.constant 0 : i32
      %dma_wait3A_172 = tpu.memref_slice %arg17[%dma_wait3A_170, %dma_wait3A_171] : memref<10240x64xf32, #tpu.memory_space<vmem_shared>> -> memref<10240x64xf32, #tpu.memory_space<vmem_shared>>
      tpu.wait_indirect_dma semaphore(%arg20 : memref<!tpu.dma_semaphore, #tpu.memory_space<semaphore_mem>>) src(%dma_wait3A_172 : memref<10240x64xf32, #tpu.memory_space<vmem_shared>>) dst(%arg15 : memref<128x64xf32, #tpu.memory_space<vmem>>)
      %add3A_173 = arith.constant 2 : i32
      %add3A_174 = arith.addi %add3A_57, %add3A_173 : i32
      %add3A_175 = arith.constant 3 : i32
      %add3A_176 = arith.addi %add3A_174, %add3A_175 : i32
      %sub3A_177 = arith.constant 1 : i32
      %sub3A_178 = arith.subi %add3A_176, %sub3A_177 : i32
      %mul3A_179 = arith.constant 1 : i32
      %mul3A_180 = arith.muli %sub3A_178, %mul3A_179 : i32
      %add3A_181 = arith.constant 0 : i32
      %add3A_182 = arith.addi %mul3A_180, %add3A_181 : i32
      %dma_start3A_183 = arith.constant 0 : i32
      %dma_start3A_184 = tpu.memref_slice %arg10[%add3A_182, %dma_start3A_183] : memref<83x128xi32, #tpu.memory_space<vmem>> -> memref<1x128xi32, #tpu.memory_space<vmem>>
      %dma_start3A_185 = tpu.memref_squeeze %dma_start3A_184 : memref<1x128xi32, #tpu.memory_space<vmem>> -> memref<128xi32, #tpu.memory_space<vmem>>
      %dma_start3A_186 = arith.constant 0 : i32
      %dma_start3A_187 = arith.constant 0 : i32
      %dma_start3A_188 = tpu.memref_slice %arg17[%dma_start3A_186, %dma_start3A_187] : memref<10240x64xf32, #tpu.memory_space<vmem_shared>> -> memref<10240x64xf32, #tpu.memory_space<vmem_shared>>
      tpu.enqueue_indirect_dma source(%dma_start3A_188 : memref<10240x64xf32, #tpu.memory_space<vmem_shared>>) target(%arg14 : memref<128x64xf32, #tpu.memory_space<vmem>>) offsets(%dma_start3A_185 : memref<128xi32, #tpu.memory_space<vmem>>) semaphore(%arg19 : memref<!tpu.dma_semaphore, #tpu.memory_space<semaphore_mem>>)
      %add3A_189 = arith.constant 2 : i32
      %add3A_190 = arith.addi %add3A_57, %add3A_189 : i32
      %mul3A_191 = arith.constant 1 : i32
      %mul3A_192 = arith.muli %add3A_190, %mul3A_191 : i32
      %add3A_193 = arith.constant 0 : i32
      %add3A_194 = arith.addi %mul3A_192, %add3A_193 : i32
      %dma_start3A_195 = arith.constant 0 : i32
      %dma_start3A_196 = tpu.memref_slice %arg11[%add3A_194, %dma_start3A_195] : memref<81x128xi32, #tpu.memory_space<vmem>> -> memref<1x128xi32, #tpu.memory_space<vmem>>
      %dma_start3A_197 = tpu.memref_squeeze %dma_start3A_196 : memref<1x128xi32, #tpu.memory_space<vmem>> -> memref<128xi32, #tpu.memory_space<vmem>>
      %dma_start3A_198 = arith.constant 0 : i32
      %dma_start3A_199 = arith.constant 0 : i32
      %dma_start3A_200 = tpu.memref_slice %arg16[%dma_start3A_198, %dma_start3A_199] : memref<10240x64xf32, #tpu.memory_space<vmem_shared>> -> memref<10240x64xf32, #tpu.memory_space<vmem_shared>>
      tpu.enqueue_indirect_dma source(%arg15 : memref<128x64xf32, #tpu.memory_space<vmem>>) target(%dma_start3A_200 : memref<10240x64xf32, #tpu.memory_space<vmem_shared>>) offsets(%dma_start3A_197 : memref<128xi32, #tpu.memory_space<vmem>>) semaphore(%arg23 : memref<!tpu.dma_semaphore, #tpu.memory_space<semaphore_mem>>) {add = true}
      %add3A_201 = arith.constant 2 : i32
      %add3A_202 = arith.addi %add3A_57, %add3A_201 : i32
      %mul3A_203 = arith.constant 1 : i32
      %mul3A_204 = arith.muli %add3A_202, %mul3A_203 : i32
      %add3A_205 = arith.constant 0 : i32
      %add3A_206 = arith.addi %mul3A_204, %add3A_205 : i32
      %dma_wait3A_207 = arith.constant 0 : i32
      %dma_wait3A_208 = tpu.memref_slice %arg11[%add3A_206, %dma_wait3A_207] : memref<81x128xi32, #tpu.memory_space<vmem>> -> memref<1x128xi32, #tpu.memory_space<vmem>>
      %dma_wait3A_209 = tpu.memref_squeeze %dma_wait3A_208 : memref<1x128xi32, #tpu.memory_space<vmem>> -> memref<128xi32, #tpu.memory_space<vmem>>
      %dma_wait3A_210 = arith.constant 0 : i32
      %dma_wait3A_211 = arith.constant 0 : i32
      %dma_wait3A_212 = tpu.memref_slice %arg16[%dma_wait3A_210, %dma_wait3A_211] : memref<10240x64xf32, #tpu.memory_space<vmem_shared>> -> memref<10240x64xf32, #tpu.memory_space<vmem_shared>>
      tpu.wait_indirect_dma semaphore(%arg23 : memref<!tpu.dma_semaphore, #tpu.memory_space<semaphore_mem>>) src(%arg15 : memref<128x64xf32, #tpu.memory_space<vmem>>) dst(%dma_wait3A_212 : memref<10240x64xf32, #tpu.memory_space<vmem_shared>>)
    }
    %scan3A_28 = arith.constant 27 : i32
    %dma_wait3A = arith.constant 81 : i32
    %dma_wait3A_29 = arith.constant 0 : i32
    %dma_wait3A_30 = tpu.memref_slice %arg10[%dma_wait3A, %dma_wait3A_29] : memref<83x128xi32, #tpu.memory_space<vmem>> -> memref<1x128xi32, #tpu.memory_space<vmem>>
    %dma_wait3A_31 = tpu.memref_squeeze %dma_wait3A_30 : memref<1x128xi32, #tpu.memory_space<vmem>> -> memref<128xi32, #tpu.memory_space<vmem>>
    %dma_wait3A_32 = arith.constant 0 : i32
    %dma_wait3A_33 = arith.constant 0 : i32
    %dma_wait3A_34 = tpu.memref_slice %arg17[%dma_wait3A_32, %dma_wait3A_33] : memref<10240x64xf32, #tpu.memory_space<vmem_shared>> -> memref<10240x64xf32, #tpu.memory_space<vmem_shared>>
    tpu.wait_indirect_dma semaphore(%arg18 : memref<!tpu.dma_semaphore, #tpu.memory_space<semaphore_mem>>) src(%dma_wait3A_34 : memref<10240x64xf32, #tpu.memory_space<vmem_shared>>) dst(%arg13 : memref<128x64xf32, #tpu.memory_space<vmem>>)
    %dma_wait3A_35 = arith.constant 82 : i32
    %dma_wait3A_36 = arith.constant 0 : i32
    %dma_wait3A_37 = tpu.memref_slice %arg10[%dma_wait3A_35, %dma_wait3A_36] : memref<83x128xi32, #tpu.memory_space<vmem>> -> memref<1x128xi32, #tpu.memory_space<vmem>>
    %dma_wait3A_38 = tpu.memref_squeeze %dma_wait3A_37 : memref<1x128xi32, #tpu.memory_space<vmem>> -> memref<128xi32, #tpu.memory_space<vmem>>
    %dma_wait3A_39 = arith.constant 0 : i32
    %dma_wait3A_40 = arith.constant 0 : i32
    %dma_wait3A_41 = tpu.memref_slice %arg17[%dma_wait3A_39, %dma_wait3A_40] : memref<10240x64xf32, #tpu.memory_space<vmem_shared>> -> memref<10240x64xf32, #tpu.memory_space<vmem_shared>>
    tpu.wait_indirect_dma semaphore(%arg19 : memref<!tpu.dma_semaphore, #tpu.memory_space<semaphore_mem>>) src(%dma_wait3A_41 : memref<10240x64xf32, #tpu.memory_space<vmem_shared>>) dst(%arg14 : memref<128x64xf32, #tpu.memory_space<vmem>>)
    %barrier3A_42 = arith.constant 0 : index
    tpu.barrier barrier_id(%barrier3A_42)
    %eq3A_43 = arith.constant 0 : i32
    %eq3A_44 = arith.cmpi eq, %arg0, %eq3A_43 : i32
    %convert_element_type3A_45 = arith.extui %eq3A_44 : i1 to i32
    %cond3A_46 = arith.constant 0 : i32
    %cond3A_47 = arith.cmpi ne, %convert_element_type3A_45, %cond3A_46 : i32
    scf.if %cond3A_47 {
      "tpu.region"() ({
        %run_scoped3A = tpu.sem_alloc : memref<!tpu.dma_semaphore, #tpu.memory_space<semaphore_mem>>
        %dma_start3A_53 = arith.constant 0 : i32
        %dma_start3A_54 = tpu.memref_slice %arg8[%mul3A_4, %dma_start3A_53] : memref<10240x64xf32, #tpu.memory_space<hbm>> -> memref<640x64xf32, #tpu.memory_space<hbm>>
        %dma_start3A_55 = arith.constant 0 : i32
        %dma_start3A_56 = tpu.memref_slice %arg16[%mul3A_4, %dma_start3A_55] : memref<10240x64xf32, #tpu.memory_space<vmem_shared>> -> memref<640x64xf32, #tpu.memory_space<vmem_shared>>
        tpu.enqueue_dma source(%dma_start3A_56 : memref<640x64xf32, #tpu.memory_space<vmem_shared>>) target(%dma_start3A_54 : memref<640x64xf32, #tpu.memory_space<hbm>>) target_semaphore(%run_scoped3A : memref<!tpu.dma_semaphore, #tpu.memory_space<semaphore_mem>>)
        %dma_wait3A_57 = arith.constant 0 : i32
        %dma_wait3A_58 = tpu.memref_slice %arg8[%mul3A_4, %dma_wait3A_57] : memref<10240x64xf32, #tpu.memory_space<hbm>> -> memref<640x64xf32, #tpu.memory_space<hbm>>
        %dma_wait3A_59 = arith.constant 0 : i32
        %dma_wait3A_60 = tpu.memref_slice %arg16[%mul3A_4, %dma_wait3A_59] : memref<10240x64xf32, #tpu.memory_space<vmem_shared>> -> memref<640x64xf32, #tpu.memory_space<vmem_shared>>
        tpu.wait_dma2 semaphore(%run_scoped3A : memref<!tpu.dma_semaphore, #tpu.memory_space<semaphore_mem>>) src(%dma_wait3A_60 : memref<640x64xf32, #tpu.memory_space<vmem_shared>>) dst(%dma_wait3A_58 : memref<640x64xf32, #tpu.memory_space<hbm>>)
        tpu.yield
      }) : () -> ()
    } else {
    }
    %eq3A_48 = arith.constant 1 : i32
    %eq3A_49 = arith.cmpi eq, %arg0, %eq3A_48 : i32
    %convert_element_type3A_50 = arith.extui %eq3A_49 : i1 to i32
    %cond3A_51 = arith.constant 0 : i32
    %cond3A_52 = arith.cmpi ne, %convert_element_type3A_50, %cond3A_51 : i32
    scf.if %cond3A_52 {
      "tpu.region"() ({
        %run_scoped3A = tpu.sem_alloc : memref<!tpu.dma_semaphore, #tpu.memory_space<semaphore_mem>>
        %dma_start3A_53 = arith.constant 0 : i32
        %dma_start3A_54 = tpu.memref_slice %arg9[%mul3A_4, %dma_start3A_53] : memref<10240x64xf32, #tpu.memory_space<hbm>> -> memref<640x64xf32, #tpu.memory_space<hbm>>
        %dma_start3A_55 = arith.constant 0 : i32
        %dma_start3A_56 = tpu.memref_slice %arg16[%mul3A_4, %dma_start3A_55] : memref<10240x64xf32, #tpu.memory_space<vmem_shared>> -> memref<640x64xf32, #tpu.memory_space<vmem_shared>>
        tpu.enqueue_dma source(%dma_start3A_56 : memref<640x64xf32, #tpu.memory_space<vmem_shared>>) target(%dma_start3A_54 : memref<640x64xf32, #tpu.memory_space<hbm>>) target_semaphore(%run_scoped3A : memref<!tpu.dma_semaphore, #tpu.memory_space<semaphore_mem>>)
        %dma_wait3A_57 = arith.constant 0 : i32
        %dma_wait3A_58 = tpu.memref_slice %arg9[%mul3A_4, %dma_wait3A_57] : memref<10240x64xf32, #tpu.memory_space<hbm>> -> memref<640x64xf32, #tpu.memory_space<hbm>>
        %dma_wait3A_59 = arith.constant 0 : i32
        %dma_wait3A_60 = tpu.memref_slice %arg16[%mul3A_4, %dma_wait3A_59] : memref<10240x64xf32, #tpu.memory_space<vmem_shared>> -> memref<640x64xf32, #tpu.memory_space<vmem_shared>>
        tpu.wait_dma2 semaphore(%run_scoped3A : memref<!tpu.dma_semaphore, #tpu.memory_space<semaphore_mem>>) src(%dma_wait3A_60 : memref<640x64xf32, #tpu.memory_space<vmem_shared>>) dst(%dma_wait3A_58 : memref<640x64xf32, #tpu.memory_space<hbm>>)
        tpu.yield
      }) : () -> ()
    } else {
    }
    return
  }
}

#map = affine_map<(d0, d1) -> (0, 0)>
module attributes {stable_mosaic.version = 14 : i64} {
  func.func @prop(%arg0: i32, %arg1: i32, %arg2: memref<10240x32xf32, #tpu.memory_space<hbm>>, %arg3: memref<10240x32xf32, #tpu.memory_space<hbm>>, %arg4: memref<2592x128xi32, #tpu.memory_space<hbm>>, %arg5: memref<2592x128xi32, #tpu.memory_space<hbm>>, %arg6: memref<10240x32xf32, #tpu.memory_space<hbm>>, %arg7: memref<80x128xi32, #tpu.memory_space<hbm>>, %arg8: memref<10240x32xf32, #tpu.memory_space<hbm>>, %arg9: memref<10240x32xf32, #tpu.memory_space<hbm>>, %arg10: memref<83x128xi32, #tpu.memory_space<vmem>>, %arg11: memref<81x128xi32, #tpu.memory_space<vmem>>, %arg12: memref<5x128xi32, #tpu.memory_space<vmem>>, %arg13: memref<128x32xf32, #tpu.memory_space<vmem>>, %arg14: memref<128x32xf32, #tpu.memory_space<vmem>>, %arg15: memref<128x32xf32, #tpu.memory_space<vmem>>, %arg16: memref<10240x32xf32, #tpu.memory_space<vmem_shared>>, %arg17: memref<10240x32xf32, #tpu.memory_space<vmem_shared>>, %arg18: memref<!tpu.dma_semaphore, #tpu.memory_space<semaphore_mem>>, %arg19: memref<!tpu.dma_semaphore, #tpu.memory_space<semaphore_mem>>, %arg20: memref<!tpu.dma_semaphore, #tpu.memory_space<semaphore_mem>>, %arg21: memref<!tpu.dma_semaphore, #tpu.memory_space<semaphore_mem>>, %arg22: memref<!tpu.dma_semaphore, #tpu.memory_space<semaphore_mem>>, %arg23: memref<!tpu.dma_semaphore, #tpu.memory_space<semaphore_mem>>) attributes {dimension_semantics = [#tpu.dimension_semantics<core_parallel>, #tpu.dimension_semantics<subcore_parallel>], iteration_bounds = array<i64: 2, 16>, scalar_prefetch = 0 : i64, scratch_operands = 14 : i64, tpu.core_type = #tpu.core_type<sc_vector_subcore>, window_params = [{transform_indices = #map}, {transform_indices = #map}, {transform_indices = #map}, {transform_indices = #map}, {transform_indices = #map}, {transform_indices = #map}, {transform_indices = #map}, {transform_indices = #map}]} {
    %mul3A = arith.constant 2 : i32
    %mul3A_0 = arith.muli %arg1, %mul3A : i32
    %add3A = arith.addi %mul3A_0, %arg0 : i32
    %mul3A_1 = arith.constant 81 : i32
    %mul3A_2 = arith.muli %add3A, %mul3A_1 : i32
    %mul3A_3 = arith.constant 640 : i32
    %mul3A_4 = arith.muli %arg1, %mul3A_3 : i32
    "tpu.region"() ({
      %run_scoped3A = tpu.sem_alloc : memref<!tpu.dma_semaphore, #tpu.memory_space<semaphore_mem>>
      %dma_start3A_53 = arith.constant 0 : i32
      %dma_start3A_54 = arith.constant 0 : i32
      %dma_start3A_55 = tpu.memref_slice %arg10[%dma_start3A_53, %dma_start3A_54] : memref<83x128xi32, #tpu.memory_space<vmem>> -> memref<81x128xi32, #tpu.memory_space<vmem>>
      %dma_start3A_56 = arith.constant 0 : i32
      %dma_start3A_57 = tpu.memref_slice %arg4[%mul3A_2, %dma_start3A_56] : memref<2592x128xi32, #tpu.memory_space<hbm>> -> memref<81x128xi32, #tpu.memory_space<hbm>>
      %dma_start3A_58 = arith.constant 0 : i32
      %dma_start3A_59 = arith.constant 0 : i32
      %dma_start3A_60 = tpu.memref_slice %arg10[%dma_start3A_58, %dma_start3A_59] : memref<83x128xi32, #tpu.memory_space<vmem>> -> memref<81x128xi32, #tpu.memory_space<vmem>>
      %dma_start3A_61 = arith.constant 0 : i32
      %dma_start3A_62 = tpu.memref_slice %arg4[%mul3A_2, %dma_start3A_61] : memref<2592x128xi32, #tpu.memory_space<hbm>> -> memref<81x128xi32, #tpu.memory_space<hbm>>
      tpu.enqueue_dma source(%dma_start3A_62 : memref<81x128xi32, #tpu.memory_space<hbm>>) target(%dma_start3A_60 : memref<81x128xi32, #tpu.memory_space<vmem>>) target_semaphore(%run_scoped3A : memref<!tpu.dma_semaphore, #tpu.memory_space<semaphore_mem>>)
      %dma_wait3A_63 = arith.constant 0 : i32
      %dma_wait3A_64 = arith.constant 0 : i32
      %dma_wait3A_65 = tpu.memref_slice %arg10[%dma_wait3A_63, %dma_wait3A_64] : memref<83x128xi32, #tpu.memory_space<vmem>> -> memref<81x128xi32, #tpu.memory_space<vmem>>
      %dma_wait3A_66 = arith.constant 0 : i32
      %dma_wait3A_67 = tpu.memref_slice %arg4[%mul3A_2, %dma_wait3A_66] : memref<2592x128xi32, #tpu.memory_space<hbm>> -> memref<81x128xi32, #tpu.memory_space<hbm>>
      %dma_wait3A_68 = arith.constant 0 : i32
      %dma_wait3A_69 = arith.constant 0 : i32
      %dma_wait3A_70 = tpu.memref_slice %arg10[%dma_wait3A_68, %dma_wait3A_69] : memref<83x128xi32, #tpu.memory_space<vmem>> -> memref<81x128xi32, #tpu.memory_space<vmem>>
      %dma_wait3A_71 = arith.constant 0 : i32
      %dma_wait3A_72 = tpu.memref_slice %arg4[%mul3A_2, %dma_wait3A_71] : memref<2592x128xi32, #tpu.memory_space<hbm>> -> memref<81x128xi32, #tpu.memory_space<hbm>>
      tpu.wait_dma2 semaphore(%run_scoped3A : memref<!tpu.dma_semaphore, #tpu.memory_space<semaphore_mem>>) src(%dma_wait3A_72 : memref<81x128xi32, #tpu.memory_space<hbm>>) dst(%dma_wait3A_70 : memref<81x128xi32, #tpu.memory_space<vmem>>)
      tpu.yield
    }) : () -> ()
    "tpu.region"() ({
      %run_scoped3A = tpu.sem_alloc : memref<!tpu.dma_semaphore, #tpu.memory_space<semaphore_mem>>
      %dma_start3A_53 = arith.constant 81 : i32
      %dma_start3A_54 = arith.constant 0 : i32
      %dma_start3A_55 = tpu.memref_slice %arg10[%dma_start3A_53, %dma_start3A_54] : memref<83x128xi32, #tpu.memory_space<vmem>> -> memref<2x128xi32, #tpu.memory_space<vmem>>
      %dma_start3A_56 = arith.constant 0 : i32
      %dma_start3A_57 = arith.constant 0 : i32
      %dma_start3A_58 = tpu.memref_slice %arg4[%dma_start3A_56, %dma_start3A_57] : memref<2592x128xi32, #tpu.memory_space<hbm>> -> memref<2x128xi32, #tpu.memory_space<hbm>>
      %dma_start3A_59 = arith.constant 81 : i32
      %dma_start3A_60 = arith.constant 0 : i32
      %dma_start3A_61 = tpu.memref_slice %arg10[%dma_start3A_59, %dma_start3A_60] : memref<83x128xi32, #tpu.memory_space<vmem>> -> memref<2x128xi32, #tpu.memory_space<vmem>>
      %dma_start3A_62 = arith.constant 0 : i32
      %dma_start3A_63 = arith.constant 0 : i32
      %dma_start3A_64 = tpu.memref_slice %arg4[%dma_start3A_62, %dma_start3A_63] : memref<2592x128xi32, #tpu.memory_space<hbm>> -> memref<2x128xi32, #tpu.memory_space<hbm>>
      tpu.enqueue_dma source(%dma_start3A_64 : memref<2x128xi32, #tpu.memory_space<hbm>>) target(%dma_start3A_61 : memref<2x128xi32, #tpu.memory_space<vmem>>) target_semaphore(%run_scoped3A : memref<!tpu.dma_semaphore, #tpu.memory_space<semaphore_mem>>)
      %dma_wait3A_65 = arith.constant 81 : i32
      %dma_wait3A_66 = arith.constant 0 : i32
      %dma_wait3A_67 = tpu.memref_slice %arg10[%dma_wait3A_65, %dma_wait3A_66] : memref<83x128xi32, #tpu.memory_space<vmem>> -> memref<2x128xi32, #tpu.memory_space<vmem>>
      %dma_wait3A_68 = arith.constant 0 : i32
      %dma_wait3A_69 = arith.constant 0 : i32
      %dma_wait3A_70 = tpu.memref_slice %arg4[%dma_wait3A_68, %dma_wait3A_69] : memref<2592x128xi32, #tpu.memory_space<hbm>> -> memref<2x128xi32, #tpu.memory_space<hbm>>
      %dma_wait3A_71 = arith.constant 81 : i32
      %dma_wait3A_72 = arith.constant 0 : i32
      %dma_wait3A_73 = tpu.memref_slice %arg10[%dma_wait3A_71, %dma_wait3A_72] : memref<83x128xi32, #tpu.memory_space<vmem>> -> memref<2x128xi32, #tpu.memory_space<vmem>>
      %dma_wait3A_74 = arith.constant 0 : i32
      %dma_wait3A_75 = arith.constant 0 : i32
      %dma_wait3A_76 = tpu.memref_slice %arg4[%dma_wait3A_74, %dma_wait3A_75] : memref<2592x128xi32, #tpu.memory_space<hbm>> -> memref<2x128xi32, #tpu.memory_space<hbm>>
      tpu.wait_dma2 semaphore(%run_scoped3A : memref<!tpu.dma_semaphore, #tpu.memory_space<semaphore_mem>>) src(%dma_wait3A_76 : memref<2x128xi32, #tpu.memory_space<hbm>>) dst(%dma_wait3A_73 : memref<2x128xi32, #tpu.memory_space<vmem>>)
      tpu.yield
    }) : () -> ()
    "tpu.region"() ({
      %run_scoped3A = tpu.sem_alloc : memref<!tpu.dma_semaphore, #tpu.memory_space<semaphore_mem>>
      %dma_start3A_53 = arith.constant 0 : i32
      %dma_start3A_54 = tpu.memref_slice %arg5[%mul3A_2, %dma_start3A_53] : memref<2592x128xi32, #tpu.memory_space<hbm>> -> memref<81x128xi32, #tpu.memory_space<hbm>>
      %dma_start3A_55 = arith.constant 0 : i32
      %dma_start3A_56 = tpu.memref_slice %arg5[%mul3A_2, %dma_start3A_55] : memref<2592x128xi32, #tpu.memory_space<hbm>> -> memref<81x128xi32, #tpu.memory_space<hbm>>
      tpu.enqueue_dma source(%dma_start3A_56 : memref<81x128xi32, #tpu.memory_space<hbm>>) target(%arg11 : memref<81x128xi32, #tpu.memory_space<vmem>>) target_semaphore(%run_scoped3A : memref<!tpu.dma_semaphore, #tpu.memory_space<semaphore_mem>>)
      %dma_wait3A_57 = arith.constant 0 : i32
      %dma_wait3A_58 = tpu.memref_slice %arg5[%mul3A_2, %dma_wait3A_57] : memref<2592x128xi32, #tpu.memory_space<hbm>> -> memref<81x128xi32, #tpu.memory_space<hbm>>
      %dma_wait3A_59 = arith.constant 0 : i32
      %dma_wait3A_60 = tpu.memref_slice %arg5[%mul3A_2, %dma_wait3A_59] : memref<2592x128xi32, #tpu.memory_space<hbm>> -> memref<81x128xi32, #tpu.memory_space<hbm>>
      tpu.wait_dma2 semaphore(%run_scoped3A : memref<!tpu.dma_semaphore, #tpu.memory_space<semaphore_mem>>) src(%dma_wait3A_60 : memref<81x128xi32, #tpu.memory_space<hbm>>) dst(%arg11 : memref<81x128xi32, #tpu.memory_space<vmem>>)
      tpu.yield
    }) : () -> ()
    "tpu.region"() ({
      %run_scoped3A = tpu.sem_alloc : memref<!tpu.dma_semaphore, #tpu.memory_space<semaphore_mem>>
      %dma_start3A_53 = arith.constant 0 : i32
      %dma_start3A_54 = tpu.memref_slice %arg17[%mul3A_4, %dma_start3A_53] : memref<10240x32xf32, #tpu.memory_space<vmem_shared>> -> memref<640x32xf32, #tpu.memory_space<vmem_shared>>
      %dma_start3A_55 = arith.constant 0 : i32
      %dma_start3A_56 = tpu.memref_slice %arg2[%mul3A_4, %dma_start3A_55] : memref<10240x32xf32, #tpu.memory_space<hbm>> -> memref<640x32xf32, #tpu.memory_space<hbm>>
      tpu.enqueue_dma source(%dma_start3A_56 : memref<640x32xf32, #tpu.memory_space<hbm>>) target(%dma_start3A_54 : memref<640x32xf32, #tpu.memory_space<vmem_shared>>) target_semaphore(%run_scoped3A : memref<!tpu.dma_semaphore, #tpu.memory_space<semaphore_mem>>)
      %dma_wait3A_57 = arith.constant 0 : i32
      %dma_wait3A_58 = tpu.memref_slice %arg17[%mul3A_4, %dma_wait3A_57] : memref<10240x32xf32, #tpu.memory_space<vmem_shared>> -> memref<640x32xf32, #tpu.memory_space<vmem_shared>>
      %dma_wait3A_59 = arith.constant 0 : i32
      %dma_wait3A_60 = tpu.memref_slice %arg2[%mul3A_4, %dma_wait3A_59] : memref<10240x32xf32, #tpu.memory_space<hbm>> -> memref<640x32xf32, #tpu.memory_space<hbm>>
      tpu.wait_dma2 semaphore(%run_scoped3A : memref<!tpu.dma_semaphore, #tpu.memory_space<semaphore_mem>>) src(%dma_wait3A_60 : memref<640x32xf32, #tpu.memory_space<hbm>>) dst(%dma_wait3A_58 : memref<640x32xf32, #tpu.memory_space<vmem_shared>>)
      tpu.yield
    }) : () -> ()
    %eq3A = arith.constant 0 : i32
    %eq3A_5 = arith.cmpi eq, %arg0, %eq3A : i32
    %convert_element_type3A = arith.extui %eq3A_5 : i1 to i32
    %cond3A = arith.constant 0 : i32
    %cond3A_6 = arith.cmpi ne, %convert_element_type3A, %cond3A : i32
    scf.if %cond3A_6 {
      "tpu.region"() ({
        %run_scoped3A = tpu.sem_alloc : memref<!tpu.dma_semaphore, #tpu.memory_space<semaphore_mem>>
        %dma_start3A_53 = arith.constant 0 : i32
        %dma_start3A_54 = tpu.memref_slice %arg16[%mul3A_4, %dma_start3A_53] : memref<10240x32xf32, #tpu.memory_space<vmem_shared>> -> memref<640x32xf32, #tpu.memory_space<vmem_shared>>
        %dma_start3A_55 = arith.constant 0 : i32
        %dma_start3A_56 = tpu.memref_slice %arg2[%mul3A_4, %dma_start3A_55] : memref<10240x32xf32, #tpu.memory_space<hbm>> -> memref<640x32xf32, #tpu.memory_space<hbm>>
        tpu.enqueue_dma source(%dma_start3A_56 : memref<640x32xf32, #tpu.memory_space<hbm>>) target(%dma_start3A_54 : memref<640x32xf32, #tpu.memory_space<vmem_shared>>) target_semaphore(%run_scoped3A : memref<!tpu.dma_semaphore, #tpu.memory_space<semaphore_mem>>)
        %dma_wait3A_57 = arith.constant 0 : i32
        %dma_wait3A_58 = tpu.memref_slice %arg16[%mul3A_4, %dma_wait3A_57] : memref<10240x32xf32, #tpu.memory_space<vmem_shared>> -> memref<640x32xf32, #tpu.memory_space<vmem_shared>>
        %dma_wait3A_59 = arith.constant 0 : i32
        %dma_wait3A_60 = tpu.memref_slice %arg2[%mul3A_4, %dma_wait3A_59] : memref<10240x32xf32, #tpu.memory_space<hbm>> -> memref<640x32xf32, #tpu.memory_space<hbm>>
        tpu.wait_dma2 semaphore(%run_scoped3A : memref<!tpu.dma_semaphore, #tpu.memory_space<semaphore_mem>>) src(%dma_wait3A_60 : memref<640x32xf32, #tpu.memory_space<hbm>>) dst(%dma_wait3A_58 : memref<640x32xf32, #tpu.memory_space<vmem_shared>>)
        tpu.yield
      }) : () -> ()
    } else {
    }
    %eq3A_7 = arith.constant 1 : i32
    %eq3A_8 = arith.cmpi eq, %arg0, %eq3A_7 : i32
    %convert_element_type3A_9 = arith.extui %eq3A_8 : i1 to i32
    %cond3A_10 = arith.constant 0 : i32
    %cond3A_11 = arith.cmpi ne, %convert_element_type3A_9, %cond3A_10 : i32
    scf.if %cond3A_11 {
      "tpu.region"() ({
        %run_scoped3A = tpu.sem_alloc : memref<!tpu.dma_semaphore, #tpu.memory_space<semaphore_mem>>
        %dma_start3A_53 = arith.constant 0 : i32
        %dma_start3A_54 = tpu.memref_slice %arg16[%mul3A_4, %dma_start3A_53] : memref<10240x32xf32, #tpu.memory_space<vmem_shared>> -> memref<640x32xf32, #tpu.memory_space<vmem_shared>>
        %dma_start3A_55 = arith.constant 0 : i32
        %dma_start3A_56 = tpu.memref_slice %arg6[%mul3A_4, %dma_start3A_55] : memref<10240x32xf32, #tpu.memory_space<hbm>> -> memref<640x32xf32, #tpu.memory_space<hbm>>
        tpu.enqueue_dma source(%dma_start3A_56 : memref<640x32xf32, #tpu.memory_space<hbm>>) target(%dma_start3A_54 : memref<640x32xf32, #tpu.memory_space<vmem_shared>>) target_semaphore(%run_scoped3A : memref<!tpu.dma_semaphore, #tpu.memory_space<semaphore_mem>>)
        %dma_wait3A_57 = arith.constant 0 : i32
        %dma_wait3A_58 = tpu.memref_slice %arg16[%mul3A_4, %dma_wait3A_57] : memref<10240x32xf32, #tpu.memory_space<vmem_shared>> -> memref<640x32xf32, #tpu.memory_space<vmem_shared>>
        %dma_wait3A_59 = arith.constant 0 : i32
        %dma_wait3A_60 = tpu.memref_slice %arg6[%mul3A_4, %dma_wait3A_59] : memref<10240x32xf32, #tpu.memory_space<hbm>> -> memref<640x32xf32, #tpu.memory_space<hbm>>
        tpu.wait_dma2 semaphore(%run_scoped3A : memref<!tpu.dma_semaphore, #tpu.memory_space<semaphore_mem>>) src(%dma_wait3A_60 : memref<640x32xf32, #tpu.memory_space<hbm>>) dst(%dma_wait3A_58 : memref<640x32xf32, #tpu.memory_space<vmem_shared>>)
        tpu.yield
      }) : () -> ()
    } else {
    }
    %barrier3A = arith.constant 0 : index
    tpu.barrier barrier_id(%barrier3A)
    %dma_start3A = arith.constant 0 : i32
    %dma_start3A_12 = arith.constant 0 : i32
    %dma_start3A_13 = tpu.memref_slice %arg10[%dma_start3A, %dma_start3A_12] : memref<83x128xi32, #tpu.memory_space<vmem>> -> memref<1x128xi32, #tpu.memory_space<vmem>>
    %dma_start3A_14 = tpu.memref_squeeze %dma_start3A_13 : memref<1x128xi32, #tpu.memory_space<vmem>> -> memref<128xi32, #tpu.memory_space<vmem>>
    %dma_start3A_15 = arith.constant 0 : i32
    %dma_start3A_16 = arith.constant 0 : i32
    %dma_start3A_17 = tpu.memref_slice %arg17[%dma_start3A_15, %dma_start3A_16] : memref<10240x32xf32, #tpu.memory_space<vmem_shared>> -> memref<10240x32xf32, #tpu.memory_space<vmem_shared>>
    tpu.enqueue_indirect_dma source(%dma_start3A_17 : memref<10240x32xf32, #tpu.memory_space<vmem_shared>>) target(%arg13 : memref<128x32xf32, #tpu.memory_space<vmem>>) offsets(%dma_start3A_14 : memref<128xi32, #tpu.memory_space<vmem>>) semaphore(%arg18 : memref<!tpu.dma_semaphore, #tpu.memory_space<semaphore_mem>>)
    %dma_start3A_18 = arith.constant 1 : i32
    %dma_start3A_19 = arith.constant 0 : i32
    %dma_start3A_20 = tpu.memref_slice %arg10[%dma_start3A_18, %dma_start3A_19] : memref<83x128xi32, #tpu.memory_space<vmem>> -> memref<1x128xi32, #tpu.memory_space<vmem>>
    %dma_start3A_21 = tpu.memref_squeeze %dma_start3A_20 : memref<1x128xi32, #tpu.memory_space<vmem>> -> memref<128xi32, #tpu.memory_space<vmem>>
    %dma_start3A_22 = arith.constant 0 : i32
    %dma_start3A_23 = arith.constant 0 : i32
    %dma_start3A_24 = tpu.memref_slice %arg17[%dma_start3A_22, %dma_start3A_23] : memref<10240x32xf32, #tpu.memory_space<vmem_shared>> -> memref<10240x32xf32, #tpu.memory_space<vmem_shared>>
    tpu.enqueue_indirect_dma source(%dma_start3A_24 : memref<10240x32xf32, #tpu.memory_space<vmem_shared>>) target(%arg14 : memref<128x32xf32, #tpu.memory_space<vmem>>) offsets(%dma_start3A_21 : memref<128xi32, #tpu.memory_space<vmem>>) semaphore(%arg19 : memref<!tpu.dma_semaphore, #tpu.memory_space<semaphore_mem>>)
    %scan3A = arith.constant 0 : i32
    %scan3A_25 = arith.constant 27 : i32
    %scan3A_26 = arith.addi %scan3A, %scan3A_25 : i32
    %scan3A_27 = arith.constant 1 : i32
    scf.for %scan3A_53 = %scan3A to %scan3A_26 step %scan3A_27  : i32 {
      %mul3A_54 = arith.constant 3 : i32
      %mul3A_55 = arith.muli %scan3A_53, %mul3A_54 : i32
      %add3A_56 = arith.constant 0 : i32
      %add3A_57 = arith.addi %add3A_56, %mul3A_55 : i32
      %add3A_58 = arith.constant 0 : i32
      %add3A_59 = arith.addi %add3A_57, %add3A_58 : i32
      %mul3A_60 = arith.constant 1 : i32
      %mul3A_61 = arith.muli %add3A_59, %mul3A_60 : i32
      %add3A_62 = arith.constant 0 : i32
      %add3A_63 = arith.addi %mul3A_61, %add3A_62 : i32
      %dma_wait3A_64 = arith.constant 0 : i32
      %dma_wait3A_65 = tpu.memref_slice %arg10[%add3A_63, %dma_wait3A_64] : memref<83x128xi32, #tpu.memory_space<vmem>> -> memref<1x128xi32, #tpu.memory_space<vmem>>
      %dma_wait3A_66 = tpu.memref_squeeze %dma_wait3A_65 : memref<1x128xi32, #tpu.memory_space<vmem>> -> memref<128xi32, #tpu.memory_space<vmem>>
      %dma_wait3A_67 = arith.constant 0 : i32
      %dma_wait3A_68 = arith.constant 0 : i32
      %dma_wait3A_69 = tpu.memref_slice %arg17[%dma_wait3A_67, %dma_wait3A_68] : memref<10240x32xf32, #tpu.memory_space<vmem_shared>> -> memref<10240x32xf32, #tpu.memory_space<vmem_shared>>
      tpu.wait_indirect_dma semaphore(%arg18 : memref<!tpu.dma_semaphore, #tpu.memory_space<semaphore_mem>>) src(%dma_wait3A_69 : memref<10240x32xf32, #tpu.memory_space<vmem_shared>>) dst(%arg13 : memref<128x32xf32, #tpu.memory_space<vmem>>)
      %add3A_70 = arith.constant 0 : i32
      %add3A_71 = arith.addi %add3A_57, %add3A_70 : i32
      %add3A_72 = arith.constant 3 : i32
      %add3A_73 = arith.addi %add3A_71, %add3A_72 : i32
      %sub3A = arith.constant 1 : i32
      %sub3A_74 = arith.subi %add3A_73, %sub3A : i32
      %mul3A_75 = arith.constant 1 : i32
      %mul3A_76 = arith.muli %sub3A_74, %mul3A_75 : i32
      %add3A_77 = arith.constant 0 : i32
      %add3A_78 = arith.addi %mul3A_76, %add3A_77 : i32
      %dma_start3A_79 = arith.constant 0 : i32
      %dma_start3A_80 = tpu.memref_slice %arg10[%add3A_78, %dma_start3A_79] : memref<83x128xi32, #tpu.memory_space<vmem>> -> memref<1x128xi32, #tpu.memory_space<vmem>>
      %dma_start3A_81 = tpu.memref_squeeze %dma_start3A_80 : memref<1x128xi32, #tpu.memory_space<vmem>> -> memref<128xi32, #tpu.memory_space<vmem>>
      %dma_start3A_82 = arith.constant 0 : i32
      %dma_start3A_83 = arith.constant 0 : i32
      %dma_start3A_84 = tpu.memref_slice %arg17[%dma_start3A_82, %dma_start3A_83] : memref<10240x32xf32, #tpu.memory_space<vmem_shared>> -> memref<10240x32xf32, #tpu.memory_space<vmem_shared>>
      tpu.enqueue_indirect_dma source(%dma_start3A_84 : memref<10240x32xf32, #tpu.memory_space<vmem_shared>>) target(%arg15 : memref<128x32xf32, #tpu.memory_space<vmem>>) offsets(%dma_start3A_81 : memref<128xi32, #tpu.memory_space<vmem>>) semaphore(%arg20 : memref<!tpu.dma_semaphore, #tpu.memory_space<semaphore_mem>>)
      %add3A_85 = arith.constant 0 : i32
      %add3A_86 = arith.addi %add3A_57, %add3A_85 : i32
      %mul3A_87 = arith.constant 1 : i32
      %mul3A_88 = arith.muli %add3A_86, %mul3A_87 : i32
      %add3A_89 = arith.constant 0 : i32
      %add3A_90 = arith.addi %mul3A_88, %add3A_89 : i32
      %dma_start3A_91 = arith.constant 0 : i32
      %dma_start3A_92 = tpu.memref_slice %arg11[%add3A_90, %dma_start3A_91] : memref<81x128xi32, #tpu.memory_space<vmem>> -> memref<1x128xi32, #tpu.memory_space<vmem>>
      %dma_start3A_93 = tpu.memref_squeeze %dma_start3A_92 : memref<1x128xi32, #tpu.memory_space<vmem>> -> memref<128xi32, #tpu.memory_space<vmem>>
      %dma_start3A_94 = arith.constant 0 : i32
      %dma_start3A_95 = arith.constant 0 : i32
      %dma_start3A_96 = tpu.memref_slice %arg16[%dma_start3A_94, %dma_start3A_95] : memref<10240x32xf32, #tpu.memory_space<vmem_shared>> -> memref<10240x32xf32, #tpu.memory_space<vmem_shared>>
      tpu.enqueue_indirect_dma source(%arg13 : memref<128x32xf32, #tpu.memory_space<vmem>>) target(%dma_start3A_96 : memref<10240x32xf32, #tpu.memory_space<vmem_shared>>) offsets(%dma_start3A_93 : memref<128xi32, #tpu.memory_space<vmem>>) semaphore(%arg21 : memref<!tpu.dma_semaphore, #tpu.memory_space<semaphore_mem>>) {add = true}
      %add3A_97 = arith.constant 0 : i32
      %add3A_98 = arith.addi %add3A_57, %add3A_97 : i32
      %mul3A_99 = arith.constant 1 : i32
      %mul3A_100 = arith.muli %add3A_98, %mul3A_99 : i32
      %add3A_101 = arith.constant 0 : i32
      %add3A_102 = arith.addi %mul3A_100, %add3A_101 : i32
      %dma_wait3A_103 = arith.constant 0 : i32
      %dma_wait3A_104 = tpu.memref_slice %arg11[%add3A_102, %dma_wait3A_103] : memref<81x128xi32, #tpu.memory_space<vmem>> -> memref<1x128xi32, #tpu.memory_space<vmem>>
      %dma_wait3A_105 = tpu.memref_squeeze %dma_wait3A_104 : memref<1x128xi32, #tpu.memory_space<vmem>> -> memref<128xi32, #tpu.memory_space<vmem>>
      %dma_wait3A_106 = arith.constant 0 : i32
      %dma_wait3A_107 = arith.constant 0 : i32
      %dma_wait3A_108 = tpu.memref_slice %arg16[%dma_wait3A_106, %dma_wait3A_107] : memref<10240x32xf32, #tpu.memory_space<vmem_shared>> -> memref<10240x32xf32, #tpu.memory_space<vmem_shared>>
      tpu.wait_indirect_dma semaphore(%arg21 : memref<!tpu.dma_semaphore, #tpu.memory_space<semaphore_mem>>) src(%arg13 : memref<128x32xf32, #tpu.memory_space<vmem>>) dst(%dma_wait3A_108 : memref<10240x32xf32, #tpu.memory_space<vmem_shared>>)
      %add3A_109 = arith.constant 1 : i32
      %add3A_110 = arith.addi %add3A_57, %add3A_109 : i32
      %mul3A_111 = arith.constant 1 : i32
      %mul3A_112 = arith.muli %add3A_110, %mul3A_111 : i32
      %add3A_113 = arith.constant 0 : i32
      %add3A_114 = arith.addi %mul3A_112, %add3A_113 : i32
      %dma_wait3A_115 = arith.constant 0 : i32
      %dma_wait3A_116 = tpu.memref_slice %arg10[%add3A_114, %dma_wait3A_115] : memref<83x128xi32, #tpu.memory_space<vmem>> -> memref<1x128xi32, #tpu.memory_space<vmem>>
      %dma_wait3A_117 = tpu.memref_squeeze %dma_wait3A_116 : memref<1x128xi32, #tpu.memory_space<vmem>> -> memref<128xi32, #tpu.memory_space<vmem>>
      %dma_wait3A_118 = arith.constant 0 : i32
      %dma_wait3A_119 = arith.constant 0 : i32
      %dma_wait3A_120 = tpu.memref_slice %arg17[%dma_wait3A_118, %dma_wait3A_119] : memref<10240x32xf32, #tpu.memory_space<vmem_shared>> -> memref<10240x32xf32, #tpu.memory_space<vmem_shared>>
      tpu.wait_indirect_dma semaphore(%arg19 : memref<!tpu.dma_semaphore, #tpu.memory_space<semaphore_mem>>) src(%dma_wait3A_120 : memref<10240x32xf32, #tpu.memory_space<vmem_shared>>) dst(%arg14 : memref<128x32xf32, #tpu.memory_space<vmem>>)
      %add3A_121 = arith.constant 1 : i32
      %add3A_122 = arith.addi %add3A_57, %add3A_121 : i32
      %add3A_123 = arith.constant 3 : i32
      %add3A_124 = arith.addi %add3A_122, %add3A_123 : i32
      %sub3A_125 = arith.constant 1 : i32
      %sub3A_126 = arith.subi %add3A_124, %sub3A_125 : i32
      %mul3A_127 = arith.constant 1 : i32
      %mul3A_128 = arith.muli %sub3A_126, %mul3A_127 : i32
      %add3A_129 = arith.constant 0 : i32
      %add3A_130 = arith.addi %mul3A_128, %add3A_129 : i32
      %dma_start3A_131 = arith.constant 0 : i32
      %dma_start3A_132 = tpu.memref_slice %arg10[%add3A_130, %dma_start3A_131] : memref<83x128xi32, #tpu.memory_space<vmem>> -> memref<1x128xi32, #tpu.memory_space<vmem>>
      %dma_start3A_133 = tpu.memref_squeeze %dma_start3A_132 : memref<1x128xi32, #tpu.memory_space<vmem>> -> memref<128xi32, #tpu.memory_space<vmem>>
      %dma_start3A_134 = arith.constant 0 : i32
      %dma_start3A_135 = arith.constant 0 : i32
      %dma_start3A_136 = tpu.memref_slice %arg17[%dma_start3A_134, %dma_start3A_135] : memref<10240x32xf32, #tpu.memory_space<vmem_shared>> -> memref<10240x32xf32, #tpu.memory_space<vmem_shared>>
      tpu.enqueue_indirect_dma source(%dma_start3A_136 : memref<10240x32xf32, #tpu.memory_space<vmem_shared>>) target(%arg13 : memref<128x32xf32, #tpu.memory_space<vmem>>) offsets(%dma_start3A_133 : memref<128xi32, #tpu.memory_space<vmem>>) semaphore(%arg18 : memref<!tpu.dma_semaphore, #tpu.memory_space<semaphore_mem>>)
      %add3A_137 = arith.constant 1 : i32
      %add3A_138 = arith.addi %add3A_57, %add3A_137 : i32
      %mul3A_139 = arith.constant 1 : i32
      %mul3A_140 = arith.muli %add3A_138, %mul3A_139 : i32
      %add3A_141 = arith.constant 0 : i32
      %add3A_142 = arith.addi %mul3A_140, %add3A_141 : i32
      %dma_start3A_143 = arith.constant 0 : i32
      %dma_start3A_144 = tpu.memref_slice %arg11[%add3A_142, %dma_start3A_143] : memref<81x128xi32, #tpu.memory_space<vmem>> -> memref<1x128xi32, #tpu.memory_space<vmem>>
      %dma_start3A_145 = tpu.memref_squeeze %dma_start3A_144 : memref<1x128xi32, #tpu.memory_space<vmem>> -> memref<128xi32, #tpu.memory_space<vmem>>
      %dma_start3A_146 = arith.constant 0 : i32
      %dma_start3A_147 = arith.constant 0 : i32
      %dma_start3A_148 = tpu.memref_slice %arg16[%dma_start3A_146, %dma_start3A_147] : memref<10240x32xf32, #tpu.memory_space<vmem_shared>> -> memref<10240x32xf32, #tpu.memory_space<vmem_shared>>
      tpu.enqueue_indirect_dma source(%arg14 : memref<128x32xf32, #tpu.memory_space<vmem>>) target(%dma_start3A_148 : memref<10240x32xf32, #tpu.memory_space<vmem_shared>>) offsets(%dma_start3A_145 : memref<128xi32, #tpu.memory_space<vmem>>) semaphore(%arg22 : memref<!tpu.dma_semaphore, #tpu.memory_space<semaphore_mem>>) {add = true}
      %add3A_149 = arith.constant 1 : i32
      %add3A_150 = arith.addi %add3A_57, %add3A_149 : i32
      %mul3A_151 = arith.constant 1 : i32
      %mul3A_152 = arith.muli %add3A_150, %mul3A_151 : i32
      %add3A_153 = arith.constant 0 : i32
      %add3A_154 = arith.addi %mul3A_152, %add3A_153 : i32
      %dma_wait3A_155 = arith.constant 0 : i32
      %dma_wait3A_156 = tpu.memref_slice %arg11[%add3A_154, %dma_wait3A_155] : memref<81x128xi32, #tpu.memory_space<vmem>> -> memref<1x128xi32, #tpu.memory_space<vmem>>
      %dma_wait3A_157 = tpu.memref_squeeze %dma_wait3A_156 : memref<1x128xi32, #tpu.memory_space<vmem>> -> memref<128xi32, #tpu.memory_space<vmem>>
      %dma_wait3A_158 = arith.constant 0 : i32
      %dma_wait3A_159 = arith.constant 0 : i32
      %dma_wait3A_160 = tpu.memref_slice %arg16[%dma_wait3A_158, %dma_wait3A_159] : memref<10240x32xf32, #tpu.memory_space<vmem_shared>> -> memref<10240x32xf32, #tpu.memory_space<vmem_shared>>
      tpu.wait_indirect_dma semaphore(%arg22 : memref<!tpu.dma_semaphore, #tpu.memory_space<semaphore_mem>>) src(%arg14 : memref<128x32xf32, #tpu.memory_space<vmem>>) dst(%dma_wait3A_160 : memref<10240x32xf32, #tpu.memory_space<vmem_shared>>)
      %add3A_161 = arith.constant 2 : i32
      %add3A_162 = arith.addi %add3A_57, %add3A_161 : i32
      %mul3A_163 = arith.constant 1 : i32
      %mul3A_164 = arith.muli %add3A_162, %mul3A_163 : i32
      %add3A_165 = arith.constant 0 : i32
      %add3A_166 = arith.addi %mul3A_164, %add3A_165 : i32
      %dma_wait3A_167 = arith.constant 0 : i32
      %dma_wait3A_168 = tpu.memref_slice %arg10[%add3A_166, %dma_wait3A_167] : memref<83x128xi32, #tpu.memory_space<vmem>> -> memref<1x128xi32, #tpu.memory_space<vmem>>
      %dma_wait3A_169 = tpu.memref_squeeze %dma_wait3A_168 : memref<1x128xi32, #tpu.memory_space<vmem>> -> memref<128xi32, #tpu.memory_space<vmem>>
      %dma_wait3A_170 = arith.constant 0 : i32
      %dma_wait3A_171 = arith.constant 0 : i32
      %dma_wait3A_172 = tpu.memref_slice %arg17[%dma_wait3A_170, %dma_wait3A_171] : memref<10240x32xf32, #tpu.memory_space<vmem_shared>> -> memref<10240x32xf32, #tpu.memory_space<vmem_shared>>
      tpu.wait_indirect_dma semaphore(%arg20 : memref<!tpu.dma_semaphore, #tpu.memory_space<semaphore_mem>>) src(%dma_wait3A_172 : memref<10240x32xf32, #tpu.memory_space<vmem_shared>>) dst(%arg15 : memref<128x32xf32, #tpu.memory_space<vmem>>)
      %add3A_173 = arith.constant 2 : i32
      %add3A_174 = arith.addi %add3A_57, %add3A_173 : i32
      %add3A_175 = arith.constant 3 : i32
      %add3A_176 = arith.addi %add3A_174, %add3A_175 : i32
      %sub3A_177 = arith.constant 1 : i32
      %sub3A_178 = arith.subi %add3A_176, %sub3A_177 : i32
      %mul3A_179 = arith.constant 1 : i32
      %mul3A_180 = arith.muli %sub3A_178, %mul3A_179 : i32
      %add3A_181 = arith.constant 0 : i32
      %add3A_182 = arith.addi %mul3A_180, %add3A_181 : i32
      %dma_start3A_183 = arith.constant 0 : i32
      %dma_start3A_184 = tpu.memref_slice %arg10[%add3A_182, %dma_start3A_183] : memref<83x128xi32, #tpu.memory_space<vmem>> -> memref<1x128xi32, #tpu.memory_space<vmem>>
      %dma_start3A_185 = tpu.memref_squeeze %dma_start3A_184 : memref<1x128xi32, #tpu.memory_space<vmem>> -> memref<128xi32, #tpu.memory_space<vmem>>
      %dma_start3A_186 = arith.constant 0 : i32
      %dma_start3A_187 = arith.constant 0 : i32
      %dma_start3A_188 = tpu.memref_slice %arg17[%dma_start3A_186, %dma_start3A_187] : memref<10240x32xf32, #tpu.memory_space<vmem_shared>> -> memref<10240x32xf32, #tpu.memory_space<vmem_shared>>
      tpu.enqueue_indirect_dma source(%dma_start3A_188 : memref<10240x32xf32, #tpu.memory_space<vmem_shared>>) target(%arg14 : memref<128x32xf32, #tpu.memory_space<vmem>>) offsets(%dma_start3A_185 : memref<128xi32, #tpu.memory_space<vmem>>) semaphore(%arg19 : memref<!tpu.dma_semaphore, #tpu.memory_space<semaphore_mem>>)
      %add3A_189 = arith.constant 2 : i32
      %add3A_190 = arith.addi %add3A_57, %add3A_189 : i32
      %mul3A_191 = arith.constant 1 : i32
      %mul3A_192 = arith.muli %add3A_190, %mul3A_191 : i32
      %add3A_193 = arith.constant 0 : i32
      %add3A_194 = arith.addi %mul3A_192, %add3A_193 : i32
      %dma_start3A_195 = arith.constant 0 : i32
      %dma_start3A_196 = tpu.memref_slice %arg11[%add3A_194, %dma_start3A_195] : memref<81x128xi32, #tpu.memory_space<vmem>> -> memref<1x128xi32, #tpu.memory_space<vmem>>
      %dma_start3A_197 = tpu.memref_squeeze %dma_start3A_196 : memref<1x128xi32, #tpu.memory_space<vmem>> -> memref<128xi32, #tpu.memory_space<vmem>>
      %dma_start3A_198 = arith.constant 0 : i32
      %dma_start3A_199 = arith.constant 0 : i32
      %dma_start3A_200 = tpu.memref_slice %arg16[%dma_start3A_198, %dma_start3A_199] : memref<10240x32xf32, #tpu.memory_space<vmem_shared>> -> memref<10240x32xf32, #tpu.memory_space<vmem_shared>>
      tpu.enqueue_indirect_dma source(%arg15 : memref<128x32xf32, #tpu.memory_space<vmem>>) target(%dma_start3A_200 : memref<10240x32xf32, #tpu.memory_space<vmem_shared>>) offsets(%dma_start3A_197 : memref<128xi32, #tpu.memory_space<vmem>>) semaphore(%arg23 : memref<!tpu.dma_semaphore, #tpu.memory_space<semaphore_mem>>) {add = true}
      %add3A_201 = arith.constant 2 : i32
      %add3A_202 = arith.addi %add3A_57, %add3A_201 : i32
      %mul3A_203 = arith.constant 1 : i32
      %mul3A_204 = arith.muli %add3A_202, %mul3A_203 : i32
      %add3A_205 = arith.constant 0 : i32
      %add3A_206 = arith.addi %mul3A_204, %add3A_205 : i32
      %dma_wait3A_207 = arith.constant 0 : i32
      %dma_wait3A_208 = tpu.memref_slice %arg11[%add3A_206, %dma_wait3A_207] : memref<81x128xi32, #tpu.memory_space<vmem>> -> memref<1x128xi32, #tpu.memory_space<vmem>>
      %dma_wait3A_209 = tpu.memref_squeeze %dma_wait3A_208 : memref<1x128xi32, #tpu.memory_space<vmem>> -> memref<128xi32, #tpu.memory_space<vmem>>
      %dma_wait3A_210 = arith.constant 0 : i32
      %dma_wait3A_211 = arith.constant 0 : i32
      %dma_wait3A_212 = tpu.memref_slice %arg16[%dma_wait3A_210, %dma_wait3A_211] : memref<10240x32xf32, #tpu.memory_space<vmem_shared>> -> memref<10240x32xf32, #tpu.memory_space<vmem_shared>>
      tpu.wait_indirect_dma semaphore(%arg23 : memref<!tpu.dma_semaphore, #tpu.memory_space<semaphore_mem>>) src(%arg15 : memref<128x32xf32, #tpu.memory_space<vmem>>) dst(%dma_wait3A_212 : memref<10240x32xf32, #tpu.memory_space<vmem_shared>>)
    }
    %scan3A_28 = arith.constant 27 : i32
    %dma_wait3A = arith.constant 81 : i32
    %dma_wait3A_29 = arith.constant 0 : i32
    %dma_wait3A_30 = tpu.memref_slice %arg10[%dma_wait3A, %dma_wait3A_29] : memref<83x128xi32, #tpu.memory_space<vmem>> -> memref<1x128xi32, #tpu.memory_space<vmem>>
    %dma_wait3A_31 = tpu.memref_squeeze %dma_wait3A_30 : memref<1x128xi32, #tpu.memory_space<vmem>> -> memref<128xi32, #tpu.memory_space<vmem>>
    %dma_wait3A_32 = arith.constant 0 : i32
    %dma_wait3A_33 = arith.constant 0 : i32
    %dma_wait3A_34 = tpu.memref_slice %arg17[%dma_wait3A_32, %dma_wait3A_33] : memref<10240x32xf32, #tpu.memory_space<vmem_shared>> -> memref<10240x32xf32, #tpu.memory_space<vmem_shared>>
    tpu.wait_indirect_dma semaphore(%arg18 : memref<!tpu.dma_semaphore, #tpu.memory_space<semaphore_mem>>) src(%dma_wait3A_34 : memref<10240x32xf32, #tpu.memory_space<vmem_shared>>) dst(%arg13 : memref<128x32xf32, #tpu.memory_space<vmem>>)
    %dma_wait3A_35 = arith.constant 82 : i32
    %dma_wait3A_36 = arith.constant 0 : i32
    %dma_wait3A_37 = tpu.memref_slice %arg10[%dma_wait3A_35, %dma_wait3A_36] : memref<83x128xi32, #tpu.memory_space<vmem>> -> memref<1x128xi32, #tpu.memory_space<vmem>>
    %dma_wait3A_38 = tpu.memref_squeeze %dma_wait3A_37 : memref<1x128xi32, #tpu.memory_space<vmem>> -> memref<128xi32, #tpu.memory_space<vmem>>
    %dma_wait3A_39 = arith.constant 0 : i32
    %dma_wait3A_40 = arith.constant 0 : i32
    %dma_wait3A_41 = tpu.memref_slice %arg17[%dma_wait3A_39, %dma_wait3A_40] : memref<10240x32xf32, #tpu.memory_space<vmem_shared>> -> memref<10240x32xf32, #tpu.memory_space<vmem_shared>>
    tpu.wait_indirect_dma semaphore(%arg19 : memref<!tpu.dma_semaphore, #tpu.memory_space<semaphore_mem>>) src(%dma_wait3A_41 : memref<10240x32xf32, #tpu.memory_space<vmem_shared>>) dst(%arg14 : memref<128x32xf32, #tpu.memory_space<vmem>>)
    %barrier3A_42 = arith.constant 0 : index
    tpu.barrier barrier_id(%barrier3A_42)
    %eq3A_43 = arith.constant 0 : i32
    %eq3A_44 = arith.cmpi eq, %arg0, %eq3A_43 : i32
    %convert_element_type3A_45 = arith.extui %eq3A_44 : i1 to i32
    %cond3A_46 = arith.constant 0 : i32
    %cond3A_47 = arith.cmpi ne, %convert_element_type3A_45, %cond3A_46 : i32
    scf.if %cond3A_47 {
      "tpu.region"() ({
        %run_scoped3A = tpu.sem_alloc : memref<!tpu.dma_semaphore, #tpu.memory_space<semaphore_mem>>
        %dma_start3A_53 = arith.constant 0 : i32
        %dma_start3A_54 = tpu.memref_slice %arg8[%mul3A_4, %dma_start3A_53] : memref<10240x32xf32, #tpu.memory_space<hbm>> -> memref<640x32xf32, #tpu.memory_space<hbm>>
        %dma_start3A_55 = arith.constant 0 : i32
        %dma_start3A_56 = tpu.memref_slice %arg16[%mul3A_4, %dma_start3A_55] : memref<10240x32xf32, #tpu.memory_space<vmem_shared>> -> memref<640x32xf32, #tpu.memory_space<vmem_shared>>
        tpu.enqueue_dma source(%dma_start3A_56 : memref<640x32xf32, #tpu.memory_space<vmem_shared>>) target(%dma_start3A_54 : memref<640x32xf32, #tpu.memory_space<hbm>>) target_semaphore(%run_scoped3A : memref<!tpu.dma_semaphore, #tpu.memory_space<semaphore_mem>>)
        %dma_wait3A_57 = arith.constant 0 : i32
        %dma_wait3A_58 = tpu.memref_slice %arg8[%mul3A_4, %dma_wait3A_57] : memref<10240x32xf32, #tpu.memory_space<hbm>> -> memref<640x32xf32, #tpu.memory_space<hbm>>
        %dma_wait3A_59 = arith.constant 0 : i32
        %dma_wait3A_60 = tpu.memref_slice %arg16[%mul3A_4, %dma_wait3A_59] : memref<10240x32xf32, #tpu.memory_space<vmem_shared>> -> memref<640x32xf32, #tpu.memory_space<vmem_shared>>
        tpu.wait_dma2 semaphore(%run_scoped3A : memref<!tpu.dma_semaphore, #tpu.memory_space<semaphore_mem>>) src(%dma_wait3A_60 : memref<640x32xf32, #tpu.memory_space<vmem_shared>>) dst(%dma_wait3A_58 : memref<640x32xf32, #tpu.memory_space<hbm>>)
        tpu.yield
      }) : () -> ()
    } else {
    }
    %eq3A_48 = arith.constant 1 : i32
    %eq3A_49 = arith.cmpi eq, %arg0, %eq3A_48 : i32
    %convert_element_type3A_50 = arith.extui %eq3A_49 : i1 to i32
    %cond3A_51 = arith.constant 0 : i32
    %cond3A_52 = arith.cmpi ne, %convert_element_type3A_50, %cond3A_51 : i32
    scf.if %cond3A_52 {
      "tpu.region"() ({
        %run_scoped3A = tpu.sem_alloc : memref<!tpu.dma_semaphore, #tpu.memory_space<semaphore_mem>>
        %dma_start3A_53 = arith.constant 0 : i32
        %dma_start3A_54 = tpu.memref_slice %arg9[%mul3A_4, %dma_start3A_53] : memref<10240x32xf32, #tpu.memory_space<hbm>> -> memref<640x32xf32, #tpu.memory_space<hbm>>
        %dma_start3A_55 = arith.constant 0 : i32
        %dma_start3A_56 = tpu.memref_slice %arg16[%mul3A_4, %dma_start3A_55] : memref<10240x32xf32, #tpu.memory_space<vmem_shared>> -> memref<640x32xf32, #tpu.memory_space<vmem_shared>>
        tpu.enqueue_dma source(%dma_start3A_56 : memref<640x32xf32, #tpu.memory_space<vmem_shared>>) target(%dma_start3A_54 : memref<640x32xf32, #tpu.memory_space<hbm>>) target_semaphore(%run_scoped3A : memref<!tpu.dma_semaphore, #tpu.memory_space<semaphore_mem>>)
        %dma_wait3A_57 = arith.constant 0 : i32
        %dma_wait3A_58 = tpu.memref_slice %arg9[%mul3A_4, %dma_wait3A_57] : memref<10240x32xf32, #tpu.memory_space<hbm>> -> memref<640x32xf32, #tpu.memory_space<hbm>>
        %dma_wait3A_59 = arith.constant 0 : i32
        %dma_wait3A_60 = tpu.memref_slice %arg16[%mul3A_4, %dma_wait3A_59] : memref<10240x32xf32, #tpu.memory_space<vmem_shared>> -> memref<640x32xf32, #tpu.memory_space<vmem_shared>>
        tpu.wait_dma2 semaphore(%run_scoped3A : memref<!tpu.dma_semaphore, #tpu.memory_space<semaphore_mem>>) src(%dma_wait3A_60 : memref<640x32xf32, #tpu.memory_space<vmem_shared>>) dst(%dma_wait3A_58 : memref<640x32xf32, #tpu.memory_space<hbm>>)
        tpu.yield
      }) : () -> ()
    } else {
    }
    return
  }
}

#map = affine_map<(d0, d1) -> (0, 0)>
module attributes {stable_mosaic.version = 14 : i64} {
  func.func @prop(%arg0: i32, %arg1: i32, %arg2: memref<10240x64xf32, #tpu.memory_space<hbm>>, %arg3: memref<10240x64xf32, #tpu.memory_space<hbm>>, %arg4: memref<2592x128xi32, #tpu.memory_space<hbm>>, %arg5: memref<2592x128xi32, #tpu.memory_space<hbm>>, %arg6: memref<10240x64xf32, #tpu.memory_space<hbm>>, %arg7: memref<80x128xi32, #tpu.memory_space<hbm>>, %arg8: memref<10240x64xf32, #tpu.memory_space<hbm>>, %arg9: memref<10240x64xf32, #tpu.memory_space<hbm>>, %arg10: memref<83x128xi32, #tpu.memory_space<vmem>>, %arg11: memref<81x128xi32, #tpu.memory_space<vmem>>, %arg12: memref<5x128xi32, #tpu.memory_space<vmem>>, %arg13: memref<128x64xf32, #tpu.memory_space<vmem>>, %arg14: memref<128x64xf32, #tpu.memory_space<vmem>>, %arg15: memref<128x64xf32, #tpu.memory_space<vmem>>, %arg16: memref<10240x64xf32, #tpu.memory_space<vmem_shared>>, %arg17: memref<10240x64xf32, #tpu.memory_space<vmem_shared>>, %arg18: memref<!tpu.dma_semaphore, #tpu.memory_space<semaphore_mem>>, %arg19: memref<!tpu.dma_semaphore, #tpu.memory_space<semaphore_mem>>, %arg20: memref<!tpu.dma_semaphore, #tpu.memory_space<semaphore_mem>>, %arg21: memref<!tpu.dma_semaphore, #tpu.memory_space<semaphore_mem>>, %arg22: memref<!tpu.dma_semaphore, #tpu.memory_space<semaphore_mem>>, %arg23: memref<!tpu.dma_semaphore, #tpu.memory_space<semaphore_mem>>) attributes {dimension_semantics = [#tpu.dimension_semantics<core_parallel>, #tpu.dimension_semantics<subcore_parallel>], iteration_bounds = array<i64: 2, 16>, scalar_prefetch = 0 : i64, scratch_operands = 14 : i64, tpu.core_type = #tpu.core_type<sc_vector_subcore>, window_params = [{transform_indices = #map}, {transform_indices = #map}, {transform_indices = #map}, {transform_indices = #map}, {transform_indices = #map}, {transform_indices = #map}, {transform_indices = #map}, {transform_indices = #map}]} {
    %mul3A = arith.constant 2 : i32
    %mul3A_0 = arith.muli %arg1, %mul3A : i32
    %add3A = arith.addi %mul3A_0, %arg0 : i32
    %mul3A_1 = arith.constant 81 : i32
    %mul3A_2 = arith.muli %add3A, %mul3A_1 : i32
    %mul3A_3 = arith.constant 640 : i32
    %mul3A_4 = arith.muli %arg1, %mul3A_3 : i32
    "tpu.region"() ({
      %run_scoped3A_69 = tpu.sem_alloc : memref<!tpu.dma_semaphore, #tpu.memory_space<semaphore_mem>>
      %dma_start3A_70 = arith.constant 0 : i32
      %dma_start3A_71 = arith.constant 0 : i32
      %dma_start3A_72 = tpu.memref_slice %arg10[%dma_start3A_70, %dma_start3A_71] : memref<83x128xi32, #tpu.memory_space<vmem>> -> memref<81x128xi32, #tpu.memory_space<vmem>>
      %dma_start3A_73 = arith.constant 0 : i32
      %dma_start3A_74 = tpu.memref_slice %arg4[%mul3A_2, %dma_start3A_73] : memref<2592x128xi32, #tpu.memory_space<hbm>> -> memref<81x128xi32, #tpu.memory_space<hbm>>
      %dma_start3A_75 = arith.constant 0 : i32
      %dma_start3A_76 = arith.constant 0 : i32
      %dma_start3A_77 = tpu.memref_slice %arg10[%dma_start3A_75, %dma_start3A_76] : memref<83x128xi32, #tpu.memory_space<vmem>> -> memref<81x128xi32, #tpu.memory_space<vmem>>
      %dma_start3A_78 = arith.constant 0 : i32
      %dma_start3A_79 = tpu.memref_slice %arg4[%mul3A_2, %dma_start3A_78] : memref<2592x128xi32, #tpu.memory_space<hbm>> -> memref<81x128xi32, #tpu.memory_space<hbm>>
      tpu.enqueue_dma source(%dma_start3A_79 : memref<81x128xi32, #tpu.memory_space<hbm>>) target(%dma_start3A_77 : memref<81x128xi32, #tpu.memory_space<vmem>>) target_semaphore(%run_scoped3A_69 : memref<!tpu.dma_semaphore, #tpu.memory_space<semaphore_mem>>)
      %dma_wait3A_80 = arith.constant 0 : i32
      %dma_wait3A_81 = arith.constant 0 : i32
      %dma_wait3A_82 = tpu.memref_slice %arg10[%dma_wait3A_80, %dma_wait3A_81] : memref<83x128xi32, #tpu.memory_space<vmem>> -> memref<81x128xi32, #tpu.memory_space<vmem>>
      %dma_wait3A_83 = arith.constant 0 : i32
      %dma_wait3A_84 = tpu.memref_slice %arg4[%mul3A_2, %dma_wait3A_83] : memref<2592x128xi32, #tpu.memory_space<hbm>> -> memref<81x128xi32, #tpu.memory_space<hbm>>
      %dma_wait3A_85 = arith.constant 0 : i32
      %dma_wait3A_86 = arith.constant 0 : i32
      %dma_wait3A_87 = tpu.memref_slice %arg10[%dma_wait3A_85, %dma_wait3A_86] : memref<83x128xi32, #tpu.memory_space<vmem>> -> memref<81x128xi32, #tpu.memory_space<vmem>>
      %dma_wait3A_88 = arith.constant 0 : i32
      %dma_wait3A_89 = tpu.memref_slice %arg4[%mul3A_2, %dma_wait3A_88] : memref<2592x128xi32, #tpu.memory_space<hbm>> -> memref<81x128xi32, #tpu.memory_space<hbm>>
      tpu.wait_dma2 semaphore(%run_scoped3A_69 : memref<!tpu.dma_semaphore, #tpu.memory_space<semaphore_mem>>) src(%dma_wait3A_89 : memref<81x128xi32, #tpu.memory_space<hbm>>) dst(%dma_wait3A_87 : memref<81x128xi32, #tpu.memory_space<vmem>>)
      tpu.yield
    }) : () -> ()
    "tpu.region"() ({
      %run_scoped3A_69 = tpu.sem_alloc : memref<!tpu.dma_semaphore, #tpu.memory_space<semaphore_mem>>
      %dma_start3A_70 = arith.constant 81 : i32
      %dma_start3A_71 = arith.constant 0 : i32
      %dma_start3A_72 = tpu.memref_slice %arg10[%dma_start3A_70, %dma_start3A_71] : memref<83x128xi32, #tpu.memory_space<vmem>> -> memref<2x128xi32, #tpu.memory_space<vmem>>
      %dma_start3A_73 = arith.constant 0 : i32
      %dma_start3A_74 = arith.constant 0 : i32
      %dma_start3A_75 = tpu.memref_slice %arg4[%dma_start3A_73, %dma_start3A_74] : memref<2592x128xi32, #tpu.memory_space<hbm>> -> memref<2x128xi32, #tpu.memory_space<hbm>>
      %dma_start3A_76 = arith.constant 81 : i32
      %dma_start3A_77 = arith.constant 0 : i32
      %dma_start3A_78 = tpu.memref_slice %arg10[%dma_start3A_76, %dma_start3A_77] : memref<83x128xi32, #tpu.memory_space<vmem>> -> memref<2x128xi32, #tpu.memory_space<vmem>>
      %dma_start3A_79 = arith.constant 0 : i32
      %dma_start3A_80 = arith.constant 0 : i32
      %dma_start3A_81 = tpu.memref_slice %arg4[%dma_start3A_79, %dma_start3A_80] : memref<2592x128xi32, #tpu.memory_space<hbm>> -> memref<2x128xi32, #tpu.memory_space<hbm>>
      tpu.enqueue_dma source(%dma_start3A_81 : memref<2x128xi32, #tpu.memory_space<hbm>>) target(%dma_start3A_78 : memref<2x128xi32, #tpu.memory_space<vmem>>) target_semaphore(%run_scoped3A_69 : memref<!tpu.dma_semaphore, #tpu.memory_space<semaphore_mem>>)
      %dma_wait3A_82 = arith.constant 81 : i32
      %dma_wait3A_83 = arith.constant 0 : i32
      %dma_wait3A_84 = tpu.memref_slice %arg10[%dma_wait3A_82, %dma_wait3A_83] : memref<83x128xi32, #tpu.memory_space<vmem>> -> memref<2x128xi32, #tpu.memory_space<vmem>>
      %dma_wait3A_85 = arith.constant 0 : i32
      %dma_wait3A_86 = arith.constant 0 : i32
      %dma_wait3A_87 = tpu.memref_slice %arg4[%dma_wait3A_85, %dma_wait3A_86] : memref<2592x128xi32, #tpu.memory_space<hbm>> -> memref<2x128xi32, #tpu.memory_space<hbm>>
      %dma_wait3A_88 = arith.constant 81 : i32
      %dma_wait3A_89 = arith.constant 0 : i32
      %dma_wait3A_90 = tpu.memref_slice %arg10[%dma_wait3A_88, %dma_wait3A_89] : memref<83x128xi32, #tpu.memory_space<vmem>> -> memref<2x128xi32, #tpu.memory_space<vmem>>
      %dma_wait3A_91 = arith.constant 0 : i32
      %dma_wait3A_92 = arith.constant 0 : i32
      %dma_wait3A_93 = tpu.memref_slice %arg4[%dma_wait3A_91, %dma_wait3A_92] : memref<2592x128xi32, #tpu.memory_space<hbm>> -> memref<2x128xi32, #tpu.memory_space<hbm>>
      tpu.wait_dma2 semaphore(%run_scoped3A_69 : memref<!tpu.dma_semaphore, #tpu.memory_space<semaphore_mem>>) src(%dma_wait3A_93 : memref<2x128xi32, #tpu.memory_space<hbm>>) dst(%dma_wait3A_90 : memref<2x128xi32, #tpu.memory_space<vmem>>)
      tpu.yield
    }) : () -> ()
    "tpu.region"() ({
      %run_scoped3A_69 = tpu.sem_alloc : memref<!tpu.dma_semaphore, #tpu.memory_space<semaphore_mem>>
      %dma_start3A_70 = arith.constant 0 : i32
      %dma_start3A_71 = tpu.memref_slice %arg5[%mul3A_2, %dma_start3A_70] : memref<2592x128xi32, #tpu.memory_space<hbm>> -> memref<81x128xi32, #tpu.memory_space<hbm>>
      %dma_start3A_72 = arith.constant 0 : i32
      %dma_start3A_73 = tpu.memref_slice %arg5[%mul3A_2, %dma_start3A_72] : memref<2592x128xi32, #tpu.memory_space<hbm>> -> memref<81x128xi32, #tpu.memory_space<hbm>>
      tpu.enqueue_dma source(%dma_start3A_73 : memref<81x128xi32, #tpu.memory_space<hbm>>) target(%arg11 : memref<81x128xi32, #tpu.memory_space<vmem>>) target_semaphore(%run_scoped3A_69 : memref<!tpu.dma_semaphore, #tpu.memory_space<semaphore_mem>>)
      %dma_wait3A_74 = arith.constant 0 : i32
      %dma_wait3A_75 = tpu.memref_slice %arg5[%mul3A_2, %dma_wait3A_74] : memref<2592x128xi32, #tpu.memory_space<hbm>> -> memref<81x128xi32, #tpu.memory_space<hbm>>
      %dma_wait3A_76 = arith.constant 0 : i32
      %dma_wait3A_77 = tpu.memref_slice %arg5[%mul3A_2, %dma_wait3A_76] : memref<2592x128xi32, #tpu.memory_space<hbm>> -> memref<81x128xi32, #tpu.memory_space<hbm>>
      tpu.wait_dma2 semaphore(%run_scoped3A_69 : memref<!tpu.dma_semaphore, #tpu.memory_space<semaphore_mem>>) src(%dma_wait3A_77 : memref<81x128xi32, #tpu.memory_space<hbm>>) dst(%arg11 : memref<81x128xi32, #tpu.memory_space<vmem>>)
      tpu.yield
    }) : () -> ()
    %mul3A_5 = arith.constant 5 : i32
    %mul3A_6 = arith.muli %arg1, %mul3A_5 : i32
    "tpu.region"() ({
      %run_scoped3A_69 = tpu.sem_alloc : memref<!tpu.dma_semaphore, #tpu.memory_space<semaphore_mem>>
      %dma_start3A_70 = arith.constant 0 : i32
      %dma_start3A_71 = tpu.memref_slice %arg7[%mul3A_6, %dma_start3A_70] : memref<80x128xi32, #tpu.memory_space<hbm>> -> memref<5x128xi32, #tpu.memory_space<hbm>>
      %dma_start3A_72 = arith.constant 0 : i32
      %dma_start3A_73 = tpu.memref_slice %arg7[%mul3A_6, %dma_start3A_72] : memref<80x128xi32, #tpu.memory_space<hbm>> -> memref<5x128xi32, #tpu.memory_space<hbm>>
      tpu.enqueue_dma source(%dma_start3A_73 : memref<5x128xi32, #tpu.memory_space<hbm>>) target(%arg12 : memref<5x128xi32, #tpu.memory_space<vmem>>) target_semaphore(%run_scoped3A_69 : memref<!tpu.dma_semaphore, #tpu.memory_space<semaphore_mem>>)
      %dma_wait3A_74 = arith.constant 0 : i32
      %dma_wait3A_75 = tpu.memref_slice %arg7[%mul3A_6, %dma_wait3A_74] : memref<80x128xi32, #tpu.memory_space<hbm>> -> memref<5x128xi32, #tpu.memory_space<hbm>>
      %dma_wait3A_76 = arith.constant 0 : i32
      %dma_wait3A_77 = tpu.memref_slice %arg7[%mul3A_6, %dma_wait3A_76] : memref<80x128xi32, #tpu.memory_space<hbm>> -> memref<5x128xi32, #tpu.memory_space<hbm>>
      tpu.wait_dma2 semaphore(%run_scoped3A_69 : memref<!tpu.dma_semaphore, #tpu.memory_space<semaphore_mem>>) src(%dma_wait3A_77 : memref<5x128xi32, #tpu.memory_space<hbm>>) dst(%arg12 : memref<5x128xi32, #tpu.memory_space<vmem>>)
      tpu.yield
    }) : () -> ()
    "tpu.region"() ({
      %run_scoped3A_69 = tpu.sem_alloc : memref<!tpu.dma_semaphore, #tpu.memory_space<semaphore_mem>>
      %dma_start3A_70 = arith.constant 0 : i32
      %dma_start3A_71 = tpu.memref_slice %arg17[%mul3A_4, %dma_start3A_70] : memref<10240x64xf32, #tpu.memory_space<vmem_shared>> -> memref<640x64xf32, #tpu.memory_space<vmem_shared>>
      %dma_start3A_72 = arith.constant 0 : i32
      %dma_start3A_73 = tpu.memref_slice %arg2[%mul3A_4, %dma_start3A_72] : memref<10240x64xf32, #tpu.memory_space<hbm>> -> memref<640x64xf32, #tpu.memory_space<hbm>>
      tpu.enqueue_dma source(%dma_start3A_73 : memref<640x64xf32, #tpu.memory_space<hbm>>) target(%dma_start3A_71 : memref<640x64xf32, #tpu.memory_space<vmem_shared>>) target_semaphore(%run_scoped3A_69 : memref<!tpu.dma_semaphore, #tpu.memory_space<semaphore_mem>>)
      %dma_wait3A_74 = arith.constant 0 : i32
      %dma_wait3A_75 = tpu.memref_slice %arg17[%mul3A_4, %dma_wait3A_74] : memref<10240x64xf32, #tpu.memory_space<vmem_shared>> -> memref<640x64xf32, #tpu.memory_space<vmem_shared>>
      %dma_wait3A_76 = arith.constant 0 : i32
      %dma_wait3A_77 = tpu.memref_slice %arg2[%mul3A_4, %dma_wait3A_76] : memref<10240x64xf32, #tpu.memory_space<hbm>> -> memref<640x64xf32, #tpu.memory_space<hbm>>
      tpu.wait_dma2 semaphore(%run_scoped3A_69 : memref<!tpu.dma_semaphore, #tpu.memory_space<semaphore_mem>>) src(%dma_wait3A_77 : memref<640x64xf32, #tpu.memory_space<hbm>>) dst(%dma_wait3A_75 : memref<640x64xf32, #tpu.memory_space<vmem_shared>>)
      tpu.yield
    }) : () -> ()
    %add3A_7 = arith.constant 0 : i32
    %add3A_8 = arith.addi %mul3A_4, %add3A_7 : i32
    "tpu.region"() ({
      %run_scoped3A_69 = tpu.sem_alloc : memref<!tpu.dma_semaphore, #tpu.memory_space<semaphore_mem>>
      %dma_start3A_70 = arith.constant 0 : i32
      %dma_start3A_71 = tpu.memref_slice %arg3[%add3A_8, %dma_start3A_70] : memref<10240x64xf32, #tpu.memory_space<hbm>> -> memref<128x64xf32, #tpu.memory_space<hbm>>
      %dma_start3A_72 = arith.constant 0 : i32
      %dma_start3A_73 = tpu.memref_slice %arg3[%add3A_8, %dma_start3A_72] : memref<10240x64xf32, #tpu.memory_space<hbm>> -> memref<128x64xf32, #tpu.memory_space<hbm>>
      tpu.enqueue_dma source(%dma_start3A_73 : memref<128x64xf32, #tpu.memory_space<hbm>>) target(%arg13 : memref<128x64xf32, #tpu.memory_space<vmem>>) target_semaphore(%run_scoped3A_69 : memref<!tpu.dma_semaphore, #tpu.memory_space<semaphore_mem>>)
      %dma_wait3A_74 = arith.constant 0 : i32
      %dma_wait3A_75 = tpu.memref_slice %arg3[%add3A_8, %dma_wait3A_74] : memref<10240x64xf32, #tpu.memory_space<hbm>> -> memref<128x64xf32, #tpu.memory_space<hbm>>
      %dma_wait3A_76 = arith.constant 0 : i32
      %dma_wait3A_77 = tpu.memref_slice %arg3[%add3A_8, %dma_wait3A_76] : memref<10240x64xf32, #tpu.memory_space<hbm>> -> memref<128x64xf32, #tpu.memory_space<hbm>>
      tpu.wait_dma2 semaphore(%run_scoped3A_69 : memref<!tpu.dma_semaphore, #tpu.memory_space<semaphore_mem>>) src(%dma_wait3A_77 : memref<128x64xf32, #tpu.memory_space<hbm>>) dst(%arg13 : memref<128x64xf32, #tpu.memory_space<vmem>>)
      tpu.yield
    }) : () -> ()
    %run_scoped3A = arith.constant 0 : i32
    "tpu.region"() ({
      %run_scoped3A_69 = tpu.sem_alloc : memref<!tpu.dma_semaphore, #tpu.memory_space<semaphore_mem>>
      %dma_start3A_70 = arith.constant 0 : i32
      %dma_start3A_71 = tpu.memref_slice %arg12[%run_scoped3A, %dma_start3A_70] : memref<5x128xi32, #tpu.memory_space<vmem>> -> memref<1x128xi32, #tpu.memory_space<vmem>>
      %dma_start3A_72 = tpu.memref_squeeze %dma_start3A_71 : memref<1x128xi32, #tpu.memory_space<vmem>> -> memref<128xi32, #tpu.memory_space<vmem>>
      %dma_start3A_73 = arith.constant 0 : i32
      %dma_start3A_74 = arith.constant 0 : i32
      %dma_start3A_75 = tpu.memref_slice %arg17[%dma_start3A_73, %dma_start3A_74] : memref<10240x64xf32, #tpu.memory_space<vmem_shared>> -> memref<10240x64xf32, #tpu.memory_space<vmem_shared>>
      tpu.enqueue_indirect_dma source(%arg13 : memref<128x64xf32, #tpu.memory_space<vmem>>) target(%dma_start3A_75 : memref<10240x64xf32, #tpu.memory_space<vmem_shared>>) offsets(%dma_start3A_72 : memref<128xi32, #tpu.memory_space<vmem>>) semaphore(%run_scoped3A_69 : memref<!tpu.dma_semaphore, #tpu.memory_space<semaphore_mem>>) {add = true}
      %dma_wait3A_76 = arith.constant 0 : i32
      %dma_wait3A_77 = tpu.memref_slice %arg12[%run_scoped3A, %dma_wait3A_76] : memref<5x128xi32, #tpu.memory_space<vmem>> -> memref<1x128xi32, #tpu.memory_space<vmem>>
      %dma_wait3A_78 = tpu.memref_squeeze %dma_wait3A_77 : memref<1x128xi32, #tpu.memory_space<vmem>> -> memref<128xi32, #tpu.memory_space<vmem>>
      %dma_wait3A_79 = arith.constant 0 : i32
      %dma_wait3A_80 = arith.constant 0 : i32
      %dma_wait3A_81 = tpu.memref_slice %arg17[%dma_wait3A_79, %dma_wait3A_80] : memref<10240x64xf32, #tpu.memory_space<vmem_shared>> -> memref<10240x64xf32, #tpu.memory_space<vmem_shared>>
      tpu.wait_indirect_dma semaphore(%run_scoped3A_69 : memref<!tpu.dma_semaphore, #tpu.memory_space<semaphore_mem>>) src(%arg13 : memref<128x64xf32, #tpu.memory_space<vmem>>) dst(%dma_wait3A_81 : memref<10240x64xf32, #tpu.memory_space<vmem_shared>>)
      tpu.yield
    }) : () -> ()
    %add3A_9 = arith.constant 128 : i32
    %add3A_10 = arith.addi %mul3A_4, %add3A_9 : i32
    "tpu.region"() ({
      %run_scoped3A_69 = tpu.sem_alloc : memref<!tpu.dma_semaphore, #tpu.memory_space<semaphore_mem>>
      %dma_start3A_70 = arith.constant 0 : i32
      %dma_start3A_71 = tpu.memref_slice %arg3[%add3A_10, %dma_start3A_70] : memref<10240x64xf32, #tpu.memory_space<hbm>> -> memref<128x64xf32, #tpu.memory_space<hbm>>
      %dma_start3A_72 = arith.constant 0 : i32
      %dma_start3A_73 = tpu.memref_slice %arg3[%add3A_10, %dma_start3A_72] : memref<10240x64xf32, #tpu.memory_space<hbm>> -> memref<128x64xf32, #tpu.memory_space<hbm>>
      tpu.enqueue_dma source(%dma_start3A_73 : memref<128x64xf32, #tpu.memory_space<hbm>>) target(%arg13 : memref<128x64xf32, #tpu.memory_space<vmem>>) target_semaphore(%run_scoped3A_69 : memref<!tpu.dma_semaphore, #tpu.memory_space<semaphore_mem>>)
      %dma_wait3A_74 = arith.constant 0 : i32
      %dma_wait3A_75 = tpu.memref_slice %arg3[%add3A_10, %dma_wait3A_74] : memref<10240x64xf32, #tpu.memory_space<hbm>> -> memref<128x64xf32, #tpu.memory_space<hbm>>
      %dma_wait3A_76 = arith.constant 0 : i32
      %dma_wait3A_77 = tpu.memref_slice %arg3[%add3A_10, %dma_wait3A_76] : memref<10240x64xf32, #tpu.memory_space<hbm>> -> memref<128x64xf32, #tpu.memory_space<hbm>>
      tpu.wait_dma2 semaphore(%run_scoped3A_69 : memref<!tpu.dma_semaphore, #tpu.memory_space<semaphore_mem>>) src(%dma_wait3A_77 : memref<128x64xf32, #tpu.memory_space<hbm>>) dst(%arg13 : memref<128x64xf32, #tpu.memory_space<vmem>>)
      tpu.yield
    }) : () -> ()
    %run_scoped3A_11 = arith.constant 1 : i32
    "tpu.region"() ({
      %run_scoped3A_69 = tpu.sem_alloc : memref<!tpu.dma_semaphore, #tpu.memory_space<semaphore_mem>>
      %dma_start3A_70 = arith.constant 0 : i32
      %dma_start3A_71 = tpu.memref_slice %arg12[%run_scoped3A_11, %dma_start3A_70] : memref<5x128xi32, #tpu.memory_space<vmem>> -> memref<1x128xi32, #tpu.memory_space<vmem>>
      %dma_start3A_72 = tpu.memref_squeeze %dma_start3A_71 : memref<1x128xi32, #tpu.memory_space<vmem>> -> memref<128xi32, #tpu.memory_space<vmem>>
      %dma_start3A_73 = arith.constant 0 : i32
      %dma_start3A_74 = arith.constant 0 : i32
      %dma_start3A_75 = tpu.memref_slice %arg17[%dma_start3A_73, %dma_start3A_74] : memref<10240x64xf32, #tpu.memory_space<vmem_shared>> -> memref<10240x64xf32, #tpu.memory_space<vmem_shared>>
      tpu.enqueue_indirect_dma source(%arg13 : memref<128x64xf32, #tpu.memory_space<vmem>>) target(%dma_start3A_75 : memref<10240x64xf32, #tpu.memory_space<vmem_shared>>) offsets(%dma_start3A_72 : memref<128xi32, #tpu.memory_space<vmem>>) semaphore(%run_scoped3A_69 : memref<!tpu.dma_semaphore, #tpu.memory_space<semaphore_mem>>) {add = true}
      %dma_wait3A_76 = arith.constant 0 : i32
      %dma_wait3A_77 = tpu.memref_slice %arg12[%run_scoped3A_11, %dma_wait3A_76] : memref<5x128xi32, #tpu.memory_space<vmem>> -> memref<1x128xi32, #tpu.memory_space<vmem>>
      %dma_wait3A_78 = tpu.memref_squeeze %dma_wait3A_77 : memref<1x128xi32, #tpu.memory_space<vmem>> -> memref<128xi32, #tpu.memory_space<vmem>>
      %dma_wait3A_79 = arith.constant 0 : i32
      %dma_wait3A_80 = arith.constant 0 : i32
      %dma_wait3A_81 = tpu.memref_slice %arg17[%dma_wait3A_79, %dma_wait3A_80] : memref<10240x64xf32, #tpu.memory_space<vmem_shared>> -> memref<10240x64xf32, #tpu.memory_space<vmem_shared>>
      tpu.wait_indirect_dma semaphore(%run_scoped3A_69 : memref<!tpu.dma_semaphore, #tpu.memory_space<semaphore_mem>>) src(%arg13 : memref<128x64xf32, #tpu.memory_space<vmem>>) dst(%dma_wait3A_81 : memref<10240x64xf32, #tpu.memory_space<vmem_shared>>)
      tpu.yield
    }) : () -> ()
    %add3A_12 = arith.constant 256 : i32
    %add3A_13 = arith.addi %mul3A_4, %add3A_12 : i32
    "tpu.region"() ({
      %run_scoped3A_69 = tpu.sem_alloc : memref<!tpu.dma_semaphore, #tpu.memory_space<semaphore_mem>>
      %dma_start3A_70 = arith.constant 0 : i32
      %dma_start3A_71 = tpu.memref_slice %arg3[%add3A_13, %dma_start3A_70] : memref<10240x64xf32, #tpu.memory_space<hbm>> -> memref<128x64xf32, #tpu.memory_space<hbm>>
      %dma_start3A_72 = arith.constant 0 : i32
      %dma_start3A_73 = tpu.memref_slice %arg3[%add3A_13, %dma_start3A_72] : memref<10240x64xf32, #tpu.memory_space<hbm>> -> memref<128x64xf32, #tpu.memory_space<hbm>>
      tpu.enqueue_dma source(%dma_start3A_73 : memref<128x64xf32, #tpu.memory_space<hbm>>) target(%arg13 : memref<128x64xf32, #tpu.memory_space<vmem>>) target_semaphore(%run_scoped3A_69 : memref<!tpu.dma_semaphore, #tpu.memory_space<semaphore_mem>>)
      %dma_wait3A_74 = arith.constant 0 : i32
      %dma_wait3A_75 = tpu.memref_slice %arg3[%add3A_13, %dma_wait3A_74] : memref<10240x64xf32, #tpu.memory_space<hbm>> -> memref<128x64xf32, #tpu.memory_space<hbm>>
      %dma_wait3A_76 = arith.constant 0 : i32
      %dma_wait3A_77 = tpu.memref_slice %arg3[%add3A_13, %dma_wait3A_76] : memref<10240x64xf32, #tpu.memory_space<hbm>> -> memref<128x64xf32, #tpu.memory_space<hbm>>
      tpu.wait_dma2 semaphore(%run_scoped3A_69 : memref<!tpu.dma_semaphore, #tpu.memory_space<semaphore_mem>>) src(%dma_wait3A_77 : memref<128x64xf32, #tpu.memory_space<hbm>>) dst(%arg13 : memref<128x64xf32, #tpu.memory_space<vmem>>)
      tpu.yield
    }) : () -> ()
    %run_scoped3A_14 = arith.constant 2 : i32
    "tpu.region"() ({
      %run_scoped3A_69 = tpu.sem_alloc : memref<!tpu.dma_semaphore, #tpu.memory_space<semaphore_mem>>
      %dma_start3A_70 = arith.constant 0 : i32
      %dma_start3A_71 = tpu.memref_slice %arg12[%run_scoped3A_14, %dma_start3A_70] : memref<5x128xi32, #tpu.memory_space<vmem>> -> memref<1x128xi32, #tpu.memory_space<vmem>>
      %dma_start3A_72 = tpu.memref_squeeze %dma_start3A_71 : memref<1x128xi32, #tpu.memory_space<vmem>> -> memref<128xi32, #tpu.memory_space<vmem>>
      %dma_start3A_73 = arith.constant 0 : i32
      %dma_start3A_74 = arith.constant 0 : i32
      %dma_start3A_75 = tpu.memref_slice %arg17[%dma_start3A_73, %dma_start3A_74] : memref<10240x64xf32, #tpu.memory_space<vmem_shared>> -> memref<10240x64xf32, #tpu.memory_space<vmem_shared>>
      tpu.enqueue_indirect_dma source(%arg13 : memref<128x64xf32, #tpu.memory_space<vmem>>) target(%dma_start3A_75 : memref<10240x64xf32, #tpu.memory_space<vmem_shared>>) offsets(%dma_start3A_72 : memref<128xi32, #tpu.memory_space<vmem>>) semaphore(%run_scoped3A_69 : memref<!tpu.dma_semaphore, #tpu.memory_space<semaphore_mem>>) {add = true}
      %dma_wait3A_76 = arith.constant 0 : i32
      %dma_wait3A_77 = tpu.memref_slice %arg12[%run_scoped3A_14, %dma_wait3A_76] : memref<5x128xi32, #tpu.memory_space<vmem>> -> memref<1x128xi32, #tpu.memory_space<vmem>>
      %dma_wait3A_78 = tpu.memref_squeeze %dma_wait3A_77 : memref<1x128xi32, #tpu.memory_space<vmem>> -> memref<128xi32, #tpu.memory_space<vmem>>
      %dma_wait3A_79 = arith.constant 0 : i32
      %dma_wait3A_80 = arith.constant 0 : i32
      %dma_wait3A_81 = tpu.memref_slice %arg17[%dma_wait3A_79, %dma_wait3A_80] : memref<10240x64xf32, #tpu.memory_space<vmem_shared>> -> memref<10240x64xf32, #tpu.memory_space<vmem_shared>>
      tpu.wait_indirect_dma semaphore(%run_scoped3A_69 : memref<!tpu.dma_semaphore, #tpu.memory_space<semaphore_mem>>) src(%arg13 : memref<128x64xf32, #tpu.memory_space<vmem>>) dst(%dma_wait3A_81 : memref<10240x64xf32, #tpu.memory_space<vmem_shared>>)
      tpu.yield
    }) : () -> ()
    %add3A_15 = arith.constant 384 : i32
    %add3A_16 = arith.addi %mul3A_4, %add3A_15 : i32
    "tpu.region"() ({
      %run_scoped3A_69 = tpu.sem_alloc : memref<!tpu.dma_semaphore, #tpu.memory_space<semaphore_mem>>
      %dma_start3A_70 = arith.constant 0 : i32
      %dma_start3A_71 = tpu.memref_slice %arg3[%add3A_16, %dma_start3A_70] : memref<10240x64xf32, #tpu.memory_space<hbm>> -> memref<128x64xf32, #tpu.memory_space<hbm>>
      %dma_start3A_72 = arith.constant 0 : i32
      %dma_start3A_73 = tpu.memref_slice %arg3[%add3A_16, %dma_start3A_72] : memref<10240x64xf32, #tpu.memory_space<hbm>> -> memref<128x64xf32, #tpu.memory_space<hbm>>
      tpu.enqueue_dma source(%dma_start3A_73 : memref<128x64xf32, #tpu.memory_space<hbm>>) target(%arg13 : memref<128x64xf32, #tpu.memory_space<vmem>>) target_semaphore(%run_scoped3A_69 : memref<!tpu.dma_semaphore, #tpu.memory_space<semaphore_mem>>)
      %dma_wait3A_74 = arith.constant 0 : i32
      %dma_wait3A_75 = tpu.memref_slice %arg3[%add3A_16, %dma_wait3A_74] : memref<10240x64xf32, #tpu.memory_space<hbm>> -> memref<128x64xf32, #tpu.memory_space<hbm>>
      %dma_wait3A_76 = arith.constant 0 : i32
      %dma_wait3A_77 = tpu.memref_slice %arg3[%add3A_16, %dma_wait3A_76] : memref<10240x64xf32, #tpu.memory_space<hbm>> -> memref<128x64xf32, #tpu.memory_space<hbm>>
      tpu.wait_dma2 semaphore(%run_scoped3A_69 : memref<!tpu.dma_semaphore, #tpu.memory_space<semaphore_mem>>) src(%dma_wait3A_77 : memref<128x64xf32, #tpu.memory_space<hbm>>) dst(%arg13 : memref<128x64xf32, #tpu.memory_space<vmem>>)
      tpu.yield
    }) : () -> ()
    %run_scoped3A_17 = arith.constant 3 : i32
    "tpu.region"() ({
      %run_scoped3A_69 = tpu.sem_alloc : memref<!tpu.dma_semaphore, #tpu.memory_space<semaphore_mem>>
      %dma_start3A_70 = arith.constant 0 : i32
      %dma_start3A_71 = tpu.memref_slice %arg12[%run_scoped3A_17, %dma_start3A_70] : memref<5x128xi32, #tpu.memory_space<vmem>> -> memref<1x128xi32, #tpu.memory_space<vmem>>
      %dma_start3A_72 = tpu.memref_squeeze %dma_start3A_71 : memref<1x128xi32, #tpu.memory_space<vmem>> -> memref<128xi32, #tpu.memory_space<vmem>>
      %dma_start3A_73 = arith.constant 0 : i32
      %dma_start3A_74 = arith.constant 0 : i32
      %dma_start3A_75 = tpu.memref_slice %arg17[%dma_start3A_73, %dma_start3A_74] : memref<10240x64xf32, #tpu.memory_space<vmem_shared>> -> memref<10240x64xf32, #tpu.memory_space<vmem_shared>>
      tpu.enqueue_indirect_dma source(%arg13 : memref<128x64xf32, #tpu.memory_space<vmem>>) target(%dma_start3A_75 : memref<10240x64xf32, #tpu.memory_space<vmem_shared>>) offsets(%dma_start3A_72 : memref<128xi32, #tpu.memory_space<vmem>>) semaphore(%run_scoped3A_69 : memref<!tpu.dma_semaphore, #tpu.memory_space<semaphore_mem>>) {add = true}
      %dma_wait3A_76 = arith.constant 0 : i32
      %dma_wait3A_77 = tpu.memref_slice %arg12[%run_scoped3A_17, %dma_wait3A_76] : memref<5x128xi32, #tpu.memory_space<vmem>> -> memref<1x128xi32, #tpu.memory_space<vmem>>
      %dma_wait3A_78 = tpu.memref_squeeze %dma_wait3A_77 : memref<1x128xi32, #tpu.memory_space<vmem>> -> memref<128xi32, #tpu.memory_space<vmem>>
      %dma_wait3A_79 = arith.constant 0 : i32
      %dma_wait3A_80 = arith.constant 0 : i32
      %dma_wait3A_81 = tpu.memref_slice %arg17[%dma_wait3A_79, %dma_wait3A_80] : memref<10240x64xf32, #tpu.memory_space<vmem_shared>> -> memref<10240x64xf32, #tpu.memory_space<vmem_shared>>
      tpu.wait_indirect_dma semaphore(%run_scoped3A_69 : memref<!tpu.dma_semaphore, #tpu.memory_space<semaphore_mem>>) src(%arg13 : memref<128x64xf32, #tpu.memory_space<vmem>>) dst(%dma_wait3A_81 : memref<10240x64xf32, #tpu.memory_space<vmem_shared>>)
      tpu.yield
    }) : () -> ()
    %add3A_18 = arith.constant 512 : i32
    %add3A_19 = arith.addi %mul3A_4, %add3A_18 : i32
    "tpu.region"() ({
      %run_scoped3A_69 = tpu.sem_alloc : memref<!tpu.dma_semaphore, #tpu.memory_space<semaphore_mem>>
      %dma_start3A_70 = arith.constant 0 : i32
      %dma_start3A_71 = tpu.memref_slice %arg3[%add3A_19, %dma_start3A_70] : memref<10240x64xf32, #tpu.memory_space<hbm>> -> memref<128x64xf32, #tpu.memory_space<hbm>>
      %dma_start3A_72 = arith.constant 0 : i32
      %dma_start3A_73 = tpu.memref_slice %arg3[%add3A_19, %dma_start3A_72] : memref<10240x64xf32, #tpu.memory_space<hbm>> -> memref<128x64xf32, #tpu.memory_space<hbm>>
      tpu.enqueue_dma source(%dma_start3A_73 : memref<128x64xf32, #tpu.memory_space<hbm>>) target(%arg13 : memref<128x64xf32, #tpu.memory_space<vmem>>) target_semaphore(%run_scoped3A_69 : memref<!tpu.dma_semaphore, #tpu.memory_space<semaphore_mem>>)
      %dma_wait3A_74 = arith.constant 0 : i32
      %dma_wait3A_75 = tpu.memref_slice %arg3[%add3A_19, %dma_wait3A_74] : memref<10240x64xf32, #tpu.memory_space<hbm>> -> memref<128x64xf32, #tpu.memory_space<hbm>>
      %dma_wait3A_76 = arith.constant 0 : i32
      %dma_wait3A_77 = tpu.memref_slice %arg3[%add3A_19, %dma_wait3A_76] : memref<10240x64xf32, #tpu.memory_space<hbm>> -> memref<128x64xf32, #tpu.memory_space<hbm>>
      tpu.wait_dma2 semaphore(%run_scoped3A_69 : memref<!tpu.dma_semaphore, #tpu.memory_space<semaphore_mem>>) src(%dma_wait3A_77 : memref<128x64xf32, #tpu.memory_space<hbm>>) dst(%arg13 : memref<128x64xf32, #tpu.memory_space<vmem>>)
      tpu.yield
    }) : () -> ()
    %run_scoped3A_20 = arith.constant 4 : i32
    "tpu.region"() ({
      %run_scoped3A_69 = tpu.sem_alloc : memref<!tpu.dma_semaphore, #tpu.memory_space<semaphore_mem>>
      %dma_start3A_70 = arith.constant 0 : i32
      %dma_start3A_71 = tpu.memref_slice %arg12[%run_scoped3A_20, %dma_start3A_70] : memref<5x128xi32, #tpu.memory_space<vmem>> -> memref<1x128xi32, #tpu.memory_space<vmem>>
      %dma_start3A_72 = tpu.memref_squeeze %dma_start3A_71 : memref<1x128xi32, #tpu.memory_space<vmem>> -> memref<128xi32, #tpu.memory_space<vmem>>
      %dma_start3A_73 = arith.constant 0 : i32
      %dma_start3A_74 = arith.constant 0 : i32
      %dma_start3A_75 = tpu.memref_slice %arg17[%dma_start3A_73, %dma_start3A_74] : memref<10240x64xf32, #tpu.memory_space<vmem_shared>> -> memref<10240x64xf32, #tpu.memory_space<vmem_shared>>
      tpu.enqueue_indirect_dma source(%arg13 : memref<128x64xf32, #tpu.memory_space<vmem>>) target(%dma_start3A_75 : memref<10240x64xf32, #tpu.memory_space<vmem_shared>>) offsets(%dma_start3A_72 : memref<128xi32, #tpu.memory_space<vmem>>) semaphore(%run_scoped3A_69 : memref<!tpu.dma_semaphore, #tpu.memory_space<semaphore_mem>>) {add = true}
      %dma_wait3A_76 = arith.constant 0 : i32
      %dma_wait3A_77 = tpu.memref_slice %arg12[%run_scoped3A_20, %dma_wait3A_76] : memref<5x128xi32, #tpu.memory_space<vmem>> -> memref<1x128xi32, #tpu.memory_space<vmem>>
      %dma_wait3A_78 = tpu.memref_squeeze %dma_wait3A_77 : memref<1x128xi32, #tpu.memory_space<vmem>> -> memref<128xi32, #tpu.memory_space<vmem>>
      %dma_wait3A_79 = arith.constant 0 : i32
      %dma_wait3A_80 = arith.constant 0 : i32
      %dma_wait3A_81 = tpu.memref_slice %arg17[%dma_wait3A_79, %dma_wait3A_80] : memref<10240x64xf32, #tpu.memory_space<vmem_shared>> -> memref<10240x64xf32, #tpu.memory_space<vmem_shared>>
      tpu.wait_indirect_dma semaphore(%run_scoped3A_69 : memref<!tpu.dma_semaphore, #tpu.memory_space<semaphore_mem>>) src(%arg13 : memref<128x64xf32, #tpu.memory_space<vmem>>) dst(%dma_wait3A_81 : memref<10240x64xf32, #tpu.memory_space<vmem_shared>>)
      tpu.yield
    }) : () -> ()
    %eq3A = arith.constant 0 : i32
    %eq3A_21 = arith.cmpi eq, %arg0, %eq3A : i32
    %convert_element_type3A = arith.extui %eq3A_21 : i1 to i32
    %cond3A = arith.constant 0 : i32
    %cond3A_22 = arith.cmpi ne, %convert_element_type3A, %cond3A : i32
    scf.if %cond3A_22 {
      "tpu.region"() ({
        %run_scoped3A_69 = tpu.sem_alloc : memref<!tpu.dma_semaphore, #tpu.memory_space<semaphore_mem>>
        %dma_start3A_70 = arith.constant 0 : i32
        %dma_start3A_71 = tpu.memref_slice %arg16[%mul3A_4, %dma_start3A_70] : memref<10240x64xf32, #tpu.memory_space<vmem_shared>> -> memref<640x64xf32, #tpu.memory_space<vmem_shared>>
        %dma_start3A_72 = arith.constant 0 : i32
        %dma_start3A_73 = tpu.memref_slice %arg2[%mul3A_4, %dma_start3A_72] : memref<10240x64xf32, #tpu.memory_space<hbm>> -> memref<640x64xf32, #tpu.memory_space<hbm>>
        tpu.enqueue_dma source(%dma_start3A_73 : memref<640x64xf32, #tpu.memory_space<hbm>>) target(%dma_start3A_71 : memref<640x64xf32, #tpu.memory_space<vmem_shared>>) target_semaphore(%run_scoped3A_69 : memref<!tpu.dma_semaphore, #tpu.memory_space<semaphore_mem>>)
        %dma_wait3A_74 = arith.constant 0 : i32
        %dma_wait3A_75 = tpu.memref_slice %arg16[%mul3A_4, %dma_wait3A_74] : memref<10240x64xf32, #tpu.memory_space<vmem_shared>> -> memref<640x64xf32, #tpu.memory_space<vmem_shared>>
        %dma_wait3A_76 = arith.constant 0 : i32
        %dma_wait3A_77 = tpu.memref_slice %arg2[%mul3A_4, %dma_wait3A_76] : memref<10240x64xf32, #tpu.memory_space<hbm>> -> memref<640x64xf32, #tpu.memory_space<hbm>>
        tpu.wait_dma2 semaphore(%run_scoped3A_69 : memref<!tpu.dma_semaphore, #tpu.memory_space<semaphore_mem>>) src(%dma_wait3A_77 : memref<640x64xf32, #tpu.memory_space<hbm>>) dst(%dma_wait3A_75 : memref<640x64xf32, #tpu.memory_space<vmem_shared>>)
        tpu.yield
      }) : () -> ()
    } else {
    }
    %eq3A_23 = arith.constant 1 : i32
    %eq3A_24 = arith.cmpi eq, %arg0, %eq3A_23 : i32
    %convert_element_type3A_25 = arith.extui %eq3A_24 : i1 to i32
    %cond3A_26 = arith.constant 0 : i32
    %cond3A_27 = arith.cmpi ne, %convert_element_type3A_25, %cond3A_26 : i32
    scf.if %cond3A_27 {
      "tpu.region"() ({
        %run_scoped3A_69 = tpu.sem_alloc : memref<!tpu.dma_semaphore, #tpu.memory_space<semaphore_mem>>
        %dma_start3A_70 = arith.constant 0 : i32
        %dma_start3A_71 = tpu.memref_slice %arg16[%mul3A_4, %dma_start3A_70] : memref<10240x64xf32, #tpu.memory_space<vmem_shared>> -> memref<640x64xf32, #tpu.memory_space<vmem_shared>>
        %dma_start3A_72 = arith.constant 0 : i32
        %dma_start3A_73 = tpu.memref_slice %arg3[%mul3A_4, %dma_start3A_72] : memref<10240x64xf32, #tpu.memory_space<hbm>> -> memref<640x64xf32, #tpu.memory_space<hbm>>
        tpu.enqueue_dma source(%dma_start3A_73 : memref<640x64xf32, #tpu.memory_space<hbm>>) target(%dma_start3A_71 : memref<640x64xf32, #tpu.memory_space<vmem_shared>>) target_semaphore(%run_scoped3A_69 : memref<!tpu.dma_semaphore, #tpu.memory_space<semaphore_mem>>)
        %dma_wait3A_74 = arith.constant 0 : i32
        %dma_wait3A_75 = tpu.memref_slice %arg16[%mul3A_4, %dma_wait3A_74] : memref<10240x64xf32, #tpu.memory_space<vmem_shared>> -> memref<640x64xf32, #tpu.memory_space<vmem_shared>>
        %dma_wait3A_76 = arith.constant 0 : i32
        %dma_wait3A_77 = tpu.memref_slice %arg3[%mul3A_4, %dma_wait3A_76] : memref<10240x64xf32, #tpu.memory_space<hbm>> -> memref<640x64xf32, #tpu.memory_space<hbm>>
        tpu.wait_dma2 semaphore(%run_scoped3A_69 : memref<!tpu.dma_semaphore, #tpu.memory_space<semaphore_mem>>) src(%dma_wait3A_77 : memref<640x64xf32, #tpu.memory_space<hbm>>) dst(%dma_wait3A_75 : memref<640x64xf32, #tpu.memory_space<vmem_shared>>)
        tpu.yield
      }) : () -> ()
    } else {
    }
    %barrier3A = arith.constant 0 : index
    tpu.barrier barrier_id(%barrier3A)
    %dma_start3A = arith.constant 0 : i32
    %dma_start3A_28 = arith.constant 0 : i32
    %dma_start3A_29 = tpu.memref_slice %arg10[%dma_start3A, %dma_start3A_28] : memref<83x128xi32, #tpu.memory_space<vmem>> -> memref<1x128xi32, #tpu.memory_space<vmem>>
    %dma_start3A_30 = tpu.memref_squeeze %dma_start3A_29 : memref<1x128xi32, #tpu.memory_space<vmem>> -> memref<128xi32, #tpu.memory_space<vmem>>
    %dma_start3A_31 = arith.constant 0 : i32
    %dma_start3A_32 = arith.constant 0 : i32
    %dma_start3A_33 = tpu.memref_slice %arg17[%dma_start3A_31, %dma_start3A_32] : memref<10240x64xf32, #tpu.memory_space<vmem_shared>> -> memref<10240x64xf32, #tpu.memory_space<vmem_shared>>
    tpu.enqueue_indirect_dma source(%dma_start3A_33 : memref<10240x64xf32, #tpu.memory_space<vmem_shared>>) target(%arg13 : memref<128x64xf32, #tpu.memory_space<vmem>>) offsets(%dma_start3A_30 : memref<128xi32, #tpu.memory_space<vmem>>) semaphore(%arg18 : memref<!tpu.dma_semaphore, #tpu.memory_space<semaphore_mem>>)
    %dma_start3A_34 = arith.constant 1 : i32
    %dma_start3A_35 = arith.constant 0 : i32
    %dma_start3A_36 = tpu.memref_slice %arg10[%dma_start3A_34, %dma_start3A_35] : memref<83x128xi32, #tpu.memory_space<vmem>> -> memref<1x128xi32, #tpu.memory_space<vmem>>
    %dma_start3A_37 = tpu.memref_squeeze %dma_start3A_36 : memref<1x128xi32, #tpu.memory_space<vmem>> -> memref<128xi32, #tpu.memory_space<vmem>>
    %dma_start3A_38 = arith.constant 0 : i32
    %dma_start3A_39 = arith.constant 0 : i32
    %dma_start3A_40 = tpu.memref_slice %arg17[%dma_start3A_38, %dma_start3A_39] : memref<10240x64xf32, #tpu.memory_space<vmem_shared>> -> memref<10240x64xf32, #tpu.memory_space<vmem_shared>>
    tpu.enqueue_indirect_dma source(%dma_start3A_40 : memref<10240x64xf32, #tpu.memory_space<vmem_shared>>) target(%arg14 : memref<128x64xf32, #tpu.memory_space<vmem>>) offsets(%dma_start3A_37 : memref<128xi32, #tpu.memory_space<vmem>>) semaphore(%arg19 : memref<!tpu.dma_semaphore, #tpu.memory_space<semaphore_mem>>)
    %scan3A = arith.constant 0 : i32
    %scan3A_41 = arith.constant 27 : i32
    %scan3A_42 = arith.addi %scan3A, %scan3A_41 : i32
    %scan3A_43 = arith.constant 1 : i32
    scf.for %scan3A_69 = %scan3A to %scan3A_42 step %scan3A_43  : i32 {
      %mul3A_70 = arith.constant 3 : i32
      %mul3A_71 = arith.muli %scan3A_69, %mul3A_70 : i32
      %add3A_72 = arith.constant 0 : i32
      %add3A_73 = arith.addi %add3A_72, %mul3A_71 : i32
      %add3A_74 = arith.constant 0 : i32
      %add3A_75 = arith.addi %add3A_73, %add3A_74 : i32
      %mul3A_76 = arith.constant 1 : i32
      %mul3A_77 = arith.muli %add3A_75, %mul3A_76 : i32
      %add3A_78 = arith.constant 0 : i32
      %add3A_79 = arith.addi %mul3A_77, %add3A_78 : i32
      %dma_wait3A_80 = arith.constant 0 : i32
      %dma_wait3A_81 = tpu.memref_slice %arg10[%add3A_79, %dma_wait3A_80] : memref<83x128xi32, #tpu.memory_space<vmem>> -> memref<1x128xi32, #tpu.memory_space<vmem>>
      %dma_wait3A_82 = tpu.memref_squeeze %dma_wait3A_81 : memref<1x128xi32, #tpu.memory_space<vmem>> -> memref<128xi32, #tpu.memory_space<vmem>>
      %dma_wait3A_83 = arith.constant 0 : i32
      %dma_wait3A_84 = arith.constant 0 : i32
      %dma_wait3A_85 = tpu.memref_slice %arg17[%dma_wait3A_83, %dma_wait3A_84] : memref<10240x64xf32, #tpu.memory_space<vmem_shared>> -> memref<10240x64xf32, #tpu.memory_space<vmem_shared>>
      tpu.wait_indirect_dma semaphore(%arg18 : memref<!tpu.dma_semaphore, #tpu.memory_space<semaphore_mem>>) src(%dma_wait3A_85 : memref<10240x64xf32, #tpu.memory_space<vmem_shared>>) dst(%arg13 : memref<128x64xf32, #tpu.memory_space<vmem>>)
      %add3A_86 = arith.constant 0 : i32
      %add3A_87 = arith.addi %add3A_73, %add3A_86 : i32
      %add3A_88 = arith.constant 3 : i32
      %add3A_89 = arith.addi %add3A_87, %add3A_88 : i32
      %sub3A = arith.constant 1 : i32
      %sub3A_90 = arith.subi %add3A_89, %sub3A : i32
      %mul3A_91 = arith.constant 1 : i32
      %mul3A_92 = arith.muli %sub3A_90, %mul3A_91 : i32
      %add3A_93 = arith.constant 0 : i32
      %add3A_94 = arith.addi %mul3A_92, %add3A_93 : i32
      %dma_start3A_95 = arith.constant 0 : i32
      %dma_start3A_96 = tpu.memref_slice %arg10[%add3A_94, %dma_start3A_95] : memref<83x128xi32, #tpu.memory_space<vmem>> -> memref<1x128xi32, #tpu.memory_space<vmem>>
      %dma_start3A_97 = tpu.memref_squeeze %dma_start3A_96 : memref<1x128xi32, #tpu.memory_space<vmem>> -> memref<128xi32, #tpu.memory_space<vmem>>
      %dma_start3A_98 = arith.constant 0 : i32
      %dma_start3A_99 = arith.constant 0 : i32
      %dma_start3A_100 = tpu.memref_slice %arg17[%dma_start3A_98, %dma_start3A_99] : memref<10240x64xf32, #tpu.memory_space<vmem_shared>> -> memref<10240x64xf32, #tpu.memory_space<vmem_shared>>
      tpu.enqueue_indirect_dma source(%dma_start3A_100 : memref<10240x64xf32, #tpu.memory_space<vmem_shared>>) target(%arg15 : memref<128x64xf32, #tpu.memory_space<vmem>>) offsets(%dma_start3A_97 : memref<128xi32, #tpu.memory_space<vmem>>) semaphore(%arg20 : memref<!tpu.dma_semaphore, #tpu.memory_space<semaphore_mem>>)
      %add3A_101 = arith.constant 0 : i32
      %add3A_102 = arith.addi %add3A_73, %add3A_101 : i32
      %mul3A_103 = arith.constant 1 : i32
      %mul3A_104 = arith.muli %add3A_102, %mul3A_103 : i32
      %add3A_105 = arith.constant 0 : i32
      %add3A_106 = arith.addi %mul3A_104, %add3A_105 : i32
      %dma_start3A_107 = arith.constant 0 : i32
      %dma_start3A_108 = tpu.memref_slice %arg11[%add3A_106, %dma_start3A_107] : memref<81x128xi32, #tpu.memory_space<vmem>> -> memref<1x128xi32, #tpu.memory_space<vmem>>
      %dma_start3A_109 = tpu.memref_squeeze %dma_start3A_108 : memref<1x128xi32, #tpu.memory_space<vmem>> -> memref<128xi32, #tpu.memory_space<vmem>>
      %dma_start3A_110 = arith.constant 0 : i32
      %dma_start3A_111 = arith.constant 0 : i32
      %dma_start3A_112 = tpu.memref_slice %arg16[%dma_start3A_110, %dma_start3A_111] : memref<10240x64xf32, #tpu.memory_space<vmem_shared>> -> memref<10240x64xf32, #tpu.memory_space<vmem_shared>>
      tpu.enqueue_indirect_dma source(%arg13 : memref<128x64xf32, #tpu.memory_space<vmem>>) target(%dma_start3A_112 : memref<10240x64xf32, #tpu.memory_space<vmem_shared>>) offsets(%dma_start3A_109 : memref<128xi32, #tpu.memory_space<vmem>>) semaphore(%arg21 : memref<!tpu.dma_semaphore, #tpu.memory_space<semaphore_mem>>) {add = true}
      %add3A_113 = arith.constant 0 : i32
      %add3A_114 = arith.addi %add3A_73, %add3A_113 : i32
      %mul3A_115 = arith.constant 1 : i32
      %mul3A_116 = arith.muli %add3A_114, %mul3A_115 : i32
      %add3A_117 = arith.constant 0 : i32
      %add3A_118 = arith.addi %mul3A_116, %add3A_117 : i32
      %dma_wait3A_119 = arith.constant 0 : i32
      %dma_wait3A_120 = tpu.memref_slice %arg11[%add3A_118, %dma_wait3A_119] : memref<81x128xi32, #tpu.memory_space<vmem>> -> memref<1x128xi32, #tpu.memory_space<vmem>>
      %dma_wait3A_121 = tpu.memref_squeeze %dma_wait3A_120 : memref<1x128xi32, #tpu.memory_space<vmem>> -> memref<128xi32, #tpu.memory_space<vmem>>
      %dma_wait3A_122 = arith.constant 0 : i32
      %dma_wait3A_123 = arith.constant 0 : i32
      %dma_wait3A_124 = tpu.memref_slice %arg16[%dma_wait3A_122, %dma_wait3A_123] : memref<10240x64xf32, #tpu.memory_space<vmem_shared>> -> memref<10240x64xf32, #tpu.memory_space<vmem_shared>>
      tpu.wait_indirect_dma semaphore(%arg21 : memref<!tpu.dma_semaphore, #tpu.memory_space<semaphore_mem>>) src(%arg13 : memref<128x64xf32, #tpu.memory_space<vmem>>) dst(%dma_wait3A_124 : memref<10240x64xf32, #tpu.memory_space<vmem_shared>>)
      %add3A_125 = arith.constant 1 : i32
      %add3A_126 = arith.addi %add3A_73, %add3A_125 : i32
      %mul3A_127 = arith.constant 1 : i32
      %mul3A_128 = arith.muli %add3A_126, %mul3A_127 : i32
      %add3A_129 = arith.constant 0 : i32
      %add3A_130 = arith.addi %mul3A_128, %add3A_129 : i32
      %dma_wait3A_131 = arith.constant 0 : i32
      %dma_wait3A_132 = tpu.memref_slice %arg10[%add3A_130, %dma_wait3A_131] : memref<83x128xi32, #tpu.memory_space<vmem>> -> memref<1x128xi32, #tpu.memory_space<vmem>>
      %dma_wait3A_133 = tpu.memref_squeeze %dma_wait3A_132 : memref<1x128xi32, #tpu.memory_space<vmem>> -> memref<128xi32, #tpu.memory_space<vmem>>
      %dma_wait3A_134 = arith.constant 0 : i32
      %dma_wait3A_135 = arith.constant 0 : i32
      %dma_wait3A_136 = tpu.memref_slice %arg17[%dma_wait3A_134, %dma_wait3A_135] : memref<10240x64xf32, #tpu.memory_space<vmem_shared>> -> memref<10240x64xf32, #tpu.memory_space<vmem_shared>>
      tpu.wait_indirect_dma semaphore(%arg19 : memref<!tpu.dma_semaphore, #tpu.memory_space<semaphore_mem>>) src(%dma_wait3A_136 : memref<10240x64xf32, #tpu.memory_space<vmem_shared>>) dst(%arg14 : memref<128x64xf32, #tpu.memory_space<vmem>>)
      %add3A_137 = arith.constant 1 : i32
      %add3A_138 = arith.addi %add3A_73, %add3A_137 : i32
      %add3A_139 = arith.constant 3 : i32
      %add3A_140 = arith.addi %add3A_138, %add3A_139 : i32
      %sub3A_141 = arith.constant 1 : i32
      %sub3A_142 = arith.subi %add3A_140, %sub3A_141 : i32
      %mul3A_143 = arith.constant 1 : i32
      %mul3A_144 = arith.muli %sub3A_142, %mul3A_143 : i32
      %add3A_145 = arith.constant 0 : i32
      %add3A_146 = arith.addi %mul3A_144, %add3A_145 : i32
      %dma_start3A_147 = arith.constant 0 : i32
      %dma_start3A_148 = tpu.memref_slice %arg10[%add3A_146, %dma_start3A_147] : memref<83x128xi32, #tpu.memory_space<vmem>> -> memref<1x128xi32, #tpu.memory_space<vmem>>
      %dma_start3A_149 = tpu.memref_squeeze %dma_start3A_148 : memref<1x128xi32, #tpu.memory_space<vmem>> -> memref<128xi32, #tpu.memory_space<vmem>>
      %dma_start3A_150 = arith.constant 0 : i32
      %dma_start3A_151 = arith.constant 0 : i32
      %dma_start3A_152 = tpu.memref_slice %arg17[%dma_start3A_150, %dma_start3A_151] : memref<10240x64xf32, #tpu.memory_space<vmem_shared>> -> memref<10240x64xf32, #tpu.memory_space<vmem_shared>>
      tpu.enqueue_indirect_dma source(%dma_start3A_152 : memref<10240x64xf32, #tpu.memory_space<vmem_shared>>) target(%arg13 : memref<128x64xf32, #tpu.memory_space<vmem>>) offsets(%dma_start3A_149 : memref<128xi32, #tpu.memory_space<vmem>>) semaphore(%arg18 : memref<!tpu.dma_semaphore, #tpu.memory_space<semaphore_mem>>)
      %add3A_153 = arith.constant 1 : i32
      %add3A_154 = arith.addi %add3A_73, %add3A_153 : i32
      %mul3A_155 = arith.constant 1 : i32
      %mul3A_156 = arith.muli %add3A_154, %mul3A_155 : i32
      %add3A_157 = arith.constant 0 : i32
      %add3A_158 = arith.addi %mul3A_156, %add3A_157 : i32
      %dma_start3A_159 = arith.constant 0 : i32
      %dma_start3A_160 = tpu.memref_slice %arg11[%add3A_158, %dma_start3A_159] : memref<81x128xi32, #tpu.memory_space<vmem>> -> memref<1x128xi32, #tpu.memory_space<vmem>>
      %dma_start3A_161 = tpu.memref_squeeze %dma_start3A_160 : memref<1x128xi32, #tpu.memory_space<vmem>> -> memref<128xi32, #tpu.memory_space<vmem>>
      %dma_start3A_162 = arith.constant 0 : i32
      %dma_start3A_163 = arith.constant 0 : i32
      %dma_start3A_164 = tpu.memref_slice %arg16[%dma_start3A_162, %dma_start3A_163] : memref<10240x64xf32, #tpu.memory_space<vmem_shared>> -> memref<10240x64xf32, #tpu.memory_space<vmem_shared>>
      tpu.enqueue_indirect_dma source(%arg14 : memref<128x64xf32, #tpu.memory_space<vmem>>) target(%dma_start3A_164 : memref<10240x64xf32, #tpu.memory_space<vmem_shared>>) offsets(%dma_start3A_161 : memref<128xi32, #tpu.memory_space<vmem>>) semaphore(%arg22 : memref<!tpu.dma_semaphore, #tpu.memory_space<semaphore_mem>>) {add = true}
      %add3A_165 = arith.constant 1 : i32
      %add3A_166 = arith.addi %add3A_73, %add3A_165 : i32
      %mul3A_167 = arith.constant 1 : i32
      %mul3A_168 = arith.muli %add3A_166, %mul3A_167 : i32
      %add3A_169 = arith.constant 0 : i32
      %add3A_170 = arith.addi %mul3A_168, %add3A_169 : i32
      %dma_wait3A_171 = arith.constant 0 : i32
      %dma_wait3A_172 = tpu.memref_slice %arg11[%add3A_170, %dma_wait3A_171] : memref<81x128xi32, #tpu.memory_space<vmem>> -> memref<1x128xi32, #tpu.memory_space<vmem>>
      %dma_wait3A_173 = tpu.memref_squeeze %dma_wait3A_172 : memref<1x128xi32, #tpu.memory_space<vmem>> -> memref<128xi32, #tpu.memory_space<vmem>>
      %dma_wait3A_174 = arith.constant 0 : i32
      %dma_wait3A_175 = arith.constant 0 : i32
      %dma_wait3A_176 = tpu.memref_slice %arg16[%dma_wait3A_174, %dma_wait3A_175] : memref<10240x64xf32, #tpu.memory_space<vmem_shared>> -> memref<10240x64xf32, #tpu.memory_space<vmem_shared>>
      tpu.wait_indirect_dma semaphore(%arg22 : memref<!tpu.dma_semaphore, #tpu.memory_space<semaphore_mem>>) src(%arg14 : memref<128x64xf32, #tpu.memory_space<vmem>>) dst(%dma_wait3A_176 : memref<10240x64xf32, #tpu.memory_space<vmem_shared>>)
      %add3A_177 = arith.constant 2 : i32
      %add3A_178 = arith.addi %add3A_73, %add3A_177 : i32
      %mul3A_179 = arith.constant 1 : i32
      %mul3A_180 = arith.muli %add3A_178, %mul3A_179 : i32
      %add3A_181 = arith.constant 0 : i32
      %add3A_182 = arith.addi %mul3A_180, %add3A_181 : i32
      %dma_wait3A_183 = arith.constant 0 : i32
      %dma_wait3A_184 = tpu.memref_slice %arg10[%add3A_182, %dma_wait3A_183] : memref<83x128xi32, #tpu.memory_space<vmem>> -> memref<1x128xi32, #tpu.memory_space<vmem>>
      %dma_wait3A_185 = tpu.memref_squeeze %dma_wait3A_184 : memref<1x128xi32, #tpu.memory_space<vmem>> -> memref<128xi32, #tpu.memory_space<vmem>>
      %dma_wait3A_186 = arith.constant 0 : i32
      %dma_wait3A_187 = arith.constant 0 : i32
      %dma_wait3A_188 = tpu.memref_slice %arg17[%dma_wait3A_186, %dma_wait3A_187] : memref<10240x64xf32, #tpu.memory_space<vmem_shared>> -> memref<10240x64xf32, #tpu.memory_space<vmem_shared>>
      tpu.wait_indirect_dma semaphore(%arg20 : memref<!tpu.dma_semaphore, #tpu.memory_space<semaphore_mem>>) src(%dma_wait3A_188 : memref<10240x64xf32, #tpu.memory_space<vmem_shared>>) dst(%arg15 : memref<128x64xf32, #tpu.memory_space<vmem>>)
      %add3A_189 = arith.constant 2 : i32
      %add3A_190 = arith.addi %add3A_73, %add3A_189 : i32
      %add3A_191 = arith.constant 3 : i32
      %add3A_192 = arith.addi %add3A_190, %add3A_191 : i32
      %sub3A_193 = arith.constant 1 : i32
      %sub3A_194 = arith.subi %add3A_192, %sub3A_193 : i32
      %mul3A_195 = arith.constant 1 : i32
      %mul3A_196 = arith.muli %sub3A_194, %mul3A_195 : i32
      %add3A_197 = arith.constant 0 : i32
      %add3A_198 = arith.addi %mul3A_196, %add3A_197 : i32
      %dma_start3A_199 = arith.constant 0 : i32
      %dma_start3A_200 = tpu.memref_slice %arg10[%add3A_198, %dma_start3A_199] : memref<83x128xi32, #tpu.memory_space<vmem>> -> memref<1x128xi32, #tpu.memory_space<vmem>>
      %dma_start3A_201 = tpu.memref_squeeze %dma_start3A_200 : memref<1x128xi32, #tpu.memory_space<vmem>> -> memref<128xi32, #tpu.memory_space<vmem>>
      %dma_start3A_202 = arith.constant 0 : i32
      %dma_start3A_203 = arith.constant 0 : i32
      %dma_start3A_204 = tpu.memref_slice %arg17[%dma_start3A_202, %dma_start3A_203] : memref<10240x64xf32, #tpu.memory_space<vmem_shared>> -> memref<10240x64xf32, #tpu.memory_space<vmem_shared>>
      tpu.enqueue_indirect_dma source(%dma_start3A_204 : memref<10240x64xf32, #tpu.memory_space<vmem_shared>>) target(%arg14 : memref<128x64xf32, #tpu.memory_space<vmem>>) offsets(%dma_start3A_201 : memref<128xi32, #tpu.memory_space<vmem>>) semaphore(%arg19 : memref<!tpu.dma_semaphore, #tpu.memory_space<semaphore_mem>>)
      %add3A_205 = arith.constant 2 : i32
      %add3A_206 = arith.addi %add3A_73, %add3A_205 : i32
      %mul3A_207 = arith.constant 1 : i32
      %mul3A_208 = arith.muli %add3A_206, %mul3A_207 : i32
      %add3A_209 = arith.constant 0 : i32
      %add3A_210 = arith.addi %mul3A_208, %add3A_209 : i32
      %dma_start3A_211 = arith.constant 0 : i32
      %dma_start3A_212 = tpu.memref_slice %arg11[%add3A_210, %dma_start3A_211] : memref<81x128xi32, #tpu.memory_space<vmem>> -> memref<1x128xi32, #tpu.memory_space<vmem>>
      %dma_start3A_213 = tpu.memref_squeeze %dma_start3A_212 : memref<1x128xi32, #tpu.memory_space<vmem>> -> memref<128xi32, #tpu.memory_space<vmem>>
      %dma_start3A_214 = arith.constant 0 : i32
      %dma_start3A_215 = arith.constant 0 : i32
      %dma_start3A_216 = tpu.memref_slice %arg16[%dma_start3A_214, %dma_start3A_215] : memref<10240x64xf32, #tpu.memory_space<vmem_shared>> -> memref<10240x64xf32, #tpu.memory_space<vmem_shared>>
      tpu.enqueue_indirect_dma source(%arg15 : memref<128x64xf32, #tpu.memory_space<vmem>>) target(%dma_start3A_216 : memref<10240x64xf32, #tpu.memory_space<vmem_shared>>) offsets(%dma_start3A_213 : memref<128xi32, #tpu.memory_space<vmem>>) semaphore(%arg23 : memref<!tpu.dma_semaphore, #tpu.memory_space<semaphore_mem>>) {add = true}
      %add3A_217 = arith.constant 2 : i32
      %add3A_218 = arith.addi %add3A_73, %add3A_217 : i32
      %mul3A_219 = arith.constant 1 : i32
      %mul3A_220 = arith.muli %add3A_218, %mul3A_219 : i32
      %add3A_221 = arith.constant 0 : i32
      %add3A_222 = arith.addi %mul3A_220, %add3A_221 : i32
      %dma_wait3A_223 = arith.constant 0 : i32
      %dma_wait3A_224 = tpu.memref_slice %arg11[%add3A_222, %dma_wait3A_223] : memref<81x128xi32, #tpu.memory_space<vmem>> -> memref<1x128xi32, #tpu.memory_space<vmem>>
      %dma_wait3A_225 = tpu.memref_squeeze %dma_wait3A_224 : memref<1x128xi32, #tpu.memory_space<vmem>> -> memref<128xi32, #tpu.memory_space<vmem>>
      %dma_wait3A_226 = arith.constant 0 : i32
      %dma_wait3A_227 = arith.constant 0 : i32
      %dma_wait3A_228 = tpu.memref_slice %arg16[%dma_wait3A_226, %dma_wait3A_227] : memref<10240x64xf32, #tpu.memory_space<vmem_shared>> -> memref<10240x64xf32, #tpu.memory_space<vmem_shared>>
      tpu.wait_indirect_dma semaphore(%arg23 : memref<!tpu.dma_semaphore, #tpu.memory_space<semaphore_mem>>) src(%arg15 : memref<128x64xf32, #tpu.memory_space<vmem>>) dst(%dma_wait3A_228 : memref<10240x64xf32, #tpu.memory_space<vmem_shared>>)
    }
    %scan3A_44 = arith.constant 27 : i32
    %dma_wait3A = arith.constant 81 : i32
    %dma_wait3A_45 = arith.constant 0 : i32
    %dma_wait3A_46 = tpu.memref_slice %arg10[%dma_wait3A, %dma_wait3A_45] : memref<83x128xi32, #tpu.memory_space<vmem>> -> memref<1x128xi32, #tpu.memory_space<vmem>>
    %dma_wait3A_47 = tpu.memref_squeeze %dma_wait3A_46 : memref<1x128xi32, #tpu.memory_space<vmem>> -> memref<128xi32, #tpu.memory_space<vmem>>
    %dma_wait3A_48 = arith.constant 0 : i32
    %dma_wait3A_49 = arith.constant 0 : i32
    %dma_wait3A_50 = tpu.memref_slice %arg17[%dma_wait3A_48, %dma_wait3A_49] : memref<10240x64xf32, #tpu.memory_space<vmem_shared>> -> memref<10240x64xf32, #tpu.memory_space<vmem_shared>>
    tpu.wait_indirect_dma semaphore(%arg18 : memref<!tpu.dma_semaphore, #tpu.memory_space<semaphore_mem>>) src(%dma_wait3A_50 : memref<10240x64xf32, #tpu.memory_space<vmem_shared>>) dst(%arg13 : memref<128x64xf32, #tpu.memory_space<vmem>>)
    %dma_wait3A_51 = arith.constant 82 : i32
    %dma_wait3A_52 = arith.constant 0 : i32
    %dma_wait3A_53 = tpu.memref_slice %arg10[%dma_wait3A_51, %dma_wait3A_52] : memref<83x128xi32, #tpu.memory_space<vmem>> -> memref<1x128xi32, #tpu.memory_space<vmem>>
    %dma_wait3A_54 = tpu.memref_squeeze %dma_wait3A_53 : memref<1x128xi32, #tpu.memory_space<vmem>> -> memref<128xi32, #tpu.memory_space<vmem>>
    %dma_wait3A_55 = arith.constant 0 : i32
    %dma_wait3A_56 = arith.constant 0 : i32
    %dma_wait3A_57 = tpu.memref_slice %arg17[%dma_wait3A_55, %dma_wait3A_56] : memref<10240x64xf32, #tpu.memory_space<vmem_shared>> -> memref<10240x64xf32, #tpu.memory_space<vmem_shared>>
    tpu.wait_indirect_dma semaphore(%arg19 : memref<!tpu.dma_semaphore, #tpu.memory_space<semaphore_mem>>) src(%dma_wait3A_57 : memref<10240x64xf32, #tpu.memory_space<vmem_shared>>) dst(%arg14 : memref<128x64xf32, #tpu.memory_space<vmem>>)
    %barrier3A_58 = arith.constant 0 : index
    tpu.barrier barrier_id(%barrier3A_58)
    %eq3A_59 = arith.constant 0 : i32
    %eq3A_60 = arith.cmpi eq, %arg0, %eq3A_59 : i32
    %convert_element_type3A_61 = arith.extui %eq3A_60 : i1 to i32
    %cond3A_62 = arith.constant 0 : i32
    %cond3A_63 = arith.cmpi ne, %convert_element_type3A_61, %cond3A_62 : i32
    scf.if %cond3A_63 {
      "tpu.region"() ({
        %run_scoped3A_69 = tpu.sem_alloc : memref<!tpu.dma_semaphore, #tpu.memory_space<semaphore_mem>>
        %dma_start3A_70 = arith.constant 0 : i32
        %dma_start3A_71 = tpu.memref_slice %arg8[%mul3A_4, %dma_start3A_70] : memref<10240x64xf32, #tpu.memory_space<hbm>> -> memref<640x64xf32, #tpu.memory_space<hbm>>
        %dma_start3A_72 = arith.constant 0 : i32
        %dma_start3A_73 = tpu.memref_slice %arg16[%mul3A_4, %dma_start3A_72] : memref<10240x64xf32, #tpu.memory_space<vmem_shared>> -> memref<640x64xf32, #tpu.memory_space<vmem_shared>>
        tpu.enqueue_dma source(%dma_start3A_73 : memref<640x64xf32, #tpu.memory_space<vmem_shared>>) target(%dma_start3A_71 : memref<640x64xf32, #tpu.memory_space<hbm>>) target_semaphore(%run_scoped3A_69 : memref<!tpu.dma_semaphore, #tpu.memory_space<semaphore_mem>>)
        %dma_wait3A_74 = arith.constant 0 : i32
        %dma_wait3A_75 = tpu.memref_slice %arg8[%mul3A_4, %dma_wait3A_74] : memref<10240x64xf32, #tpu.memory_space<hbm>> -> memref<640x64xf32, #tpu.memory_space<hbm>>
        %dma_wait3A_76 = arith.constant 0 : i32
        %dma_wait3A_77 = tpu.memref_slice %arg16[%mul3A_4, %dma_wait3A_76] : memref<10240x64xf32, #tpu.memory_space<vmem_shared>> -> memref<640x64xf32, #tpu.memory_space<vmem_shared>>
        tpu.wait_dma2 semaphore(%run_scoped3A_69 : memref<!tpu.dma_semaphore, #tpu.memory_space<semaphore_mem>>) src(%dma_wait3A_77 : memref<640x64xf32, #tpu.memory_space<vmem_shared>>) dst(%dma_wait3A_75 : memref<640x64xf32, #tpu.memory_space<hbm>>)
        tpu.yield
      }) : () -> ()
    } else {
    }
    %eq3A_64 = arith.constant 1 : i32
    %eq3A_65 = arith.cmpi eq, %arg0, %eq3A_64 : i32
    %convert_element_type3A_66 = arith.extui %eq3A_65 : i1 to i32
    %cond3A_67 = arith.constant 0 : i32
    %cond3A_68 = arith.cmpi ne, %convert_element_type3A_66, %cond3A_67 : i32
    scf.if %cond3A_68 {
      "tpu.region"() ({
        %run_scoped3A_69 = tpu.sem_alloc : memref<!tpu.dma_semaphore, #tpu.memory_space<semaphore_mem>>
        %dma_start3A_70 = arith.constant 0 : i32
        %dma_start3A_71 = tpu.memref_slice %arg9[%mul3A_4, %dma_start3A_70] : memref<10240x64xf32, #tpu.memory_space<hbm>> -> memref<640x64xf32, #tpu.memory_space<hbm>>
        %dma_start3A_72 = arith.constant 0 : i32
        %dma_start3A_73 = tpu.memref_slice %arg16[%mul3A_4, %dma_start3A_72] : memref<10240x64xf32, #tpu.memory_space<vmem_shared>> -> memref<640x64xf32, #tpu.memory_space<vmem_shared>>
        tpu.enqueue_dma source(%dma_start3A_73 : memref<640x64xf32, #tpu.memory_space<vmem_shared>>) target(%dma_start3A_71 : memref<640x64xf32, #tpu.memory_space<hbm>>) target_semaphore(%run_scoped3A_69 : memref<!tpu.dma_semaphore, #tpu.memory_space<semaphore_mem>>)
        %dma_wait3A_74 = arith.constant 0 : i32
        %dma_wait3A_75 = tpu.memref_slice %arg9[%mul3A_4, %dma_wait3A_74] : memref<10240x64xf32, #tpu.memory_space<hbm>> -> memref<640x64xf32, #tpu.memory_space<hbm>>
        %dma_wait3A_76 = arith.constant 0 : i32
        %dma_wait3A_77 = tpu.memref_slice %arg16[%mul3A_4, %dma_wait3A_76] : memref<10240x64xf32, #tpu.memory_space<vmem_shared>> -> memref<640x64xf32, #tpu.memory_space<vmem_shared>>
        tpu.wait_dma2 semaphore(%run_scoped3A_69 : memref<!tpu.dma_semaphore, #tpu.memory_space<semaphore_mem>>) src(%dma_wait3A_77 : memref<640x64xf32, #tpu.memory_space<vmem_shared>>) dst(%dma_wait3A_75 : memref<640x64xf32, #tpu.memory_space<hbm>>)
        tpu.yield
      }) : () -> ()
    } else {
    }
    return
  }
}

module attributes {stable_mosaic.version = 14 : i64} {
  func.func @body(%arg0: memref<10240x128xf32, #tpu.memory_space<vmem>>, %arg1: memref<128x64xf32, #tpu.memory_space<vmem>>, %arg2: memref<10240x64xf32, #tpu.memory_space<vmem>>) attributes {dimension_semantics = [], scalar_prefetch = 0 : i64, scratch_operands = 0 : i64, tpu.core_type = #tpu.core_type<tc>} {
    %get3A = arith.constant 0 : index
    %get3A_0 = arith.constant 0 : index
    %get3A_1 = vector.load %arg0[%get3A, %get3A_0] : memref<10240x128xf32, #tpu.memory_space<vmem>>, vector<10240x128xf32>
    %get3A_2 = arith.constant 0 : index
    %get3A_3 = arith.constant 0 : index
    %get3A_4 = vector.load %arg1[%get3A_2, %get3A_3] : memref<128x64xf32, #tpu.memory_space<vmem>>, vector<128x64xf32>
    %dot_general3A = arith.constant dense<0.000000e+00> : vector<10240x64xf32>
    %dot_general3A_5 = tpu.matmul %get3A_1, %get3A_4, %dot_general3A {dimension_numbers = #tpu.dot_dimension_numbers<[1], [0], [0], [1], [0, 0, 1, 1], [], []>, transpose_lhs_hint = false} : vector<10240x128xf32>, vector<128x64xf32>, vector<10240x64xf32> -> vector<10240x64xf32>
    %swap3A = arith.constant 0 : index
    %swap3A_6 = arith.constant 0 : index
    %swap3A_7 = vector.load %arg2[%swap3A, %swap3A_6] : memref<10240x64xf32, #tpu.memory_space<vmem>>, vector<10240x64xf32>
    tpu.vector_store %arg2[%swap3A, %swap3A_6], %dot_general3A_5 {strides = array<i32>} : memref<10240x64xf32, #tpu.memory_space<vmem>>, vector<10240x64xf32>,
    return
  }
}

module attributes {stable_mosaic.version = 14 : i64} {
  func.func @body(%arg0: memref<10240x64xf32, #tpu.memory_space<vmem>>, %arg1: memref<10240x64xf32, #tpu.memory_space<vmem>>, %arg2: memref<1x64xf32, #tpu.memory_space<vmem>>, %arg3: memref<1x64xf32, #tpu.memory_space<vmem>>, %arg4: memref<64x32xf32, #tpu.memory_space<vmem>>, %arg5: memref<10240x32xf32, #tpu.memory_space<vmem>>) attributes {dimension_semantics = [], scalar_prefetch = 0 : i64, scratch_operands = 0 : i64, tpu.core_type = #tpu.core_type<tc>} {
    %get3A = arith.constant 0 : index
    %get3A_0 = arith.constant 0 : index
    %get3A_1 = vector.load %arg0[%get3A, %get3A_0] : memref<10240x64xf32, #tpu.memory_space<vmem>>, vector<10240x64xf32>
    %get3A_2 = arith.constant 0 : index
    %get3A_3 = arith.constant 0 : index
    %get3A_4 = vector.load %arg1[%get3A_2, %get3A_3] : memref<10240x64xf32, #tpu.memory_space<vmem>>, vector<10240x64xf32>
    %add3A = arith.addf %get3A_1, %get3A_4 : vector<10240x64xf32>
    %iota3A = tpu.iota {dimensions = array<i32: 0>} : vector<10240x1xi32>
    %lt3A = arith.constant 10000 : i32
    %lt3A_5 = vector.broadcast %lt3A : i32 to vector<10240x1xi32>
    %lt3A_6 = arith.cmpi slt, %iota3A, %lt3A_5 : vector<10240x1xi32>
    %convert_element_type3A = arith.extui %lt3A_6 : vector<10240x1xi1> to vector<10240x1xi32>
    %convert_element_type3A_7 = arith.sitofp %convert_element_type3A : vector<10240x1xi32> to vector<10240x1xf32>
    %mul3A = vector.broadcast %convert_element_type3A_7 : vector<10240x1xf32> to vector<10240x64xf32>
    %mul3A_8 = arith.mulf %add3A, %mul3A : vector<10240x64xf32>
    %reduce_sum3A = arith.constant dense<0.000000e+00> : vector<64xf32>
    %reduce_sum3A_9 = vector.multi_reduction <add>, %mul3A_8, %reduce_sum3A [0] : vector<10240x64xf32> to vector<64xf32>
    %broadcast_in_dim3A = vector.shape_cast %reduce_sum3A_9 : vector<64xf32> to vector<1x64xf32>
    %div3A = arith.constant 1.000000e+04 : f32
    %div3A_10 = vector.broadcast %div3A : f32 to vector<1x64xf32>
    %div3A_11 = arith.divf %broadcast_in_dim3A, %div3A_10 : vector<1x64xf32>
    %mul3A_12 = arith.mulf %mul3A_8, %mul3A_8 : vector<10240x64xf32>
    %reduce_sum3A_13 = arith.constant dense<0.000000e+00> : vector<64xf32>
    %reduce_sum3A_14 = vector.multi_reduction <add>, %mul3A_12, %reduce_sum3A_13 [0] : vector<10240x64xf32> to vector<64xf32>
    %broadcast_in_dim3A_15 = vector.shape_cast %reduce_sum3A_14 : vector<64xf32> to vector<1x64xf32>
    %div3A_16 = arith.constant 1.000000e+04 : f32
    %div3A_17 = vector.broadcast %div3A_16 : f32 to vector<1x64xf32>
    %div3A_18 = arith.divf %broadcast_in_dim3A_15, %div3A_17 : vector<1x64xf32>
    %mul3A_19 = arith.mulf %div3A_11, %div3A_11 : vector<1x64xf32>
    %sub3A = arith.subf %div3A_18, %mul3A_19 : vector<1x64xf32>
    %sub3A_20 = vector.broadcast %div3A_11 : vector<1x64xf32> to vector<10240x64xf32>
    %sub3A_21 = arith.subf %add3A, %sub3A_20 : vector<10240x64xf32>
    %add3A_22 = arith.constant 9.99999974E-6 : f32
    %add3A_23 = vector.broadcast %add3A_22 : f32 to vector<1x64xf32>
    %add3A_24 = arith.addf %sub3A, %add3A_23 : vector<1x64xf32>
    %rsqrt3A = math.rsqrt %add3A_24 : vector<1x64xf32>
    %mul3A_25 = vector.broadcast %rsqrt3A : vector<1x64xf32> to vector<10240x64xf32>
    %mul3A_26 = arith.mulf %sub3A_21, %mul3A_25 : vector<10240x64xf32>
    %get3A_27 = arith.constant 0 : index
    %get3A_28 = arith.constant 0 : index
    %get3A_29 = vector.load %arg2[%get3A_27, %get3A_28] : memref<1x64xf32, #tpu.memory_space<vmem>>, vector<1x64xf32>
    %mul3A_30 = vector.broadcast %get3A_29 : vector<1x64xf32> to vector<10240x64xf32>
    %mul3A_31 = arith.mulf %mul3A_26, %mul3A_30 : vector<10240x64xf32>
    %get3A_32 = arith.constant 0 : index
    %get3A_33 = arith.constant 0 : index
    %get3A_34 = vector.load %arg3[%get3A_32, %get3A_33] : memref<1x64xf32, #tpu.memory_space<vmem>>, vector<1x64xf32>
    %add3A_35 = vector.broadcast %get3A_34 : vector<1x64xf32> to vector<10240x64xf32>
    %add3A_36 = arith.addf %mul3A_31, %add3A_35 : vector<10240x64xf32>
    %gt3A = arith.constant 0.000000e+00 : f32
    %gt3A_37 = vector.broadcast %gt3A : f32 to vector<10240x64xf32>
    %gt3A_38 = arith.cmpf ogt, %add3A_36, %gt3A_37 : vector<10240x64xf32>
    %exp3A = math.exp %add3A_36 : vector<10240x64xf32>
    %sub3A_39 = arith.constant 1.000000e+00 : f32
    %sub3A_40 = vector.broadcast %sub3A_39 : f32 to vector<10240x64xf32>
    %sub3A_41 = arith.subf %exp3A, %sub3A_40 : vector<10240x64xf32>
    %mul3A_42 = arith.constant 1.67326319 : f32
    %mul3A_43 = vector.broadcast %mul3A_42 : f32 to vector<10240x64xf32>
    %mul3A_44 = arith.mulf %mul3A_43, %sub3A_41 : vector<10240x64xf32>
    %select_n3A = arith.select %gt3A_38, %add3A_36, %mul3A_44 : vector<10240x64xi1>, vector<10240x64xf32>
    %mul3A_45 = arith.constant 1.05070102 : f32
    %mul3A_46 = vector.broadcast %mul3A_45 : f32 to vector<10240x64xf32>
    %mul3A_47 = arith.mulf %mul3A_46, %select_n3A : vector<10240x64xf32>
    %get3A_48 = arith.constant 0 : index
    %get3A_49 = arith.constant 0 : index
    %get3A_50 = vector.load %arg4[%get3A_48, %get3A_49] : memref<64x32xf32, #tpu.memory_space<vmem>>, vector<64x32xf32>
    %dot_general3A = arith.constant dense<0.000000e+00> : vector<10240x32xf32>
    %dot_general3A_51 = tpu.matmul %mul3A_47, %get3A_50, %dot_general3A {dimension_numbers = #tpu.dot_dimension_numbers<[1], [0], [0], [1], [0, 0, 1, 1], [], []>, transpose_lhs_hint = false} : vector<10240x64xf32>, vector<64x32xf32>, vector<10240x32xf32> -> vector<10240x32xf32>
    %swap3A = arith.constant 0 : index
    %swap3A_52 = arith.constant 0 : index
    %swap3A_53 = vector.load %arg5[%swap3A, %swap3A_52] : memref<10240x32xf32, #tpu.memory_space<vmem>>, vector<10240x32xf32>
    tpu.vector_store %arg5[%swap3A, %swap3A_52], %dot_general3A_51 {strides = array<i32>} : memref<10240x32xf32, #tpu.memory_space<vmem>>, vector<10240x32xf32>,
    return
  }
}

module attributes {stable_mosaic.version = 14 : i64} {
  func.func @body(%arg0: memref<10240x32xf32, #tpu.memory_space<vmem>>, %arg1: memref<10240x32xf32, #tpu.memory_space<vmem>>, %arg2: memref<1x32xf32, #tpu.memory_space<vmem>>, %arg3: memref<10000x32xf32, #tpu.memory_space<vmem>>) attributes {dimension_semantics = [], scalar_prefetch = 0 : i64, scratch_operands = 0 : i64, tpu.core_type = #tpu.core_type<tc>} {
    %get3A = arith.constant 0 : index
    %get3A_0 = arith.constant 0 : index
    %get3A_1 = vector.load %arg0[%get3A, %get3A_0] : memref<10240x32xf32, #tpu.memory_space<vmem>>, vector<10240x32xf32>
    %get3A_2 = arith.constant 0 : index
    %get3A_3 = arith.constant 0 : index
    %get3A_4 = vector.load %arg1[%get3A_2, %get3A_3] : memref<10240x32xf32, #tpu.memory_space<vmem>>, vector<10240x32xf32>
    %add3A = arith.addf %get3A_1, %get3A_4 : vector<10240x32xf32>
    %get3A_5 = arith.constant 0 : index
    %get3A_6 = arith.constant 0 : index
    %get3A_7 = vector.load %arg2[%get3A_5, %get3A_6] : memref<1x32xf32, #tpu.memory_space<vmem>>, vector<1x32xf32>
    %add3A_8 = vector.broadcast %get3A_7 : vector<1x32xf32> to vector<10240x32xf32>
    %add3A_9 = arith.addf %add3A, %add3A_8 : vector<10240x32xf32>
    %slice3A = vector.extract_strided_slice %add3A_9 {offsets = [0, 0], sizes = [10000, 32], strides = [1, 1]} : vector<10240x32xf32> to vector<10000x32xf32>
    %reduce_max3A = arith.constant dense<0xFF800000> : vector<10000xf32>
    %reduce_max3A_10 = vector.multi_reduction <maximumf>, %slice3A, %reduce_max3A [1] : vector<10000x32xf32> to vector<10000xf32>
    %broadcast_in_dim3A = vector.shape_cast %reduce_max3A_10 : vector<10000xf32> to vector<10000x1xf32>
    %sub3A = vector.broadcast %broadcast_in_dim3A : vector<10000x1xf32> to vector<10000x32xf32>
    %sub3A_11 = arith.subf %slice3A, %sub3A : vector<10000x32xf32>
    %exp3A = math.exp %sub3A_11 : vector<10000x32xf32>
    %reduce_sum3A = arith.constant dense<0.000000e+00> : vector<10000xf32>
    %reduce_sum3A_12 = vector.multi_reduction <add>, %exp3A, %reduce_sum3A [1] : vector<10000x32xf32> to vector<10000xf32>
    %broadcast_in_dim3A_13 = vector.shape_cast %reduce_sum3A_12 : vector<10000xf32> to vector<10000x1xf32>
    %log3A = math.log %broadcast_in_dim3A_13 : vector<10000x1xf32>
    %add3A_14 = arith.addf %log3A, %broadcast_in_dim3A : vector<10000x1xf32>
    %sub3A_15 = vector.broadcast %add3A_14 : vector<10000x1xf32> to vector<10000x32xf32>
    %sub3A_16 = arith.subf %slice3A, %sub3A_15 : vector<10000x32xf32>
    %swap3A = arith.constant 0 : index
    %swap3A_17 = arith.constant 0 : index
    %swap3A_18 = vector.load %arg3[%swap3A, %swap3A_17] : memref<10000x32xf32, #tpu.memory_space<vmem>>, vector<10000x32xf32>
    tpu.vector_store %arg3[%swap3A, %swap3A_17], %sub3A_16 {strides = array<i32>} : memref<10000x32xf32, #tpu.memory_space<vmem>>, vector<10000x32xf32>,
    return
  }
}

</mosaic_0001>

<sc_bundles>
// kernel: kernel.11.cloned.1.call-start
scs
__scs_entry_jumppad:
0x0: {  	(pc) =	sbr.rel $0x88, $3  }
0x1: {  	(tag) =	ssettag $0x0;
	lr =	simm.s32 $0x1  }
0x2: {  	[smem:$0x3F9A] =	sst lr;
	_ =	strace $0xD0000000  }
0x3: {  	_ = 	snop  }
0x4: {  	_ = 	snop  }
0x5: {  	_ = 	snop  }
0x6: {  	_ = 	snop  }
0x7: {  	_ = 	snop  }
__scs_overlays_trampoline_lowered:
0x8: {  	[smem:$0x3FA9] =	sst s0  }
0x9: {  	[smem:$0x3FAA] =	sst s1  }
0xa: {  	[smem:$0x3FAB] =	sst s2  }
0xb: {  	[smem:$0x3FAC] =	sst s3  }
0xc: {  	[smem:$0x3FAD] =	sst s4  }
0xd: {  	[smem:$0x3FAE] =	sst s5  }
0xe: {  	[smem:$0x3FAF] =	sst s6  }
0xf: {  	[smem:$0x3FB0] =	sst s7  }
0x10: {  	[smem:$0x3FB1] =	sst s8  }
0x11: {  	[smem:$0x3FB2] =	sst s9;
	s0 =	simm.s32 @!p0 $0x0  }
0x12: {  	s1 =	sld [smem:$0x3F98];
	s0 =	simm.s32 @p0 $0x1  }
0x13: {  	[smem:$0x3FB3] =	sst s0;
	s0 =	simm.s32 @!p1 $0x0  }
0x14: {  	s2 =	sld [smem:$0x3F97];
	s0 =	simm.s32 @p1 $0x1  }
0x15: {  	[smem:$0x3FB4] =	sst s0;
	s0 =	simm.s32 @!p2 $0x0  }
0x16: {  	s3 =	sld [smem:$0x3FDB];
	s0 =	simm.s32 @p2 $0x1  }
0x17: {  	s4 =	simm.s32 $0x1BF5;
	[smem:$0x3FB6] =	sst s0  }
0x18: {  	s0 =	sld [smem:$0x3F99];
	_ =	swait.ge [sflag:s4], $0x0  }
0x19: {  	s7 =	sld [smem:$0x3F9A]  }
0x1a: {  	s8 =	sadd.s32 $0xFFFFE003, lr  }
0x1b: {  	s9 =	sadd.s32 $0xFFFFFEF7, lr;
	s5 =	simm.s32 $0xFFFFFFFF;
	p2 =	slt.u32 s8, $0xFFFFF086  }
0x1c: {  	p1 =	slt.u32 s9, $0xF7A;
	s5 =	simm.s32 @!p2 $0x0  }
0x1d: {  	s5 =	simm.s32 @p1 $0x1;
	p0 =	seq.s32 s7, s2  }
0x1e: {  	s7 =	smul.u32 @!p0 $0xF7A, s2;
	p2 =	seq.s32 @!p0 s5, $0x0  }
0x1f: {  	s9 =	smul.u32 $0xF7A, s1;
	s8 =	simm.s32 @!p0 $0x1BF5;
	p2 =	por !p2, p0  }
0x20: {  	[sflag:s8] =	ssyncset.s32 @!p0 $0xFFFFF086;
	s6 =	sadd.s32 @!p0 s3, s7;
	s7 =	simm.s32 @!p0 $0x108  }
0x21: {  	s3 =	sadd.s32 s3, s9;
	s6 =	sadd.s32 @!p0 $0x88, s6;
	s7 =	simm.s32 @p2 $0x1082  }
0x22: {  	[simem:s7], [sflag:s8] =	dma.local @!p0 [hbm:s6], $0xF7A  }
0x23: {  	s9 =	sor.u32 $0xD0000000, s2;
	s6 =	simm.s32 $0x108;
	_ =	swait.ge @!p0 [sflag:s8], $0x0  }
0x24: {  	s3 =	sadd.s32 $0x88, s3;
	s6 =	simm.s32 @!p1 $0x1082;
	[sflag:s4] =	ssyncset.s32 $0xFFFFF086  }
0x25: {  	[simem:s6], [sflag:s4] =	dma.local [hbm:s3], $0xF7A  }
0x26: {  	[smem:$0x3F9A] =	sst s1;
	(tag) =	ssettag s2;
	_ =	strace s9  }
0x27: {  	s1 =	sld [smem:$0x3FAA]  }
0x28: {  	s2 =	sld [smem:$0x3FAB]  }
0x29: {  	s4 =	sld [smem:$0x3FAD]  }
0x2a: {  	p0 =	seq.s32 s5, $0x0;
	s5 =	sld [smem:$0x3FAE]  }
0x2b: {  	s6 =	sld [smem:$0x3FAF]  }
0x2c: {  	s7 =	sld [smem:$0x3FB0]  }
0x2d: {  	s3 =	simm.s32 $0x108;
	s8 =	sld [smem:$0x3FB1]  }
0x2e: {  	s3 =	simm.s32 @!p0 $0x1082;
	s9 =	sld [smem:$0x3FB2]  }
0x2f: {  	lr =	sadd.s32 s0, s3;
	s0 =	sld [smem:$0x3FA9]  }
0x30: {  	s3 =	sld [smem:$0x3FAC]  }
0x31: {  	[smem:$0x3FB5] =	sst s10  }
0x32: {  	s10 =	sld [smem:$0x3FB3];
	_ =	sdelay $0x3  }
0x33: {  	p0 =	seq.s32 s10, $0x1;
	s10 =	sld [smem:$0x3FB5];
	_ =	sdelay $0x3  }
0x34: {  	[smem:$0x3FB5] =	sst s10  }
0x35: {  	s10 =	sld [smem:$0x3FB4];
	_ =	sdelay $0x3  }
0x36: {  	p1 =	seq.s32 s10, $0x1;
	s10 =	sld [smem:$0x3FB5];
	_ =	sdelay $0x3  }
0x37: {  	[smem:$0x3FB5] =	sst s10  }
0x38: {  	s10 =	sld [smem:$0x3FB6]  }
0x39: {  	_ = 	snop;
	(pc) =	sbr.ind lr, $3  }
0x3a: {  	_ = 	snop  }
0x3b: {  	_ = 	snop  }
0x3c: {  	p2 =	seq.s32 s10, $0x1;
	s10 =	sld [smem:$0x3FB5]  }
0x3d: {  	_ =	shalt  }
0x3e: {  	_ =	shalt  }
0x3f: {  	_ =	shalt  }
0x40: {  	_ =	shalt  }
0x41: {  	_ =	shalt  }
0x42: {  	_ =	shalt  }
0x43: {  	_ =	shalt  }
0x44: {  	_ =	shalt  }
0x45: {  	_ =	shalt  }
0x46: {  	_ =	shalt  }
0x47: {  	_ =	shalt  }
0x48: {  	_ =	shalt  }
0x49: {  	_ =	shalt  }
0x4a: {  	_ =	shalt  }
0x4b: {  	_ =	shalt  }
0x4c: {  	_ =	shalt  }
0x4d: {  	_ =	shalt  }
0x4e: {  	_ =	shalt  }
0x4f: {  	_ =	shalt  }
0x50: {  	_ =	shalt  }
0x51: {  	_ =	shalt  }
0x52: {  	_ =	shalt  }
0x53: {  	_ =	shalt  }
0x54: {  	_ =	shalt  }
0x55: {  	_ =	shalt  }
0x56: {  	_ =	shalt  }
0x57: {  	_ =	shalt  }
0x58: {  	_ =	shalt  }
0x59: {  	_ =	shalt  }
0x5a: {  	_ =	shalt  }
0x5b: {  	_ =	shalt  }
0x5c: {  	_ =	shalt  }
0x5d: {  	_ =	shalt  }
0x5e: {  	_ =	shalt  }
0x5f: {  	_ =	shalt  }
0x60: {  	_ =	shalt  }
0x61: {  	_ =	shalt  }
0x62: {  	_ =	shalt  }
0x63: {  	_ =	shalt  }
0x64: {  	_ =	shalt  }
0x65: {  	_ =	shalt  }
0x66: {  	_ =	shalt  }
0x67: {  	_ =	shalt  }
0x68: {  	_ =	shalt  }
0x69: {  	_ =	shalt  }
0x6a: {  	_ =	shalt  }
0x6b: {  	_ =	shalt  }
0x6c: {  	_ =	shalt  }
0x6d: {  	_ =	shalt  }
0x6e: {  	_ =	shalt  }
0x6f: {  	_ =	shalt  }
0x70: {  	_ =	shalt  }
0x71: {  	_ =	shalt  }
0x72: {  	_ =	shalt  }
0x73: {  	_ =	shalt  }
0x74: {  	_ =	shalt  }
0x75: {  	_ =	shalt  }
0x76: {  	_ =	shalt  }
0x77: {  	_ =	shalt  }
0x78: {  	_ =	shalt  }
0x79: {  	_ =	shalt  }
0x7a: {  	_ =	shalt  }
0x7b: {  	_ =	shalt  }
0x7c: {  	_ =	shalt  }
0x7d: {  	_ =	shalt  }
0x7e: {  	_ =	shalt  }
0x7f: {  	_ =	shalt  }
0x80: {  	_ =	shalt  }
0x81: {  	_ =	shalt  }
0x82: {  	_ =	shalt  }
0x83: {  	_ =	shalt  }
0x84: {  	_ =	shalt  }
0x85: {  	_ =	shalt  }
0x86: {  	_ =	shalt  }
0x87: {  	_ =	shalt  }
.Lfunc_end0:
.L_simem_size_0:
called_computation.1_lowered:
.L_overlay_start_0:
0x88: {  	s2 =	sld [smem:$0x3FD9]  }
0x89: {  	s3 =	sld [smem:$0x3FFE];
	_ =	sdelay $0x1  }
0x8a: {  	s1 =	srdreg.scid  }
0x8b: {  	s0 =	sand.u32 $0x1, s1  }
0x8c: {  	s17 =	sshll.u32 s0, $0xA;
	s2 =	sadd.s32 s3, s2  }
0x8d: {  	s2 =	sadd.s32 s2, s17  }
0x8e: {  	[smem:$0x3FC1] =	sst s2  }
0x8f: {  	_ = 	snop  }
0x90: {  	s2 =	sld [smem:$0x3FD0];
	(tm) =	ssettm $0x1  }
0x91: {  	s18 =	sld [smem:$0x3FFB];
	_ =	sdelay $0x3  }
0x92: {  	_ =	strace s18  }
0x93: {  	s3 =	sld [smem:$0x3FFC];
	_ =	sdelay $0x3  }
0x94: {  	_ =	strace s3  }
0x95: {  	s3 =	sld [smem:$0x3FFD];
	_ =	sdelay $0x3  }
0x96: {  	_ =	strace s3  }
0x97: {  	_ =	strace $0x8FFFFFFF  }
0x98: {  	s19 =	sld [smem:$0x3FDB];
	_ =	sdelay $0x1  }
0x99: {  	s4 =	simm.s32 $_scs_section_size  }
0x9a: {  	s5 =	simm.s32 $_size__tile_overlayer_lowered;
	s6 =	simm.s32 $_tile_overlayer_lowered  }
0x9b: {  	s22 =	simm.s32 $0x1BFF;
	s21 =	sshll.u32 s6, $0x1;
	s3 =	sadd.s32 s4, s19  }
0x9c: {  	s7 =	simm.s32 $0x0;
	s20 =	sshll.u32 s5, $0x1;
	s5 =	sadd.s32 s21, s3  }
0x9d: {  	[timem:s7], [sflag:s22] =	dma.local [hbm:s5], s20  }
0x9e: {  	_ =	swait.ge [sflag:s22], s20  }
0x9f: {  	s4 =	ssub.s32 $0x0, s20;
	[sflag:s22] =	ssyncset.done $0x0  }
0xa0: {  	[sflag:s22] =	ssyncadd.s32 s4;
	_ =	sdelay $0x1  }
0xa1: {  	s23 =	simm.s32 $0x1B8B  }
0xa2: {  	_ =	swait.ge [sflag:s23], $0x1  }
0xa3: {  	[sflag:s23] =	ssyncset.done $0x0  }
0xa4: {  	s25 =	simm.s32 $0x1B8E;
	s24 =	sld [smem:$0x3FFE];
	[sflag:s23] =	ssyncadd.s32 $0xFFFFFFFF  }
0xa5: {  	s26 =	simm.s32 $execute0_lowered;
	[smem:$0x3FD2] =	sst s25  }
0xa6: {  	s5 =	sshll.u32 s26, $0x1;
	_ =	strace $0x80000049;
	[dreg:$0x1] =	wrdreg $0xFFFFFFFF  }
0xa7: {  	s28 =	simm.s32 $_size_execute0_lowered;
	s3 =	sadd.s32 s3, s5;
	[dreg:$0x0] =	wrdreg $0x0  }
0xa8: {  	s5 =	sshll.u32 s28, $0x1;
	[dreg:$0x2] =	wrdreg s3  }
0xa9: {  	[dreg:$0x3] =	wrdreg s5  }
0xaa: {  	[dreg:$0x4] =	wrdreg $0xC0  }
0xab: {  	_ =	task [dreg:s7], $0x5FFFF  }
0xac: {  	[dreg:$0x1] =	wrdreg $0xFFFFFFFF  }
0xad: {  	[dreg:$0x0] =	wrdreg $0x60  }
0xae: {  	[dreg:$0x2] =	wrdreg s24  }
0xaf: {  	[dreg:$0x3] =	wrdreg s2  }
0xb0: {  	[dreg:$0x4] =	wrdreg $0x154800  }
0xb1: {  	[dreg:$0x5] =	wrdreg $0xB4800  }
0xb2: {  	[dreg:$0x6] =	wrdreg $0x9  }
0xb3: {  	_ =	task.clear_ibuf [dreg:s7], $0x7FFFF;
	_ =	strace $0x90000049  }
0xb4: {  	s29 =	simm.s32 $0x9;
	_ =	strace $0x8000004B  }
0xb5: {  	_ =	swait.ge [sflag:s29], $0x1  }
0xb6: {  	[sflag:s29] =	ssyncadd.s32 $0xFFFFFFFF  }
0xb7: {  	_ =	strace $0x9000004B  }
0xb8: {  	_ =	sfence  }
0xb9: {  	s30 =	sld [smem:$0x0];
	_ =	sdelay $0x2  }
0xba: {  	s31 =	sshll.u32 s1, $0xD;
	s1 =	sshrl.u32 s1, $0x2  }
0xbb: {  	s3 =	sand.u32 $0x4000, s31;
	s1 =	sadd.s32 s1, s30  }
0xbc: {  	s0 =	sor.u32 s3, s0;
	s1 =	sshll.u32 s1, $0x11  }
0xbd: {  	s0 =	sor.u32 s1, s0  }
0xbe: {  	s0 =	sadd.s32 $0x8F2B, s0  }
0xbf: {  	[sflag:s0] =	ssyncadd.remote.s32 $0x1  }
0xc0: {  	_ =	sfence.sel $0xFFFF  }
0xc1: {  	[dreg:$0x0] =	wrdreg $0xFFFFFFFF;
	(pc) =	sbr.abs _section_cstart, $3  }
0xc2: {  	[dreg:$0x1] =	wrdreg $0xFFFFFFFF  }
0xc3: {  	_ =	task.clear_ibuf [dreg:s7], $0x2FFFF;
	_ =	strace $0x9FFFFFFF  }
0xc4: {  	(tm) =	ssettm $0x7FFFFFFF  }
0xc5: {  	_ =	shalt  }
tec
execute0_lowered:
.L_overlay_start_1:
0x0: {  	(tag) =	ssettag $0x1  }
0x1: {  	s0 =	rddreg [dreg:$0x0]  }
0x2: {  	s1 =	rddreg [dreg:$0x1]  }
0x3: {  	s2 =	rddreg [dreg:$0x2]  }
0x4: {  	s3 =	rddreg [dreg:$0x3]  }
0x5: {  	s4 =	simm.s32 $0x0;
	s19 =	stileid.u32;
	s5 =	srdreg.scid  }
0x6: {  	s18 =	simm.s32 $0x7;
	s31 =	simm.s32 $0x7480;
	s20 =	simm.s32 $0x2  }
0x7: {  	s28 =	simm.s32 $0x3;
	s29 =	simm.s32 $0x6;
	s30 =	simm.s32 $0x0  }
0x8: {  	s6 =	smul.u32 $0xA000, s19;
	s7 =	sand.u32 $0x1, s5;
	s21 =	sshll.u32 s19, $0x1  }
0x9: {  	[smem:$0x7FF] =	sst s4;
	s22 =	sadd.s32 $0xC200, s0;
	s11 =	smul.u32 $0x50, s19  }
0xa: {  	s26 =	sshll.u32 s19, $0x6;
	s19 =	simm.s32 $0x4;
	s5 =	sor.u32 s7, s21  }
0xb: {  	_ =	strace $0x8000004A;
	s23 =	ssub.s32 $0x2, s7;
	[dreg:$0x5] =	wrdreg s22  }
0xc: {  	p0 =	seq.s32 s7, $0x0;
	s21 =	simm.s32 $0x5200;
	s8 =	sshrl.u32 s6, $0x3  }
0xd: {  	s9 =	smul.u32 $0x510, s5;
	s10 =	sshrl.u32 s23, $0x1;
	s24 =	sadd.s32 s1, s11  }
0xe: {  	s25 =	sadd.s32 s6, s2;
	s1 =	simm.s32 $0x66400;
	s15 =	sadd.s32 s6, s3  }
0xf: {  	s17 =	sadd.s32 s8, s0;
	s16 =	ssub.s32 s23, s10;
	[dreg:$0x8] =	wrdreg s24  }
0x10: {  	s1 =	simm.s32 @!p0 $0x16400;
	s23 =	sshrl.u32 s25, $0x3;
	s24 =	simm.s32 $0x5480  }
0x11: {  	s25 =	simm.s32 $0x80;
	s0 =	sadd.s32 s9, s0;
	s5 =	sadd.s32 s22, s9  }
0x12: {  	s9 =	sadd.s32 $0x3E400, s17;
	s10 =	sadd.s32 $0x52400, s17;
	s11 =	sadd.s32 $0x52800, s17  }
0x13: {  	s12 =	sadd.s32 $0x52C00, s17;
	s13 =	sadd.s32 $0x53000, s17;
	s14 =	sadd.s32 $0x53400, s17  }
0x14: {  	s16 =	smax.u32 s16, $0x1;
	s17 =	sadd.s32 s1, s17;
	s22 =	sor.u32 $0x1C07, s26  }
0x15: {  	s1 =	simm.s32 $0x9480;
	[dreg:$0x6] =	wrdreg s5;
	s0 =	sadd.s32 $0x2000, s0  }
0x16: {  	s26 =	simm.s32 $0x5;
	[dreg:$0x7] =	wrdreg s0;
	s0 =	simm.s32 $0x1  }
.LBB2_1:
0x17: {  	s5 =	rddreg [dreg:$0x6]  }
0x18: {  	[tilespmem:s4], [sflag:$0x7] =	stream.linear.gather [hbm4b:s5+s4], $0x2880, $0x38;
	[tilespmem:$0x1F480] =	vst v63  }
0x19: {  	_ =	swait.ge [sflag:s18], $0x2880  }
0x1a: {  	[sflag:s18] =	ssyncset.done $0x0  }
0x1b: {  	s6 =	simm.s32 $0x2880;
	s8 =	rddreg [dreg:$0x5];
	[sflag:s18] =	ssyncadd.s32 $0xFFFFD780  }
0x1c: {  	[tilespmem:s6], [sflag:$0x7] =	stream.linear.gather [hbm4b:s8+s4], $0x100, $0x38;
	[tilespmem:$0x1F480] =	vst v63  }
0x1d: {  	_ =	swait.ge [sflag:s18], $0x100  }
0x1e: {  	[sflag:s18] =	ssyncset.done $0x0  }
0x1f: {  	s8 =	simm.s32 $0x2980;
	s7 =	rddreg [dreg:$0x7];
	[sflag:s18] =	ssyncadd.s32 $0xFFFFFF00  }
0x20: {  	[tilespmem:s8], [sflag:$0x7] =	stream.linear.gather [hbm4b:s7+s4], $0x2880, $0x38;
	[tilespmem:$0x1F480] =	vst v63  }
0x21: {  	_ =	swait.ge [sflag:s18], $0x2880  }
0x22: {  	[sflag:s18] =	ssyncset.done $0x0  }
0x23: {  	s7 =	rddreg [dreg:$0x8];
	[sflag:s18] =	ssyncadd.s32 $0xFFFFD780  }
0x24: {  	[tilespmem:s21], [sflag:$0x7] =	stream.linear.gather [hbm4b:s7+s4], $0x280, $0x38;
	[tilespmem:$0x1F480] =	vst v63  }
0x25: {  	_ =	swait.ge [sflag:s18], $0x280  }
0x26: {  	[sflag:s18] =	ssyncset.done $0x0  }
0x27: {  	[sflag:s18] =	ssyncadd.s32 $0xFFFFFD80  }
0x28: {  	[spmem:s23], [sflag:s22] =	dma.local [hbm:s9], $0x1400  }
0x29: {  	_ =	swait.ge [sflag:s18], $0x1400  }
0x2a: {  	[sflag:s18] =	ssyncset.done $0x0  }
0x2b: {  	[sflag:s18] =	ssyncadd.s32 $0xFFFFEC00  }
0x2c: {  	[tilespmem:s24], [sflag:$0x7] =	stream.linear.gather [hbm4b:s10+s4], $0x2000, $0x38;
	[tilespmem:$0x1F480] =	vst v63  }
0x2d: {  	_ =	swait.ge [sflag:s18], $0x2000  }
0x2e: {  	[sflag:s18] =	ssyncset.done $0x0  }
0x2f: {  	[sflag:s18] =	ssyncadd.s32 $0xFFFFE000  }
0x30: {  	[spmem:s2] =	stream.indirect.scatter.add.f32 [tilespmem:s24], [sflag:$0x7], $0x40, s21, s25, $0xb8;
	[tilespmem:$0x1F480] =	vst v63  }
0x31: {  	_ =	swait.ge [sflag:s18], $0x2000  }
0x32: {  	[sflag:s18] =	ssyncset.done $0x0  }
0x33: {  	[sflag:s18] =	ssyncadd.s32 $0xFFFFE000  }
0x34: {  	[tilespmem:s24], [sflag:$0x7] =	stream.linear.gather [hbm4b:s11+s4], $0x2000, $0x38;
	[tilespmem:$0x1F480] =	vst v63  }
0x35: {  	_ =	swait.ge [sflag:s18], $0x2000  }
0x36: {  	[sflag:s18] =	ssyncset.done $0x0  }
0x37: {  	s8 =	simm.s32 $0x5280;
	[sflag:s18] =	ssyncadd.s32 $0xFFFFE000  }
0x38: {  	[spmem:s2] =	stream.indirect.scatter.add.f32 [tilespmem:s24], [sflag:$0x7], $0x40, s8, s25, $0xb8;
	[tilespmem:$0x1F480] =	vst v63  }
0x39: {  	_ =	swait.ge [sflag:s18], $0x2000  }
0x3a: {  	[sflag:s18] =	ssyncset.done $0x0  }
0x3b: {  	[sflag:s18] =	ssyncadd.s32 $0xFFFFE000  }
0x3c: {  	[tilespmem:s24], [sflag:$0x7] =	stream.linear.gather [hbm4b:s12+s4], $0x2000, $0x38;
	[tilespmem:$0x1F480] =	vst v63  }
0x3d: {  	_ =	swait.ge [sflag:s18], $0x2000  }
0x3e: {  	[sflag:s18] =	ssyncset.done $0x0  }
0x3f: {  	s6 =	simm.s32 $0x5300;
	[sflag:s18] =	ssyncadd.s32 $0xFFFFE000  }
0x40: {  	[spmem:s2] =	stream.indirect.scatter.add.f32 [tilespmem:s24], [sflag:$0x7], $0x40, s6, s25, $0xb8;
	[tilespmem:$0x1F480] =	vst v63  }
0x41: {  	_ =	swait.ge [sflag:s18], $0x2000  }
0x42: {  	[sflag:s18] =	ssyncset.done $0x0  }
0x43: {  	[sflag:s18] =	ssyncadd.s32 $0xFFFFE000  }
0x44: {  	[tilespmem:s24], [sflag:$0x7] =	stream.linear.gather [hbm4b:s13+s4], $0x2000, $0x38;
	[tilespmem:$0x1F480] =	vst v63  }
0x45: {  	_ =	swait.ge [sflag:s18], $0x2000  }
0x46: {  	[sflag:s18] =	ssyncset.done $0x0  }
0x47: {  	s7 =	simm.s32 $0x5380;
	[sflag:s18] =	ssyncadd.s32 $0xFFFFE000  }
0x48: {  	[spmem:s2] =	stream.indirect.scatter.add.f32 [tilespmem:s24], [sflag:$0x7], $0x40, s7, s25, $0xb8;
	[tilespmem:$0x1F480] =	vst v63  }
0x49: {  	_ =	swait.ge [sflag:s18], $0x2000  }
0x4a: {  	[sflag:s18] =	ssyncset.done $0x0  }
0x4b: {  	[sflag:s18] =	ssyncadd.s32 $0xFFFFE000  }
0x4c: {  	[tilespmem:s24], [sflag:$0x7] =	stream.linear.gather [hbm4b:s14+s4], $0x2000, $0x38;
	[tilespmem:$0x1F480] =	vst v63  }
0x4d: {  	_ =	swait.ge [sflag:s18], $0x2000  }
0x4e: {  	[sflag:s18] =	ssyncset.done $0x0  }
0x4f: {  	s8 =	simm.s32 $0x5400;
	[sflag:s18] =	ssyncadd.s32 $0xFFFFE000  }
0x50: {  	[spmem:s2] =	stream.indirect.scatter.add.f32 [tilespmem:s24], [sflag:$0x7], $0x40, s8, s25, $0xb8;
	[tilespmem:$0x1F480] =	vst v63  }
0x51: {  	_ =	swait.ge [sflag:s18], $0x2000  }
0x52: {  	s7 =	smov.u32 s10;
	[sflag:s18] =	ssyncset.done $0x0  }
0x53: {  	s6 =	sshrl.u32 s15, $0x3;
	s7 =	smov.u32 @p0 s9;
	[sflag:s18] =	ssyncadd.s32 $0xFFFFE000  }
0x54: {  	[spmem:s6], [sflag:s22] =	dma.local [hbm:s7], $0x1400  }
0x55: {  	_ =	swait.ge [sflag:s18], $0x1400  }
0x56: {  	[sflag:s18] =	ssyncset.done $0x0  }
0x57: {  	[sflag:s18] =	ssyncadd.s32 $0xFFFFEC00  }
0x58: {  	[bflag:$0x0] =	sbarrier.arrive $0xFFFF  }
0x59: {  	[tilespmem:s24], [sflag:$0x1] =	stream.indirect.gather [spmem:s2], $0x40, s4, s25, $0xb8;
	[tilespmem:$0x1F480] =	vst v63  }
0x5a: {  	_ = 	snop  }
0x5b: {  	[tilespmem:s31], [sflag:$0x2] =	stream.indirect.gather [spmem:s2], $0x40, s25, s25, $0xb8;
	[tilespmem:$0x1F480] =	vst v63  }
0x5c: {  	_ =	swait.ge [sflag:s0], $0x2000  }
0x5d: {  	[sflag:s0] =	ssyncset.done $0x0  }
0x5e: {  	s5 =	simm.s32 $0x100;
	[sflag:s0] =	ssyncadd.s32 $0xFFFFE000  }
0x5f: {  	[tilespmem:s1], [sflag:$0x3] =	stream.indirect.gather [spmem:s2], $0x40, s5, s25, $0xb8;
	[tilespmem:$0x1F480] =	vst v63  }
0x60: {  	s8 =	simm.s32 $0x2980  }
0x61: {  	[spmem:s3] =	stream.indirect.scatter.add.f32 [tilespmem:s24], [sflag:$0x4], $0x40, s8, s25, $0xb8;
	[tilespmem:$0x1F480] =	vst v63  }
0x62: {  	_ =	swait.ge [sflag:s19], $0x2000  }
0x63: {  	[sflag:s19] =	ssyncset.done $0x0  }
0x64: {  	[sflag:s19] =	ssyncadd.s32 $0xFFFFE000  }
0x65: {  	_ =	swait.ge [sflag:s20], $0x2000  }
0x66: {  	[sflag:s20] =	ssyncset.done $0x0  }
0x67: {  	s5 =	simm.s32 $0x180;
	[sflag:s20] =	ssyncadd.s32 $0xFFFFE000  }
0x68: {  	[tilespmem:s24], [sflag:$0x1] =	stream.indirect.gather [spmem:s2], $0x40, s5, s25, $0xb8;
	[tilespmem:$0x1F480] =	vst v63  }
0x69: {  	s8 =	simm.s32 $0x2A00  }
0x6a: {  	[spmem:s3] =	stream.indirect.scatter.add.f32 [tilespmem:s31], [sflag:$0x5], $0x40, s8, s25, $0xb8;
	[tilespmem:$0x1F480] =	vst v63  }
0x6b: {  	_ =	swait.ge [sflag:s26], $0x2000  }
0x6c: {  	[sflag:s26] =	ssyncset.done $0x0  }
0x6d: {  	[sflag:s26] =	ssyncadd.s32 $0xFFFFE000  }
0x6e: {  	_ =	swait.ge [sflag:s28], $0x2000  }
0x6f: {  	[sflag:s28] =	ssyncset.done $0x0  }
0x70: {  	s5 =	simm.s32 $0x200;
	[sflag:s28] =	ssyncadd.s32 $0xFFFFE000  }
0x71: {  	[tilespmem:s31], [sflag:$0x2] =	stream.indirect.gather [spmem:s2], $0x40, s5, s25, $0xb8;
	[tilespmem:$0x1F480] =	vst v63  }
0x72: {  	s8 =	simm.s32 $0x2A80  }
0x73: {  	[spmem:s3] =	stream.indirect.scatter.add.f32 [tilespmem:s1], [sflag:$0x6], $0x40, s8, s25, $0xb8;
	[tilespmem:$0x1F480] =	vst v63  }
0x74: {  	_ =	swait.ge [sflag:s29], $0x2000  }
0x75: {  	s7 =	simm.s32 $0x600;
	[sflag:s29] =	ssyncset.done $0x0  }
.LBB2_2:
0x76: {  	p1 =	sne.s32 s7, $0x9C00  }
0x77: {  	[sflag:s29] =	ssyncadd.s32 $0xFFFFE000;
	s5 =	smov.u32 s7;
	s7 =	sadd.s32 $0x600, s7  }
0x78: {  	_ = 	snop  }
0x79: {  	_ =	swait.ge [sflag:s0], $0x2000  }
0x7a: {  	s5 =	sshra.s32 s5, $0x2;
	[sflag:s0] =	ssyncset.done $0x0  }
0x7b: {  	s8 =	sadd.s32 $0x100, s5;
	[sflag:s0] =	ssyncadd.s32 $0xFFFFE000  }
0x7c: {  	[tilespmem:s1], [sflag:$0x3] =	stream.indirect.gather [spmem:s2], $0x40, s8, s25, $0xb8;
	[tilespmem:$0x1F480] =	vst v63  }
0x7d: {  	s8 =	sadd.s32 $0x2980, s5  }
0x7e: {  	[spmem:s3] =	stream.indirect.scatter.add.f32 [tilespmem:s24], [sflag:$0x4], $0x40, s8, s25, $0xb8;
	[tilespmem:$0x1F480] =	vst v63  }
0x7f: {  	_ =	swait.ge [sflag:s19], $0x2000  }
0x80: {  	[sflag:s19] =	ssyncset.done $0x0  }
0x81: {  	[sflag:s19] =	ssyncadd.s32 $0xFFFFE000  }
0x82: {  	_ =	swait.ge [sflag:s20], $0x2000  }
0x83: {  	[sflag:s20] =	ssyncset.done $0x0  }
0x84: {  	s8 =	sadd.s32 $0x180, s5;
	[sflag:s20] =	ssyncadd.s32 $0xFFFFE000  }
0x85: {  	[tilespmem:s24], [sflag:$0x1] =	stream.indirect.gather [spmem:s2], $0x40, s8, s25, $0xb8;
	[tilespmem:$0x1F480] =	vst v63  }
0x86: {  	s8 =	sadd.s32 $0x2A00, s5  }
0x87: {  	[spmem:s3] =	stream.indirect.scatter.add.f32 [tilespmem:s31], [sflag:$0x5], $0x40, s8, s25, $0xb8;
	[tilespmem:$0x1F480] =	vst v63  }
0x88: {  	_ =	swait.ge [sflag:s26], $0x2000  }
0x89: {  	[sflag:s26] =	ssyncset.done $0x0  }
0x8a: {  	[sflag:s26] =	ssyncadd.s32 $0xFFFFE000  }
0x8b: {  	_ =	swait.ge [sflag:s28], $0x2000  }
0x8c: {  	[sflag:s28] =	ssyncset.done $0x0  }
0x8d: {  	s8 =	sadd.s32 $0x200, s5;
	[sflag:s28] =	ssyncadd.s32 $0xFFFFE000  }
0x8e: {  	[tilespmem:s31], [sflag:$0x2] =	stream.indirect.gather [spmem:s2], $0x40, s8, s25, $0xb8;
	[tilespmem:$0x1F480] =	vst v63  }
.Ltmp0:
0x8f: {  	_ = 	snop;
	(pc) =	sbr.rel @p1 .LBB2_2-.Ltmp0, $4  }
0x90: {  	s5 =	sadd.s32 $0x2A80, s5  }
0x91: {  	[spmem:s3] =	stream.indirect.scatter.add.f32 [tilespmem:s1], [sflag:$0x6], $0x40, s5, s25, $0xb8;
	[tilespmem:$0x1F480] =	vst v63  }
0x92: {  	_ =	swait.ge [sflag:s29], $0x2000  }
0x93: {  	[sflag:s29] =	ssyncset.done $0x0  }
0x94: {  	[sflag:s29] =	ssyncadd.s32 $0xFFFFE000  }
0x95: {  	_ =	swait.ge [sflag:s0], $0x2000  }
0x96: {  	[sflag:s0] =	ssyncset.done $0x0  }
0x97: {  	[sflag:s0] =	ssyncadd.s32 $0xFFFFE000  }
0x98: {  	_ =	swait.ge [sflag:s20], $0x2000  }
0x99: {  	s30 =	sadd.s32 $0x1, s30;
	[sflag:s20] =	ssyncset.done $0x0  }
0x9a: {  	p1 =	sne.s32 s30, s16;
	[sflag:s20] =	ssyncadd.s32 $0xFFFFE000  }
.Ltmp1:
0x9b: {  	[bflag:$0x0] =	sbarrier.arrive $0xFFFF;
	(pc) =	sbr.rel @p1 .LBB2_1-.Ltmp1, $4  }
0x9c: {  	[hbm:s17], [sflag:s22] =	dma.local [spmem:s6], $0x1400  }
0x9d: {  	_ =	swait.ge [sflag:s18], $0x1400  }
0x9e: {  	[sflag:s18] =	ssyncset.done $0x0  }
0x9f: {  	[sflag:s18] =	ssyncadd.s32 $0xFFFFEC00  }
0xa0: {  	_ =	sfence.sel $0x180000  }
0xa1: {  	[bflag:$0x0] =	sbarrier.arrive $0xFFFF  }
0xa2: {  	_ =	strace $0x9000004A  }
0xa3: {  	s0 =	stileid.u32;
	[bflag:$0x2] =	sbarrier.arrive $0xFFFF  }
0xa4: {  	p0 =	sne.s32 s0, $0x0;
	s0 =	rddreg [dreg:$0x4]  }
0xa5: {  	s0 =	sadd.s32 @!p0 $0x100000, s0  }
0xa6: {  	[sflag:s0] =	ssyncadd.tile.s32 @!p0 $0x1;
	_ =	shalt  }
.Lfunc_end2:
_tile_overlayer_lowered:
.L_overlay_start_2:
0xa7: {  	(tag) =	ssettag $0x2  }
0xa8: {  	s0 =	rddreg [dreg:$0x0];
	s2 =	stileid.u32  }
0xa9: {  	s1 =	rddreg [dreg:$0x1];
	p0 =	sne.s32 s2, $0x0  }
0xaa: {  	s3 =	rddreg [dreg:$0x2];
	[bflag:$0x3] =	sbarrier.arrive $0xFFFF;
	s2 =	simm.s32 @!p0 $0x1C07  }
0xab: {  	[timem:s3], [sflag:s2] =	dma.local @!p0 [hbm:s0], s1  }
0xac: {  	s0 =	simm.s32 @!p0 $0x7  }
0xad: {  	_ =	swait.ge @!p0 [sflag:s0], s1  }
0xae: {  	s1 =	ssub.s32 @!p0 $0x0, s1;
	[sflag:s0] =	ssyncset.done @!p0 $0x0  }
0xaf: {  	[sflag:s0] =	ssyncadd.s32 @!p0 s1  }
0xb0: {  	[bflag:$0x3] =	sbarrier.arrive $0xFFFF  }
0xb1: {  	_ =	shalt  }

// kernel: kernel.14.cloned.1.call-start
scs
__scs_entry_jumppad:
0x0: {  	(pc) =	sbr.rel $0x88, $3  }
0x1: {  	(tag) =	ssettag $0x0;
	lr =	simm.s32 $0x1  }
0x2: {  	[smem:$0x3F9A] =	sst lr;
	_ =	strace $0xD0000000  }
0x3: {  	_ = 	snop  }
0x4: {  	_ = 	snop  }
0x5: {  	_ = 	snop  }
0x6: {  	_ = 	snop  }
0x7: {  	_ = 	snop  }
__scs_overlays_trampoline_lowered:
0x8: {  	[smem:$0x3FA9] =	sst s0  }
0x9: {  	[smem:$0x3FAA] =	sst s1  }
0xa: {  	[smem:$0x3FAB] =	sst s2  }
0xb: {  	[smem:$0x3FAC] =	sst s3  }
0xc: {  	[smem:$0x3FAD] =	sst s4  }
0xd: {  	[smem:$0x3FAE] =	sst s5  }
0xe: {  	[smem:$0x3FAF] =	sst s6  }
0xf: {  	[smem:$0x3FB0] =	sst s7  }
0x10: {  	[smem:$0x3FB1] =	sst s8  }
0x11: {  	[smem:$0x3FB2] =	sst s9;
	s0 =	simm.s32 @!p0 $0x0  }
0x12: {  	s1 =	sld [smem:$0x3F98];
	s0 =	simm.s32 @p0 $0x1  }
0x13: {  	[smem:$0x3FB3] =	sst s0;
	s0 =	simm.s32 @!p1 $0x0  }
0x14: {  	s2 =	sld [smem:$0x3F97];
	s0 =	simm.s32 @p1 $0x1  }
0x15: {  	[smem:$0x3FB4] =	sst s0;
	s0 =	simm.s32 @!p2 $0x0  }
0x16: {  	s3 =	sld [smem:$0x3FDB];
	s0 =	simm.s32 @p2 $0x1  }
0x17: {  	s4 =	simm.s32 $0x1BF5;
	[smem:$0x3FB6] =	sst s0  }
0x18: {  	s0 =	sld [smem:$0x3F99];
	_ =	swait.ge [sflag:s4], $0x0  }
0x19: {  	s7 =	sld [smem:$0x3F9A]  }
0x1a: {  	s8 =	sadd.s32 $0xFFFFE003, lr  }
0x1b: {  	s9 =	sadd.s32 $0xFFFFFEF7, lr;
	s5 =	simm.s32 $0xFFFFFFFF;
	p2 =	slt.u32 s8, $0xFFFFF086  }
0x1c: {  	p1 =	slt.u32 s9, $0xF7A;
	s5 =	simm.s32 @!p2 $0x0  }
0x1d: {  	s5 =	simm.s32 @p1 $0x1;
	p0 =	seq.s32 s7, s2  }
0x1e: {  	s7 =	smul.u32 @!p0 $0xF7A, s2;
	p2 =	seq.s32 @!p0 s5, $0x0  }
0x1f: {  	s9 =	smul.u32 $0xF7A, s1;
	s8 =	simm.s32 @!p0 $0x1BF5;
	p2 =	por !p2, p0  }
0x20: {  	[sflag:s8] =	ssyncset.s32 @!p0 $0xFFFFF086;
	s6 =	sadd.s32 @!p0 s3, s7;
	s7 =	simm.s32 @!p0 $0x108  }
0x21: {  	s3 =	sadd.s32 s3, s9;
	s6 =	sadd.s32 @!p0 $0x88, s6;
	s7 =	simm.s32 @p2 $0x1082  }
0x22: {  	[simem:s7], [sflag:s8] =	dma.local @!p0 [hbm:s6], $0xF7A  }
0x23: {  	s9 =	sor.u32 $0xD0000000, s2;
	s6 =	simm.s32 $0x108;
	_ =	swait.ge @!p0 [sflag:s8], $0x0  }
0x24: {  	s3 =	sadd.s32 $0x88, s3;
	s6 =	simm.s32 @!p1 $0x1082;
	[sflag:s4] =	ssyncset.s32 $0xFFFFF086  }
0x25: {  	[simem:s6], [sflag:s4] =	dma.local [hbm:s3], $0xF7A  }
0x26: {  	[smem:$0x3F9A] =	sst s1;
	(tag) =	ssettag s2;
	_ =	strace s9  }
0x27: {  	s1 =	sld [smem:$0x3FAA]  }
0x28: {  	s2 =	sld [smem:$0x3FAB]  }
0x29: {  	s4 =	sld [smem:$0x3FAD]  }
0x2a: {  	p0 =	seq.s32 s5, $0x0;
	s5 =	sld [smem:$0x3FAE]  }
0x2b: {  	s6 =	sld [smem:$0x3FAF]  }
0x2c: {  	s7 =	sld [smem:$0x3FB0]  }
0x2d: {  	s3 =	simm.s32 $0x108;
	s8 =	sld [smem:$0x3FB1]  }
0x2e: {  	s3 =	simm.s32 @!p0 $0x1082;
	s9 =	sld [smem:$0x3FB2]  }
0x2f: {  	lr =	sadd.s32 s0, s3;
	s0 =	sld [smem:$0x3FA9]  }
0x30: {  	s3 =	sld [smem:$0x3FAC]  }
0x31: {  	[smem:$0x3FB5] =	sst s10  }
0x32: {  	s10 =	sld [smem:$0x3FB3];
	_ =	sdelay $0x3  }
0x33: {  	p0 =	seq.s32 s10, $0x1;
	s10 =	sld [smem:$0x3FB5];
	_ =	sdelay $0x3  }
0x34: {  	[smem:$0x3FB5] =	sst s10  }
0x35: {  	s10 =	sld [smem:$0x3FB4];
	_ =	sdelay $0x3  }
0x36: {  	p1 =	seq.s32 s10, $0x1;
	s10 =	sld [smem:$0x3FB5];
	_ =	sdelay $0x3  }
0x37: {  	[smem:$0x3FB5] =	sst s10  }
0x38: {  	s10 =	sld [smem:$0x3FB6]  }
0x39: {  	_ = 	snop;
	(pc) =	sbr.ind lr, $3  }
0x3a: {  	_ = 	snop  }
0x3b: {  	_ = 	snop  }
0x3c: {  	p2 =	seq.s32 s10, $0x1;
	s10 =	sld [smem:$0x3FB5]  }
0x3d: {  	_ =	shalt  }
0x3e: {  	_ =	shalt  }
0x3f: {  	_ =	shalt  }
0x40: {  	_ =	shalt  }
0x41: {  	_ =	shalt  }
0x42: {  	_ =	shalt  }
0x43: {  	_ =	shalt  }
0x44: {  	_ =	shalt  }
0x45: {  	_ =	shalt  }
0x46: {  	_ =	shalt  }
0x47: {  	_ =	shalt  }
0x48: {  	_ =	shalt  }
0x49: {  	_ =	shalt  }
0x4a: {  	_ =	shalt  }
0x4b: {  	_ =	shalt  }
0x4c: {  	_ =	shalt  }
0x4d: {  	_ =	shalt  }
0x4e: {  	_ =	shalt  }
0x4f: {  	_ =	shalt  }
0x50: {  	_ =	shalt  }
0x51: {  	_ =	shalt  }
0x52: {  	_ =	shalt  }
0x53: {  	_ =	shalt  }
0x54: {  	_ =	shalt  }
0x55: {  	_ =	shalt  }
0x56: {  	_ =	shalt  }
0x57: {  	_ =	shalt  }
0x58: {  	_ =	shalt  }
0x59: {  	_ =	shalt  }
0x5a: {  	_ =	shalt  }
0x5b: {  	_ =	shalt  }
0x5c: {  	_ =	shalt  }
0x5d: {  	_ =	shalt  }
0x5e: {  	_ =	shalt  }
0x5f: {  	_ =	shalt  }
0x60: {  	_ =	shalt  }
0x61: {  	_ =	shalt  }
0x62: {  	_ =	shalt  }
0x63: {  	_ =	shalt  }
0x64: {  	_ =	shalt  }
0x65: {  	_ =	shalt  }
0x66: {  	_ =	shalt  }
0x67: {  	_ =	shalt  }
0x68: {  	_ =	shalt  }
0x69: {  	_ =	shalt  }
0x6a: {  	_ =	shalt  }
0x6b: {  	_ =	shalt  }
0x6c: {  	_ =	shalt  }
0x6d: {  	_ =	shalt  }
0x6e: {  	_ =	shalt  }
0x6f: {  	_ =	shalt  }
0x70: {  	_ =	shalt  }
0x71: {  	_ =	shalt  }
0x72: {  	_ =	shalt  }
0x73: {  	_ =	shalt  }
0x74: {  	_ =	shalt  }
0x75: {  	_ =	shalt  }
0x76: {  	_ =	shalt  }
0x77: {  	_ =	shalt  }
0x78: {  	_ =	shalt  }
0x79: {  	_ =	shalt  }
0x7a: {  	_ =	shalt  }
0x7b: {  	_ =	shalt  }
0x7c: {  	_ =	shalt  }
0x7d: {  	_ =	shalt  }
0x7e: {  	_ =	shalt  }
0x7f: {  	_ =	shalt  }
0x80: {  	_ =	shalt  }
0x81: {  	_ =	shalt  }
0x82: {  	_ =	shalt  }
0x83: {  	_ =	shalt  }
0x84: {  	_ =	shalt  }
0x85: {  	_ =	shalt  }
0x86: {  	_ =	shalt  }
0x87: {  	_ =	shalt  }
.Lfunc_end0:
.L_simem_size_0:
called_computation.2_lowered:
.L_overlay_start_0:
0x88: {  	s2 =	sld [smem:$0x3FD9]  }
0x89: {  	s3 =	sld [smem:$0x3FFE];
	_ =	sdelay $0x1  }
0x8a: {  	s1 =	srdreg.scid  }
0x8b: {  	s0 =	sand.u32 $0x1, s1  }
0x8c: {  	s16 =	sshll.u32 s0, $0xA;
	s2 =	sadd.s32 s3, s2  }
0x8d: {  	s2 =	sadd.s32 s2, s16  }
0x8e: {  	[smem:$0x3FC1] =	sst s2  }
0x8f: {  	_ = 	snop  }
0x90: {  	(tm) =	ssettm $0x1  }
0x91: {  	s17 =	sld [smem:$0x3FFB];
	_ =	sdelay $0x3  }
0x92: {  	_ =	strace s17  }
0x93: {  	s2 =	sld [smem:$0x3FFC];
	_ =	sdelay $0x3  }
0x94: {  	_ =	strace s2  }
0x95: {  	s2 =	sld [smem:$0x3FFD];
	_ =	sdelay $0x3  }
0x96: {  	_ =	strace s2  }
0x97: {  	_ =	strace $0x8FFFFFFF  }
0x98: {  	s18 =	sld [smem:$0x3FDB];
	_ =	sdelay $0x1  }
0x99: {  	s19 =	simm.s32 $_scs_section_size  }
0x9a: {  	s4 =	simm.s32 $_size__tile_overlayer_lowered;
	s5 =	simm.s32 $_tile_overlayer_lowered  }
0x9b: {  	s22 =	simm.s32 $0x1BFF;
	s21 =	sshll.u32 s5, $0x1;
	s2 =	sadd.s32 s19, s18  }
0x9c: {  	s6 =	simm.s32 $0x0;
	s20 =	sshll.u32 s4, $0x1;
	s4 =	sadd.s32 s21, s2  }
0x9d: {  	[timem:s6], [sflag:s22] =	dma.local [hbm:s4], s20  }
0x9e: {  	_ =	swait.ge [sflag:s22], s20  }
0x9f: {  	s3 =	ssub.s32 $0x0, s20;
	[sflag:s22] =	ssyncset.done $0x0  }
0xa0: {  	[sflag:s22] =	ssyncadd.s32 s3;
	_ =	sdelay $0x1  }
0xa1: {  	s23 =	simm.s32 $0x1B8B  }
0xa2: {  	_ =	swait.ge [sflag:s23], $0x1  }
0xa3: {  	[sflag:s23] =	ssyncset.done $0x0  }
0xa4: {  	s25 =	simm.s32 $0x1B8E;
	s24 =	sld [smem:$0x3FFE];
	[sflag:s23] =	ssyncadd.s32 $0xFFFFFFFF  }
0xa5: {  	s26 =	simm.s32 $execute0_lowered;
	[smem:$0x3FD2] =	sst s25  }
0xa6: {  	s4 =	sshll.u32 s26, $0x1;
	_ =	strace $0x8000004C;
	[dreg:$0x1] =	wrdreg $0xFFFFFFFF  }
0xa7: {  	s28 =	simm.s32 $_size_execute0_lowered;
	s2 =	sadd.s32 s2, s4;
	[dreg:$0x0] =	wrdreg $0x0  }
0xa8: {  	s4 =	sshll.u32 s28, $0x1;
	[dreg:$0x2] =	wrdreg s2  }
0xa9: {  	[dreg:$0x3] =	wrdreg s4  }
0xaa: {  	[dreg:$0x4] =	wrdreg $0xC0  }
0xab: {  	_ =	task [dreg:s6], $0x5FFFF  }
0xac: {  	[dreg:$0x1] =	wrdreg $0xFFFFFFFF  }
0xad: {  	[dreg:$0x0] =	wrdreg $0x60  }
0xae: {  	[dreg:$0x2] =	wrdreg s24  }
0xaf: {  	[dreg:$0x3] =	wrdreg $0xD2000  }
0xb0: {  	[dreg:$0x4] =	wrdreg $0x82000  }
0xb1: {  	[dreg:$0x5] =	wrdreg $0x9  }
0xb2: {  	_ =	task.clear_ibuf [dreg:s6], $0x6FFFF;
	_ =	strace $0x9000004C  }
0xb3: {  	s29 =	simm.s32 $0x9;
	_ =	strace $0x8000004E  }
0xb4: {  	_ =	swait.ge [sflag:s29], $0x1  }
0xb5: {  	[sflag:s29] =	ssyncadd.s32 $0xFFFFFFFF  }
0xb6: {  	_ =	strace $0x9000004E  }
0xb7: {  	_ =	sfence  }
0xb8: {  	s30 =	sld [smem:$0x0];
	_ =	sdelay $0x2  }
0xb9: {  	s31 =	sshll.u32 s1, $0xD;
	s1 =	sshrl.u32 s1, $0x2  }
0xba: {  	s3 =	sand.u32 $0x4000, s31;
	s1 =	sadd.s32 s1, s30  }
0xbb: {  	s0 =	sor.u32 s3, s0;
	s1 =	sshll.u32 s1, $0x11  }
0xbc: {  	s0 =	sor.u32 s1, s0  }
0xbd: {  	s0 =	sadd.s32 $0x8F2B, s0  }
0xbe: {  	[sflag:s0] =	ssyncadd.remote.s32 $0x1  }
0xbf: {  	_ =	sfence.sel $0xFFFF  }
0xc0: {  	[dreg:$0x0] =	wrdreg $0xFFFFFFFF;
	(pc) =	sbr.abs _section_cstart, $3  }
0xc1: {  	[dreg:$0x1] =	wrdreg $0xFFFFFFFF  }
0xc2: {  	_ =	task.clear_ibuf [dreg:s6], $0x2FFFF;
	_ =	strace $0x9FFFFFFF  }
0xc3: {  	(tm) =	ssettm $0x7FFFFFFF  }
tec
execute0_lowered:
.L_overlay_start_1:
0x0: {  	(tag) =	ssettag $0x1  }
0x1: {  	s6 =	rddreg [dreg:$0x0]  }
0x2: {  	s2 =	rddreg [dreg:$0x1]  }
0x3: {  	s3 =	rddreg [dreg:$0x2]  }
0x4: {  	s5 =	srdreg.scid;
	s1 =	stileid.u32  }
0x5: {  	s4 =	simm.s32 $0x0;
	s14 =	simm.s32 $0x2980;
	s18 =	simm.s32 $0x80  }
0x6: {  	s19 =	simm.s32 $0x5200;
	s20 =	simm.s32 $0x6200;
	s21 =	simm.s32 $0x1  }
0x7: {  	s22 =	simm.s32 $0x7200;
	s23 =	simm.s32 $0x4;
	s24 =	simm.s32 $0x2  }
0x8: {  	s25 =	simm.s32 $0x5;
	s26 =	simm.s32 $0x3;
	s28 =	simm.s32 $0x6  }
0x9: {  	s29 =	simm.s32 $0x0;
	s9 =	sand.u32 $0x1, s5;
	s31 =	sshll.u32 s1, $0x1  }
0xa: {  	[smem:$0x7FF] =	sst s4;
	s10 =	smul.u32 $0x5000, s1;
	s15 =	sshll.u32 s1, $0x6  }
0xb: {  	s5 =	sor.u32 s9, s31;
	_ =	strace $0x8000004D;
	s8 =	ssub.s32 $0x2, s9  }
0xc: {  	p0 =	seq.s32 s9, $0x0;
	s15 =	sor.u32 $0x1C07, s15;
	s7 =	smul.u32 $0x510, s5  }
0xd: {  	s5 =	sadd.s32 $0xC200, s6;
	s11 =	sshrl.u32 s10, $0x3;
	s12 =	sshrl.u32 s8, $0x1  }
0xe: {  	s16 =	sadd.s32 s10, s2;
	s17 =	sadd.s32 s10, s3;
	s11 =	sadd.s32 s11, s6  }
0xf: {  	s12 =	ssub.s32 s8, s12;
	s16 =	sshrl.u32 s16, $0x3;
	s17 =	sshrl.u32 s17, $0x3  }
0x10: {  	s13 =	sadd.s32 s7, s6;
	s6 =	sadd.s32 s5, s7;
	s8 =	sadd.s32 $0x16400, s11  }
0x11: {  	s9 =	sadd.s32 $0x20400, s11;
	s7 =	sadd.s32 $0x2000, s13;
	s13 =	simm.s32 $0x34400  }
0x12: {  	s10 =	smax.u32 s12, $0x1;
	s12 =	simm.s32 $0x7;
	s13 =	simm.s32 @!p0 $0x2A400  }
0x13: {  	s9 =	smov.u32 @p0 s8;
	s11 =	sadd.s32 s13, s11;
	s13 =	simm.s32 $0x2880  }
.LBB2_1:
0x14: {  	[tilespmem:s4], [sflag:$0x7] =	stream.linear.gather [hbm4b:s6+s4], $0x2880, $0x38;
	[tilespmem:$0x12200] =	vst v63  }
0x15: {  	_ =	swait.ge [sflag:s12], $0x2880  }
0x16: {  	[sflag:s12] =	ssyncset.done $0x0  }
0x17: {  	[sflag:s12] =	ssyncadd.s32 $0xFFFFD780  }
0x18: {  	[tilespmem:s13], [sflag:$0x7] =	stream.linear.gather [hbm4b:s5+s4], $0x100, $0x38;
	[tilespmem:$0x12200] =	vst v63  }
0x19: {  	_ =	swait.ge [sflag:s12], $0x100  }
0x1a: {  	[sflag:s12] =	ssyncset.done $0x0  }
0x1b: {  	[sflag:s12] =	ssyncadd.s32 $0xFFFFFF00  }
0x1c: {  	[tilespmem:s14], [sflag:$0x7] =	stream.linear.gather [hbm4b:s7+s4], $0x2880, $0x38;
	[tilespmem:$0x12200] =	vst v63  }
0x1d: {  	_ =	swait.ge [sflag:s12], $0x2880  }
0x1e: {  	[sflag:s12] =	ssyncset.done $0x0  }
0x1f: {  	[sflag:s12] =	ssyncadd.s32 $0xFFFFD780  }
0x20: {  	[spmem:s16], [sflag:s15] =	dma.local [hbm:s8], $0xA00  }
0x21: {  	_ =	swait.ge [sflag:s12], $0xA00  }
0x22: {  	[sflag:s12] =	ssyncset.done $0x0  }
0x23: {  	[sflag:s12] =	ssyncadd.s32 $0xFFFFF600  }
0x24: {  	[spmem:s17], [sflag:s15] =	dma.local [hbm:s9], $0xA00  }
0x25: {  	_ =	swait.ge [sflag:s12], $0xA00  }
0x26: {  	[sflag:s12] =	ssyncset.done $0x0  }
0x27: {  	[sflag:s12] =	ssyncadd.s32 $0xFFFFF600  }
0x28: {  	[bflag:$0x0] =	sbarrier.arrive $0xFFFF  }
0x29: {  	[tilespmem:s19], [sflag:$0x1] =	stream.indirect.gather [spmem:s2], $0x20, s4, s18, $0xb8;
	[tilespmem:$0x12200] =	vst v63  }
0x2a: {  	_ = 	snop  }
0x2b: {  	[tilespmem:s20], [sflag:$0x2] =	stream.indirect.gather [spmem:s2], $0x20, s18, s18, $0xb8;
	[tilespmem:$0x12200] =	vst v63  }
0x2c: {  	_ =	swait.ge [sflag:s21], $0x1000  }
0x2d: {  	[sflag:s21] =	ssyncset.done $0x0  }
0x2e: {  	s30 =	simm.s32 $0x100;
	[sflag:s21] =	ssyncadd.s32 $0xFFFFF000  }
0x2f: {  	[tilespmem:s22], [sflag:$0x3] =	stream.indirect.gather [spmem:s2], $0x20, s30, s18, $0xb8;
	[tilespmem:$0x12200] =	vst v63  }
0x30: {  	s30 =	simm.s32 $0x2980  }
0x31: {  	[spmem:s3] =	stream.indirect.scatter.add.f32 [tilespmem:s19], [sflag:$0x4], $0x20, s30, s18, $0xb8;
	[tilespmem:$0x12200] =	vst v63  }
0x32: {  	_ =	swait.ge [sflag:s23], $0x1000  }
0x33: {  	[sflag:s23] =	ssyncset.done $0x0  }
0x34: {  	[sflag:s23] =	ssyncadd.s32 $0xFFFFF000  }
0x35: {  	_ =	swait.ge [sflag:s24], $0x1000  }
0x36: {  	[sflag:s24] =	ssyncset.done $0x0  }
0x37: {  	s30 =	simm.s32 $0x180;
	[sflag:s24] =	ssyncadd.s32 $0xFFFFF000  }
0x38: {  	[tilespmem:s19], [sflag:$0x1] =	stream.indirect.gather [spmem:s2], $0x20, s30, s18, $0xb8;
	[tilespmem:$0x12200] =	vst v63  }
0x39: {  	s30 =	simm.s32 $0x2A00  }
0x3a: {  	[spmem:s3] =	stream.indirect.scatter.add.f32 [tilespmem:s20], [sflag:$0x5], $0x20, s30, s18, $0xb8;
	[tilespmem:$0x12200] =	vst v63  }
0x3b: {  	_ =	swait.ge [sflag:s25], $0x1000  }
0x3c: {  	[sflag:s25] =	ssyncset.done $0x0  }
0x3d: {  	[sflag:s25] =	ssyncadd.s32 $0xFFFFF000  }
0x3e: {  	_ =	swait.ge [sflag:s26], $0x1000  }
0x3f: {  	[sflag:s26] =	ssyncset.done $0x0  }
0x40: {  	s30 =	simm.s32 $0x200;
	[sflag:s26] =	ssyncadd.s32 $0xFFFFF000  }
0x41: {  	[tilespmem:s20], [sflag:$0x2] =	stream.indirect.gather [spmem:s2], $0x20, s30, s18, $0xb8;
	[tilespmem:$0x12200] =	vst v63  }
0x42: {  	s30 =	simm.s32 $0x2A80  }
0x43: {  	[spmem:s3] =	stream.indirect.scatter.add.f32 [tilespmem:s22], [sflag:$0x6], $0x20, s30, s18, $0xb8;
	[tilespmem:$0x12200] =	vst v63  }
0x44: {  	_ =	swait.ge [sflag:s28], $0x1000  }
0x45: {  	s30 =	simm.s32 $0x600;
	[sflag:s28] =	ssyncset.done $0x0  }
.LBB2_2:
0x46: {  	p0 =	sne.s32 s30, $0x9C00  }
0x47: {  	[sflag:s28] =	ssyncadd.s32 $0xFFFFF000;
	s31 =	smov.u32 s30;
	s30 =	sadd.s32 $0x600, s30  }
0x48: {  	_ = 	snop  }
0x49: {  	_ =	swait.ge [sflag:s21], $0x1000  }
0x4a: {  	s31 =	sshra.s32 s31, $0x2;
	[sflag:s21] =	ssyncset.done $0x0  }
0x4b: {  	s0 =	sadd.s32 $0x100, s31;
	[sflag:s21] =	ssyncadd.s32 $0xFFFFF000  }
0x4c: {  	[tilespmem:s22], [sflag:$0x3] =	stream.indirect.gather [spmem:s2], $0x20, s0, s18, $0xb8;
	[tilespmem:$0x12200] =	vst v63  }
0x4d: {  	s0 =	sadd.s32 $0x2980, s31  }
0x4e: {  	[spmem:s3] =	stream.indirect.scatter.add.f32 [tilespmem:s19], [sflag:$0x4], $0x20, s0, s18, $0xb8;
	[tilespmem:$0x12200] =	vst v63  }
0x4f: {  	_ =	swait.ge [sflag:s23], $0x1000  }
0x50: {  	[sflag:s23] =	ssyncset.done $0x0  }
0x51: {  	[sflag:s23] =	ssyncadd.s32 $0xFFFFF000  }
0x52: {  	_ =	swait.ge [sflag:s24], $0x1000  }
0x53: {  	[sflag:s24] =	ssyncset.done $0x0  }
0x54: {  	s0 =	sadd.s32 $0x180, s31;
	[sflag:s24] =	ssyncadd.s32 $0xFFFFF000  }
0x55: {  	[tilespmem:s19], [sflag:$0x1] =	stream.indirect.gather [spmem:s2], $0x20, s0, s18, $0xb8;
	[tilespmem:$0x12200] =	vst v63  }
0x56: {  	s0 =	sadd.s32 $0x2A00, s31  }
0x57: {  	[spmem:s3] =	stream.indirect.scatter.add.f32 [tilespmem:s20], [sflag:$0x5], $0x20, s0, s18, $0xb8;
	[tilespmem:$0x12200] =	vst v63  }
0x58: {  	_ =	swait.ge [sflag:s25], $0x1000  }
0x59: {  	[sflag:s25] =	ssyncset.done $0x0  }
0x5a: {  	[sflag:s25] =	ssyncadd.s32 $0xFFFFF000  }
0x5b: {  	_ =	swait.ge [sflag:s26], $0x1000  }
0x5c: {  	[sflag:s26] =	ssyncset.done $0x0  }
0x5d: {  	s0 =	sadd.s32 $0x200, s31;
	[sflag:s26] =	ssyncadd.s32 $0xFFFFF000  }
0x5e: {  	[tilespmem:s20], [sflag:$0x2] =	stream.indirect.gather [spmem:s2], $0x20, s0, s18, $0xb8;
	[tilespmem:$0x12200] =	vst v63  }
.Ltmp0:
0x5f: {  	_ = 	snop;
	(pc) =	sbr.rel @p0 .LBB2_2-.Ltmp0, $4  }
0x60: {  	s0 =	sadd.s32 $0x2A80, s31  }
0x61: {  	[spmem:s3] =	stream.indirect.scatter.add.f32 [tilespmem:s22], [sflag:$0x6], $0x20, s0, s18, $0xb8;
	[tilespmem:$0x12200] =	vst v63  }
0x62: {  	_ =	swait.ge [sflag:s28], $0x1000  }
0x63: {  	[sflag:s28] =	ssyncset.done $0x0  }
0x64: {  	[sflag:s28] =	ssyncadd.s32 $0xFFFFF000  }
0x65: {  	_ =	swait.ge [sflag:s21], $0x1000  }
0x66: {  	[sflag:s21] =	ssyncset.done $0x0  }
0x67: {  	[sflag:s21] =	ssyncadd.s32 $0xFFFFF000  }
0x68: {  	_ =	swait.ge [sflag:s24], $0x1000  }
0x69: {  	s29 =	sadd.s32 $0x1, s29;
	[sflag:s24] =	ssyncset.done $0x0  }
0x6a: {  	p0 =	sne.s32 s29, s10;
	[sflag:s24] =	ssyncadd.s32 $0xFFFFF000  }
.Ltmp1:
0x6b: {  	[bflag:$0x0] =	sbarrier.arrive $0xFFFF;
	(pc) =	sbr.rel @p0 .LBB2_1-.Ltmp1, $4  }
0x6c: {  	[hbm:s11], [sflag:s15] =	dma.local [spmem:s17], $0xA00  }
0x6d: {  	_ =	swait.ge [sflag:s12], $0xA00  }
0x6e: {  	[sflag:s12] =	ssyncset.done $0x0  }
0x6f: {  	[sflag:s12] =	ssyncadd.s32 $0xFFFFF600  }
0x70: {  	_ =	sfence.sel $0x180000  }
0x71: {  	[bflag:$0x0] =	sbarrier.arrive $0xFFFF  }
0x72: {  	_ =	strace $0x9000004D  }
0x73: {  	[bflag:$0x2] =	sbarrier.arrive $0xFFFF  }
0x74: {  	p0 =	sne.s32 s1, $0x0;
	s0 =	rddreg [dreg:$0x3]  }
0x75: {  	s0 =	sadd.s32 @!p0 $0x100000, s0  }
0x76: {  	[sflag:s0] =	ssyncadd.tile.s32 @!p0 $0x1;
	_ =	shalt  }
.Lfunc_end2:
_tile_overlayer_lowered:
.L_overlay_start_2:
0x77: {  	(tag) =	ssettag $0x2  }
0x78: {  	s0 =	rddreg [dreg:$0x0];
	s2 =	stileid.u32  }
0x79: {  	s1 =	rddreg [dreg:$0x1];
	p0 =	sne.s32 s2, $0x0  }
0x7a: {  	s3 =	rddreg [dreg:$0x2];
	[bflag:$0x3] =	sbarrier.arrive $0xFFFF;
	s2 =	simm.s32 @!p0 $0x1C07  }
0x7b: {  	[timem:s3], [sflag:s2] =	dma.local @!p0 [hbm:s0], s1  }
0x7c: {  	s0 =	simm.s32 @!p0 $0x7  }
0x7d: {  	_ =	swait.ge @!p0 [sflag:s0], s1  }
0x7e: {  	s1 =	ssub.s32 @!p0 $0x0, s1;
	[sflag:s0] =	ssyncset.done @!p0 $0x0  }
0x7f: {  	[sflag:s0] =	ssyncadd.s32 @!p0 s1  }
0x80: {  	[bflag:$0x3] =	sbarrier.arrive $0xFFFF  }
0x81: {  	_ =	shalt  }

// kernel: kernel.8.cloned.1.call-start
scs
__scs_entry_jumppad:
0x0: {  	(pc) =	sbr.rel $0x88, $3  }
0x1: {  	(tag) =	ssettag $0x0;
	lr =	simm.s32 $0x1  }
0x2: {  	[smem:$0x3F9A] =	sst lr;
	_ =	strace $0xD0000000  }
0x3: {  	_ = 	snop  }
0x4: {  	_ = 	snop  }
0x5: {  	_ = 	snop  }
0x6: {  	_ = 	snop  }
0x7: {  	_ = 	snop  }
__scs_overlays_trampoline_lowered:
0x8: {  	[smem:$0x3FA9] =	sst s0  }
0x9: {  	[smem:$0x3FAA] =	sst s1  }
0xa: {  	[smem:$0x3FAB] =	sst s2  }
0xb: {  	[smem:$0x3FAC] =	sst s3  }
0xc: {  	[smem:$0x3FAD] =	sst s4  }
0xd: {  	[smem:$0x3FAE] =	sst s5  }
0xe: {  	[smem:$0x3FAF] =	sst s6  }
0xf: {  	[smem:$0x3FB0] =	sst s7  }
0x10: {  	[smem:$0x3FB1] =	sst s8  }
0x11: {  	[smem:$0x3FB2] =	sst s9;
	s0 =	simm.s32 @!p0 $0x0  }
0x12: {  	s1 =	sld [smem:$0x3F98];
	s0 =	simm.s32 @p0 $0x1  }
0x13: {  	[smem:$0x3FB3] =	sst s0;
	s0 =	simm.s32 @!p1 $0x0  }
0x14: {  	s2 =	sld [smem:$0x3F97];
	s0 =	simm.s32 @p1 $0x1  }
0x15: {  	[smem:$0x3FB4] =	sst s0;
	s0 =	simm.s32 @!p2 $0x0  }
0x16: {  	s3 =	sld [smem:$0x3FDB];
	s0 =	simm.s32 @p2 $0x1  }
0x17: {  	s4 =	simm.s32 $0x1BF5;
	[smem:$0x3FB6] =	sst s0  }
0x18: {  	s0 =	sld [smem:$0x3F99];
	_ =	swait.ge [sflag:s4], $0x0  }
0x19: {  	s7 =	sld [smem:$0x3F9A]  }
0x1a: {  	s8 =	sadd.s32 $0xFFFFE003, lr  }
0x1b: {  	s9 =	sadd.s32 $0xFFFFFEF7, lr;
	s5 =	simm.s32 $0xFFFFFFFF;
	p2 =	slt.u32 s8, $0xFFFFF086  }
0x1c: {  	p1 =	slt.u32 s9, $0xF7A;
	s5 =	simm.s32 @!p2 $0x0  }
0x1d: {  	s5 =	simm.s32 @p1 $0x1;
	p0 =	seq.s32 s7, s2  }
0x1e: {  	s7 =	smul.u32 @!p0 $0xF7A, s2;
	p2 =	seq.s32 @!p0 s5, $0x0  }
0x1f: {  	s9 =	smul.u32 $0xF7A, s1;
	s8 =	simm.s32 @!p0 $0x1BF5;
	p2 =	por !p2, p0  }
0x20: {  	[sflag:s8] =	ssyncset.s32 @!p0 $0xFFFFF086;
	s6 =	sadd.s32 @!p0 s3, s7;
	s7 =	simm.s32 @!p0 $0x108  }
0x21: {  	s3 =	sadd.s32 s3, s9;
	s6 =	sadd.s32 @!p0 $0x88, s6;
	s7 =	simm.s32 @p2 $0x1082  }
0x22: {  	[simem:s7], [sflag:s8] =	dma.local @!p0 [hbm:s6], $0xF7A  }
0x23: {  	s9 =	sor.u32 $0xD0000000, s2;
	s6 =	simm.s32 $0x108;
	_ =	swait.ge @!p0 [sflag:s8], $0x0  }
0x24: {  	s3 =	sadd.s32 $0x88, s3;
	s6 =	simm.s32 @!p1 $0x1082;
	[sflag:s4] =	ssyncset.s32 $0xFFFFF086  }
0x25: {  	[simem:s6], [sflag:s4] =	dma.local [hbm:s3], $0xF7A  }
0x26: {  	[smem:$0x3F9A] =	sst s1;
	(tag) =	ssettag s2;
	_ =	strace s9  }
0x27: {  	s1 =	sld [smem:$0x3FAA]  }
0x28: {  	s2 =	sld [smem:$0x3FAB]  }
0x29: {  	s4 =	sld [smem:$0x3FAD]  }
0x2a: {  	p0 =	seq.s32 s5, $0x0;
	s5 =	sld [smem:$0x3FAE]  }
0x2b: {  	s6 =	sld [smem:$0x3FAF]  }
0x2c: {  	s7 =	sld [smem:$0x3FB0]  }
0x2d: {  	s3 =	simm.s32 $0x108;
	s8 =	sld [smem:$0x3FB1]  }
0x2e: {  	s3 =	simm.s32 @!p0 $0x1082;
	s9 =	sld [smem:$0x3FB2]  }
0x2f: {  	lr =	sadd.s32 s0, s3;
	s0 =	sld [smem:$0x3FA9]  }
0x30: {  	s3 =	sld [smem:$0x3FAC]  }
0x31: {  	[smem:$0x3FB5] =	sst s10  }
0x32: {  	s10 =	sld [smem:$0x3FB3];
	_ =	sdelay $0x3  }
0x33: {  	p0 =	seq.s32 s10, $0x1;
	s10 =	sld [smem:$0x3FB5];
	_ =	sdelay $0x3  }
0x34: {  	[smem:$0x3FB5] =	sst s10  }
0x35: {  	s10 =	sld [smem:$0x3FB4];
	_ =	sdelay $0x3  }
0x36: {  	p1 =	seq.s32 s10, $0x1;
	s10 =	sld [smem:$0x3FB5];
	_ =	sdelay $0x3  }
0x37: {  	[smem:$0x3FB5] =	sst s10  }
0x38: {  	s10 =	sld [smem:$0x3FB6]  }
0x39: {  	_ = 	snop;
	(pc) =	sbr.ind lr, $3  }
0x3a: {  	_ = 	snop  }
0x3b: {  	_ = 	snop  }
0x3c: {  	p2 =	seq.s32 s10, $0x1;
	s10 =	sld [smem:$0x3FB5]  }
0x3d: {  	_ =	shalt  }
0x3e: {  	_ =	shalt  }
0x3f: {  	_ =	shalt  }
0x40: {  	_ =	shalt  }
0x41: {  	_ =	shalt  }
0x42: {  	_ =	shalt  }
0x43: {  	_ =	shalt  }
0x44: {  	_ =	shalt  }
0x45: {  	_ =	shalt  }
0x46: {  	_ =	shalt  }
0x47: {  	_ =	shalt  }
0x48: {  	_ =	shalt  }
0x49: {  	_ =	shalt  }
0x4a: {  	_ =	shalt  }
0x4b: {  	_ =	shalt  }
0x4c: {  	_ =	shalt  }
0x4d: {  	_ =	shalt  }
0x4e: {  	_ =	shalt  }
0x4f: {  	_ =	shalt  }
0x50: {  	_ =	shalt  }
0x51: {  	_ =	shalt  }
0x52: {  	_ =	shalt  }
0x53: {  	_ =	shalt  }
0x54: {  	_ =	shalt  }
0x55: {  	_ =	shalt  }
0x56: {  	_ =	shalt  }
0x57: {  	_ =	shalt  }
0x58: {  	_ =	shalt  }
0x59: {  	_ =	shalt  }
0x5a: {  	_ =	shalt  }
0x5b: {  	_ =	shalt  }
0x5c: {  	_ =	shalt  }
0x5d: {  	_ =	shalt  }
0x5e: {  	_ =	shalt  }
0x5f: {  	_ =	shalt  }
0x60: {  	_ =	shalt  }
0x61: {  	_ =	shalt  }
0x62: {  	_ =	shalt  }
0x63: {  	_ =	shalt  }
0x64: {  	_ =	shalt  }
0x65: {  	_ =	shalt  }
0x66: {  	_ =	shalt  }
0x67: {  	_ =	shalt  }
0x68: {  	_ =	shalt  }
0x69: {  	_ =	shalt  }
0x6a: {  	_ =	shalt  }
0x6b: {  	_ =	shalt  }
0x6c: {  	_ =	shalt  }
0x6d: {  	_ =	shalt  }
0x6e: {  	_ =	shalt  }
0x6f: {  	_ =	shalt  }
0x70: {  	_ =	shalt  }
0x71: {  	_ =	shalt  }
0x72: {  	_ =	shalt  }
0x73: {  	_ =	shalt  }
0x74: {  	_ =	shalt  }
0x75: {  	_ =	shalt  }
0x76: {  	_ =	shalt  }
0x77: {  	_ =	shalt  }
0x78: {  	_ =	shalt  }
0x79: {  	_ =	shalt  }
0x7a: {  	_ =	shalt  }
0x7b: {  	_ =	shalt  }
0x7c: {  	_ =	shalt  }
0x7d: {  	_ =	shalt  }
0x7e: {  	_ =	shalt  }
0x7f: {  	_ =	shalt  }
0x80: {  	_ =	shalt  }
0x81: {  	_ =	shalt  }
0x82: {  	_ =	shalt  }
0x83: {  	_ =	shalt  }
0x84: {  	_ =	shalt  }
0x85: {  	_ =	shalt  }
0x86: {  	_ =	shalt  }
0x87: {  	_ =	shalt  }
.Lfunc_end0:
.L_simem_size_0:
called_computation_lowered:
.L_overlay_start_0:
0x88: {  	s2 =	sld [smem:$0x3FD9]  }
0x89: {  	s3 =	sld [smem:$0x3FFE];
	_ =	sdelay $0x1  }
0x8a: {  	s1 =	srdreg.scid  }
0x8b: {  	s0 =	sand.u32 $0x1, s1  }
0x8c: {  	s16 =	sshll.u32 s0, $0xA;
	s2 =	sadd.s32 s3, s2  }
0x8d: {  	s2 =	sadd.s32 s2, s16  }
0x8e: {  	[smem:$0x3FC1] =	sst s2  }
0x8f: {  	_ = 	snop  }
0x90: {  	(tm) =	ssettm $0x1  }
0x91: {  	s17 =	sld [smem:$0x3FFB];
	_ =	sdelay $0x3  }
0x92: {  	_ =	strace s17  }
0x93: {  	s2 =	sld [smem:$0x3FFC];
	_ =	sdelay $0x3  }
0x94: {  	_ =	strace s2  }
0x95: {  	s2 =	sld [smem:$0x3FFD];
	_ =	sdelay $0x3  }
0x96: {  	_ =	strace s2  }
0x97: {  	_ =	strace $0x8FFFFFFF  }
0x98: {  	s18 =	sld [smem:$0x3FDB];
	_ =	sdelay $0x1  }
0x99: {  	s19 =	simm.s32 $_scs_section_size  }
0x9a: {  	s4 =	simm.s32 $_size__tile_overlayer_lowered;
	s5 =	simm.s32 $_tile_overlayer_lowered  }
0x9b: {  	s22 =	simm.s32 $0x1BFF;
	s21 =	sshll.u32 s5, $0x1;
	s2 =	sadd.s32 s19, s18  }
0x9c: {  	s6 =	simm.s32 $0x0;
	s20 =	sshll.u32 s4, $0x1;
	s4 =	sadd.s32 s21, s2  }
0x9d: {  	[timem:s6], [sflag:s22] =	dma.local [hbm:s4], s20  }
0x9e: {  	_ =	swait.ge [sflag:s22], s20  }
0x9f: {  	s3 =	ssub.s32 $0x0, s20;
	[sflag:s22] =	ssyncset.done $0x0  }
0xa0: {  	[sflag:s22] =	ssyncadd.s32 s3;
	_ =	sdelay $0x1  }
0xa1: {  	s23 =	simm.s32 $0x1B8B  }
0xa2: {  	_ =	swait.ge [sflag:s23], $0x1  }
0xa3: {  	[sflag:s23] =	ssyncset.done $0x0  }
0xa4: {  	s25 =	simm.s32 $0x1B8E;
	s24 =	sld [smem:$0x3FFE];
	[sflag:s23] =	ssyncadd.s32 $0xFFFFFFFF  }
0xa5: {  	s26 =	simm.s32 $execute0_lowered;
	[smem:$0x3FD2] =	sst s25  }
0xa6: {  	s4 =	sshll.u32 s26, $0x1;
	_ =	strace $0x80000046;
	[dreg:$0x1] =	wrdreg $0xFFFFFFFF  }
0xa7: {  	s28 =	simm.s32 $_size_execute0_lowered;
	s2 =	sadd.s32 s2, s4;
	[dreg:$0x0] =	wrdreg $0x0  }
0xa8: {  	s4 =	sshll.u32 s28, $0x1;
	[dreg:$0x2] =	wrdreg s2  }
0xa9: {  	[dreg:$0x3] =	wrdreg s4  }
0xaa: {  	[dreg:$0x4] =	wrdreg $0xC0  }
0xab: {  	_ =	task [dreg:s6], $0x5FFFF  }
0xac: {  	[dreg:$0x1] =	wrdreg $0xFFFFFFFF  }
0xad: {  	[dreg:$0x0] =	wrdreg $0x60  }
0xae: {  	[dreg:$0x2] =	wrdreg s24  }
0xaf: {  	[dreg:$0x3] =	wrdreg $0x152000  }
0xb0: {  	[dreg:$0x4] =	wrdreg $0xB2000  }
0xb1: {  	[dreg:$0x5] =	wrdreg $0x9  }
0xb2: {  	_ =	task.clear_ibuf [dreg:s6], $0x6FFFF;
	_ =	strace $0x90000046  }
0xb3: {  	s29 =	simm.s32 $0x9;
	_ =	strace $0x80000048  }
0xb4: {  	_ =	swait.ge [sflag:s29], $0x1  }
0xb5: {  	[sflag:s29] =	ssyncadd.s32 $0xFFFFFFFF  }
0xb6: {  	_ =	strace $0x90000048  }
0xb7: {  	_ =	sfence  }
0xb8: {  	s30 =	sld [smem:$0x0];
	_ =	sdelay $0x2  }
0xb9: {  	s31 =	sshll.u32 s1, $0xD;
	s1 =	sshrl.u32 s1, $0x2  }
0xba: {  	s3 =	sand.u32 $0x4000, s31;
	s1 =	sadd.s32 s1, s30  }
0xbb: {  	s0 =	sor.u32 s3, s0;
	s1 =	sshll.u32 s1, $0x11  }
0xbc: {  	s0 =	sor.u32 s1, s0  }
0xbd: {  	s0 =	sadd.s32 $0x8F2B, s0  }
0xbe: {  	[sflag:s0] =	ssyncadd.remote.s32 $0x1  }
0xbf: {  	_ =	sfence.sel $0xFFFF  }
0xc0: {  	[dreg:$0x0] =	wrdreg $0xFFFFFFFF;
	(pc) =	sbr.abs _section_cstart, $3  }
0xc1: {  	[dreg:$0x1] =	wrdreg $0xFFFFFFFF  }
0xc2: {  	_ =	task.clear_ibuf [dreg:s6], $0x2FFFF;
	_ =	strace $0x9FFFFFFF  }
0xc3: {  	(tm) =	ssettm $0x7FFFFFFF  }
tec
execute0_lowered:
.L_overlay_start_1:
0x0: {  	(tag) =	ssettag $0x1  }
0x1: {  	s6 =	rddreg [dreg:$0x0]  }
0x2: {  	s2 =	rddreg [dreg:$0x1]  }
0x3: {  	s3 =	rddreg [dreg:$0x2]  }
0x4: {  	s5 =	srdreg.scid;
	s1 =	stileid.u32  }
0x5: {  	s4 =	simm.s32 $0x0;
	s14 =	simm.s32 $0x2980;
	s18 =	simm.s32 $0x80  }
0x6: {  	s19 =	simm.s32 $0x5200;
	s20 =	simm.s32 $0x7200;
	s21 =	simm.s32 $0x1  }
0x7: {  	s22 =	simm.s32 $0x9200;
	s23 =	simm.s32 $0x4;
	s24 =	simm.s32 $0x2  }
0x8: {  	s25 =	simm.s32 $0x5;
	s26 =	simm.s32 $0x3;
	s28 =	simm.s32 $0x6  }
0x9: {  	s29 =	simm.s32 $0x0;
	s9 =	sand.u32 $0x1, s5;
	s31 =	sshll.u32 s1, $0x1  }
0xa: {  	[smem:$0x7FF] =	sst s4;
	s10 =	smul.u32 $0xA000, s1;
	s15 =	sshll.u32 s1, $0x6  }
0xb: {  	s5 =	sor.u32 s9, s31;
	_ =	strace $0x80000047;
	s8 =	ssub.s32 $0x2, s9  }
0xc: {  	p0 =	seq.s32 s9, $0x0;
	s15 =	sor.u32 $0x1C07, s15;
	s7 =	smul.u32 $0x510, s5  }
0xd: {  	s5 =	sadd.s32 $0xC200, s6;
	s11 =	sshrl.u32 s10, $0x3;
	s12 =	sshrl.u32 s8, $0x1  }
0xe: {  	s16 =	sadd.s32 s10, s2;
	s17 =	sadd.s32 s10, s3;
	s11 =	sadd.s32 s11, s6  }
0xf: {  	s12 =	ssub.s32 s8, s12;
	s16 =	sshrl.u32 s16, $0x3;
	s17 =	sshrl.u32 s17, $0x3  }
0x10: {  	s13 =	sadd.s32 s7, s6;
	s6 =	sadd.s32 s5, s7;
	s8 =	sadd.s32 $0x16400, s11  }
0x11: {  	s9 =	sadd.s32 $0x2A400, s11;
	s7 =	sadd.s32 $0x2000, s13;
	s13 =	simm.s32 $0x3E400  }
0x12: {  	s10 =	smax.u32 s12, $0x1;
	s12 =	simm.s32 $0x7;
	s13 =	simm.s32 @!p0 $0x52400  }
0x13: {  	s9 =	smov.u32 @p0 s8;
	s11 =	sadd.s32 s13, s11;
	s13 =	simm.s32 $0x2880  }
.LBB2_1:
0x14: {  	[tilespmem:s4], [sflag:$0x7] =	stream.linear.gather [hbm4b:s6+s4], $0x2880, $0x38;
	[tilespmem:$0x1F200] =	vst v63  }
0x15: {  	_ =	swait.ge [sflag:s12], $0x2880  }
0x16: {  	[sflag:s12] =	ssyncset.done $0x0  }
0x17: {  	[sflag:s12] =	ssyncadd.s32 $0xFFFFD780  }
0x18: {  	[tilespmem:s13], [sflag:$0x7] =	stream.linear.gather [hbm4b:s5+s4], $0x100, $0x38;
	[tilespmem:$0x1F200] =	vst v63  }
0x19: {  	_ =	swait.ge [sflag:s12], $0x100  }
0x1a: {  	[sflag:s12] =	ssyncset.done $0x0  }
0x1b: {  	[sflag:s12] =	ssyncadd.s32 $0xFFFFFF00  }
0x1c: {  	[tilespmem:s14], [sflag:$0x7] =	stream.linear.gather [hbm4b:s7+s4], $0x2880, $0x38;
	[tilespmem:$0x1F200] =	vst v63  }
0x1d: {  	_ =	swait.ge [sflag:s12], $0x2880  }
0x1e: {  	[sflag:s12] =	ssyncset.done $0x0  }
0x1f: {  	[sflag:s12] =	ssyncadd.s32 $0xFFFFD780  }
0x20: {  	[spmem:s16], [sflag:s15] =	dma.local [hbm:s8], $0x1400  }
0x21: {  	_ =	swait.ge [sflag:s12], $0x1400  }
0x22: {  	[sflag:s12] =	ssyncset.done $0x0  }
0x23: {  	[sflag:s12] =	ssyncadd.s32 $0xFFFFEC00  }
0x24: {  	[spmem:s17], [sflag:s15] =	dma.local [hbm:s9], $0x1400  }
0x25: {  	_ =	swait.ge [sflag:s12], $0x1400  }
0x26: {  	[sflag:s12] =	ssyncset.done $0x0  }
0x27: {  	[sflag:s12] =	ssyncadd.s32 $0xFFFFEC00  }
0x28: {  	[bflag:$0x0] =	sbarrier.arrive $0xFFFF  }
0x29: {  	[tilespmem:s19], [sflag:$0x1] =	stream.indirect.gather [spmem:s2], $0x40, s4, s18, $0xb8;
	[tilespmem:$0x1F200] =	vst v63  }
0x2a: {  	_ = 	snop  }
0x2b: {  	[tilespmem:s20], [sflag:$0x2] =	stream.indirect.gather [spmem:s2], $0x40, s18, s18, $0xb8;
	[tilespmem:$0x1F200] =	vst v63  }
0x2c: {  	_ =	swait.ge [sflag:s21], $0x2000  }
0x2d: {  	[sflag:s21] =	ssyncset.done $0x0  }
0x2e: {  	s30 =	simm.s32 $0x100;
	[sflag:s21] =	ssyncadd.s32 $0xFFFFE000  }
0x2f: {  	[tilespmem:s22], [sflag:$0x3] =	stream.indirect.gather [spmem:s2], $0x40, s30, s18, $0xb8;
	[tilespmem:$0x1F200] =	vst v63  }
0x30: {  	s30 =	simm.s32 $0x2980  }
0x31: {  	[spmem:s3] =	stream.indirect.scatter.add.f32 [tilespmem:s19], [sflag:$0x4], $0x40, s30, s18, $0xb8;
	[tilespmem:$0x1F200] =	vst v63  }
0x32: {  	_ =	swait.ge [sflag:s23], $0x2000  }
0x33: {  	[sflag:s23] =	ssyncset.done $0x0  }
0x34: {  	[sflag:s23] =	ssyncadd.s32 $0xFFFFE000  }
0x35: {  	_ =	swait.ge [sflag:s24], $0x2000  }
0x36: {  	[sflag:s24] =	ssyncset.done $0x0  }
0x37: {  	s30 =	simm.s32 $0x180;
	[sflag:s24] =	ssyncadd.s32 $0xFFFFE000  }
0x38: {  	[tilespmem:s19], [sflag:$0x1] =	stream.indirect.gather [spmem:s2], $0x40, s30, s18, $0xb8;
	[tilespmem:$0x1F200] =	vst v63  }
0x39: {  	s30 =	simm.s32 $0x2A00  }
0x3a: {  	[spmem:s3] =	stream.indirect.scatter.add.f32 [tilespmem:s20], [sflag:$0x5], $0x40, s30, s18, $0xb8;
	[tilespmem:$0x1F200] =	vst v63  }
0x3b: {  	_ =	swait.ge [sflag:s25], $0x2000  }
0x3c: {  	[sflag:s25] =	ssyncset.done $0x0  }
0x3d: {  	[sflag:s25] =	ssyncadd.s32 $0xFFFFE000  }
0x3e: {  	_ =	swait.ge [sflag:s26], $0x2000  }
0x3f: {  	[sflag:s26] =	ssyncset.done $0x0  }
0x40: {  	s30 =	simm.s32 $0x200;
	[sflag:s26] =	ssyncadd.s32 $0xFFFFE000  }
0x41: {  	[tilespmem:s20], [sflag:$0x2] =	stream.indirect.gather [spmem:s2], $0x40, s30, s18, $0xb8;
	[tilespmem:$0x1F200] =	vst v63  }
0x42: {  	s30 =	simm.s32 $0x2A80  }
0x43: {  	[spmem:s3] =	stream.indirect.scatter.add.f32 [tilespmem:s22], [sflag:$0x6], $0x40, s30, s18, $0xb8;
	[tilespmem:$0x1F200] =	vst v63  }
0x44: {  	_ =	swait.ge [sflag:s28], $0x2000  }
0x45: {  	s30 =	simm.s32 $0x600;
	[sflag:s28] =	ssyncset.done $0x0  }
.LBB2_2:
0x46: {  	p0 =	sne.s32 s30, $0x9C00  }
0x47: {  	[sflag:s28] =	ssyncadd.s32 $0xFFFFE000;
	s31 =	smov.u32 s30;
	s30 =	sadd.s32 $0x600, s30  }
0x48: {  	_ = 	snop  }
0x49: {  	_ =	swait.ge [sflag:s21], $0x2000  }
0x4a: {  	s31 =	sshra.s32 s31, $0x2;
	[sflag:s21] =	ssyncset.done $0x0  }
0x4b: {  	s0 =	sadd.s32 $0x100, s31;
	[sflag:s21] =	ssyncadd.s32 $0xFFFFE000  }
0x4c: {  	[tilespmem:s22], [sflag:$0x3] =	stream.indirect.gather [spmem:s2], $0x40, s0, s18, $0xb8;
	[tilespmem:$0x1F200] =	vst v63  }
0x4d: {  	s0 =	sadd.s32 $0x2980, s31  }
0x4e: {  	[spmem:s3] =	stream.indirect.scatter.add.f32 [tilespmem:s19], [sflag:$0x4], $0x40, s0, s18, $0xb8;
	[tilespmem:$0x1F200] =	vst v63  }
0x4f: {  	_ =	swait.ge [sflag:s23], $0x2000  }
0x50: {  	[sflag:s23] =	ssyncset.done $0x0  }
0x51: {  	[sflag:s23] =	ssyncadd.s32 $0xFFFFE000  }
0x52: {  	_ =	swait.ge [sflag:s24], $0x2000  }
0x53: {  	[sflag:s24] =	ssyncset.done $0x0  }
0x54: {  	s0 =	sadd.s32 $0x180, s31;
	[sflag:s24] =	ssyncadd.s32 $0xFFFFE000  }
0x55: {  	[tilespmem:s19], [sflag:$0x1] =	stream.indirect.gather [spmem:s2], $0x40, s0, s18, $0xb8;
	[tilespmem:$0x1F200] =	vst v63  }
0x56: {  	s0 =	sadd.s32 $0x2A00, s31  }
0x57: {  	[spmem:s3] =	stream.indirect.scatter.add.f32 [tilespmem:s20], [sflag:$0x5], $0x40, s0, s18, $0xb8;
	[tilespmem:$0x1F200] =	vst v63  }
0x58: {  	_ =	swait.ge [sflag:s25], $0x2000  }
0x59: {  	[sflag:s25] =	ssyncset.done $0x0  }
0x5a: {  	[sflag:s25] =	ssyncadd.s32 $0xFFFFE000  }
0x5b: {  	_ =	swait.ge [sflag:s26], $0x2000  }
0x5c: {  	[sflag:s26] =	ssyncset.done $0x0  }
0x5d: {  	s0 =	sadd.s32 $0x200, s31;
	[sflag:s26] =	ssyncadd.s32 $0xFFFFE000  }
0x5e: {  	[tilespmem:s20], [sflag:$0x2] =	stream.indirect.gather [spmem:s2], $0x40, s0, s18, $0xb8;
	[tilespmem:$0x1F200] =	vst v63  }
.Ltmp0:
0x5f: {  	_ = 	snop;
	(pc) =	sbr.rel @p0 .LBB2_2-.Ltmp0, $4  }
0x60: {  	s0 =	sadd.s32 $0x2A80, s31  }
0x61: {  	[spmem:s3] =	stream.indirect.scatter.add.f32 [tilespmem:s22], [sflag:$0x6], $0x40, s0, s18, $0xb8;
	[tilespmem:$0x1F200] =	vst v63  }
0x62: {  	_ =	swait.ge [sflag:s28], $0x2000  }
0x63: {  	[sflag:s28] =	ssyncset.done $0x0  }
0x64: {  	[sflag:s28] =	ssyncadd.s32 $0xFFFFE000  }
0x65: {  	_ =	swait.ge [sflag:s21], $0x2000  }
0x66: {  	[sflag:s21] =	ssyncset.done $0x0  }
0x67: {  	[sflag:s21] =	ssyncadd.s32 $0xFFFFE000  }
0x68: {  	_ =	swait.ge [sflag:s24], $0x2000  }
0x69: {  	s29 =	sadd.s32 $0x1, s29;
	[sflag:s24] =	ssyncset.done $0x0  }
0x6a: {  	p0 =	sne.s32 s29, s10;
	[sflag:s24] =	ssyncadd.s32 $0xFFFFE000  }
.Ltmp1:
0x6b: {  	[bflag:$0x0] =	sbarrier.arrive $0xFFFF;
	(pc) =	sbr.rel @p0 .LBB2_1-.Ltmp1, $4  }
0x6c: {  	[hbm:s11], [sflag:s15] =	dma.local [spmem:s17], $0x1400  }
0x6d: {  	_ =	swait.ge [sflag:s12], $0x1400  }
0x6e: {  	[sflag:s12] =	ssyncset.done $0x0  }
0x6f: {  	[sflag:s12] =	ssyncadd.s32 $0xFFFFEC00  }
0x70: {  	_ =	sfence.sel $0x180000  }
0x71: {  	[bflag:$0x0] =	sbarrier.arrive $0xFFFF  }
0x72: {  	_ =	strace $0x90000047  }
0x73: {  	[bflag:$0x2] =	sbarrier.arrive $0xFFFF  }
0x74: {  	p0 =	sne.s32 s1, $0x0;
	s0 =	rddreg [dreg:$0x3]  }
0x75: {  	s0 =	sadd.s32 @!p0 $0x100000, s0  }
0x76: {  	[sflag:s0] =	ssyncadd.tile.s32 @!p0 $0x1;
	_ =	shalt  }
.Lfunc_end2:
_tile_overlayer_lowered:
.L_overlay_start_2:
0x77: {  	(tag) =	ssettag $0x2  }
0x78: {  	s0 =	rddreg [dreg:$0x0];
	s2 =	stileid.u32  }
0x79: {  	s1 =	rddreg [dreg:$0x1];
	p0 =	sne.s32 s2, $0x0  }
0x7a: {  	s3 =	rddreg [dreg:$0x2];
	[bflag:$0x3] =	sbarrier.arrive $0xFFFF;
	s2 =	simm.s32 @!p0 $0x1C07  }
0x7b: {  	[timem:s3], [sflag:s2] =	dma.local @!p0 [hbm:s0], s1  }
0x7c: {  	s0 =	simm.s32 @!p0 $0x7  }
0x7d: {  	_ =	swait.ge @!p0 [sflag:s0], s1  }
0x7e: {  	s1 =	ssub.s32 @!p0 $0x0, s1;
	[sflag:s0] =	ssyncset.done @!p0 $0x0  }
0x7f: {  	[sflag:s0] =	ssyncadd.s32 @!p0 s1  }
0x80: {  	[bflag:$0x3] =	sbarrier.arrive $0xFFFF  }
0x81: {  	_ =	shalt  }

</sc_bundles>
